<compile_context>
chip_gen: v7x
topology: tpu7x:2x2x1
jax: 0.10.2.dev20260603
libtpu: 0.0.44.dev20260713+nightly
codegen_flags: <defaults>
</compile_context>

<pallas_src>
import functools

import jax
import jax.numpy as jnp
from jax import lax
from jax.experimental import pallas as pl
from jax.experimental.pallas import tpu as pltpu
from jax.experimental.pallas import tpu_sc as plsc

DIM = 32
BATCH = 16384
NROWS = 1000000
NC = 2
NS = 16
NW = NC * NS
B_PER_W = BATCH // NW
G = 16
N_GROUPS = B_PER_W // G
TAIL = (NROWS // 128) * 128


def _sc_kernel(user_idx_hbm, item_idx_hbm, ut_hbm, it_hbm,
               ut_tail_hbm, it_tail_hbm,
               out_hbm, uidx_v, iidx_v, blk, rows_u, out_v, sem):
    wid = lax.axis_index("s") * NC + lax.axis_index("c")
    base = wid * B_PER_W

    pltpu.sync_copy(user_idx_hbm.at[pl.ds(base, B_PER_W)], uidx_v)
    pltpu.sync_copy(item_idx_hbm.at[pl.ds(base, B_PER_W)], iidx_v)
    pltpu.sync_copy(ut_tail_hbm, blk.at[G])
    pltpu.sync_copy(it_tail_hbm, blk.at[G + 1])

    lane = lax.iota(jnp.int32, G)

    def fetch_blocks(table_hbm, idx16, tail_slot):
        is_tail = idx16 >= TAIL
        off_vec = jnp.where(is_tail, 0, (idx16 >> 7) * 128)
        col_vec = jnp.where(is_tail, idx16 - TAIL, idx16 - off_vec)
        slot_vec = jnp.where(is_tail, tail_slot, lane)
        copies = []
        for l in range(G):
            o = pl.multiple_of(off_vec[l], 128)
            copies.append(pltpu.async_copy(
                table_hbm.at[:, pl.ds(o, 128)], blk.at[l], sem))
        for cp in copies:
            cp.wait()
        return slot_vec, col_vec

    def group_body(g, carry):
        uidx16 = uidx_v[pl.ds(g * G, G)]
        iidx16 = iidx_v[pl.ds(g * G, G)]

        uslot, ucol = fetch_blocks(ut_hbm, uidx16, G)
        for j in range(DIM):
            js = jnp.full((G,), j, jnp.int32)
            gj = plsc.load_gather(blk, [uslot, js, ucol])
            plsc.store_scatter(rows_u, [lane, js], gj)

        islot, icol = fetch_blocks(it_hbm, iidx16, G + 1)
        acc = jnp.zeros((G,), jnp.float32)
        for j in range(DIM):
            js = jnp.full((G,), j, jnp.int32)
            gi = plsc.load_gather(blk, [islot, js, icol])
            gu = plsc.load_gather(rows_u, [lane, js])
            acc = acc + gu * gi
        out_v[pl.ds(g * G, G)] = acc
        return carry

    lax.fori_loop(0, N_GROUPS, group_body, 0)

    pltpu.sync_copy(out_v, out_hbm.at[pl.ds(base, B_PER_W)])


def _pad_tail(table):
    return jnp.swapaxes(jnp.pad(table[TAIL:], ((0, 128 - (NROWS - TAIL)), (0, 0))), 0, 1)


@jax.jit
def _run(user_idx, item_idx, user_table, item_table):
    ut = jnp.swapaxes(user_table, 0, 1)
    it = jnp.swapaxes(item_table, 0, 1)
    mesh = plsc.VectorSubcoreMesh(
        core_axis_name="c", subcore_axis_name="s",
        num_cores=NC, num_subcores=NS)
    kern = functools.partial(
        pl.kernel,
        out_type=jax.ShapeDtypeStruct((BATCH,), jnp.float32),
        mesh=mesh,
        scratch_types=[
            pltpu.VMEM((B_PER_W,), jnp.int32),
            pltpu.VMEM((B_PER_W,), jnp.int32),
            pltpu.VMEM((G + 2, DIM, 128), jnp.float32),
            pltpu.VMEM((G, DIM), jnp.float32),
            pltpu.VMEM((B_PER_W,), jnp.float32),
            pltpu.SemaphoreType.DMA,
        ],
        compiler_params=pltpu.CompilerParams(
            needs_layout_passes=False, use_tc_tiling_on_sc=True),
    )(_sc_kernel)
    return kern(user_idx, item_idx, ut, it,
                _pad_tail(user_table), _pad_tail(item_table))


def kernel(user_idx, item_idx, user_table, item_table):
    return _run(user_idx.astype(jnp.int32), item_idx.astype(jnp.int32),
                user_table, item_table)

# --- scband reference (transcript-rebuilt; emitter-appended) ---
"""Pipeline reference for scband-matrix-factorization-58944131171003 (READ-ONLY COPY).

The authoritative reference and input builder live on the scoring server;
editing this copy changes nothing except your own understanding.
"""

import jax, jax.numpy as jnp
import numpy as np

NUM_USERS = 1000000
NUM_ITEMS = 1000000
DIM = 32
BATCH = 16384


def setup_inputs(seed: int = 0) -> dict:
    key = jax.random.key(seed)
    k1, k2, k3, k4 = jax.random.split(key, 4)
    user_idx = jax.random.randint(k1, (BATCH,), 0, NUM_USERS, dtype=jnp.int64 if jax.config.jax_enable_x64 else jnp.int32)
    item_idx = jax.random.randint(k2, (BATCH,), 0, NUM_ITEMS, dtype=jnp.int64 if jax.config.jax_enable_x64 else jnp.int32)
    user_table = jax.random.normal(k3, (NUM_USERS, DIM), dtype=jnp.float32) * 0.02
    item_table = jax.random.normal(k4, (NUM_ITEMS, DIM), dtype=jnp.float32) * 0.02
    return {"user_idx": user_idx, "item_idx": item_idx, "user_table": user_table, "item_table": item_table}


def reference(user_idx, item_idx, user_table, item_table):
    # Embedding lookup (gather) for users and items
    u = jnp.take(user_table, user_idx, axis=0)  # [B, DIM]
    v = jnp.take(item_table, item_idx, axis=0)  # [B, DIM]
    scores = jnp.sum(u * v, axis=-1)  # [B]
    return scores

if __name__ == "__main__":
    import jax
    _d = setup_inputs()
    print(jax.jit(kernel)(*tuple(_d.values())))

</pallas_src>

<mosaic_0001>
#map = affine_map<(d0, d1) -> (0)>
#map1 = affine_map<(d0, d1) -> (0, 0)>
module attributes {stable_mosaic.version = 14 : i64} {
  func.func @_sc_kernel(%arg0: i32, %arg1: i32, %arg2: memref<16384xi32, #tpu.memory_space<hbm>>, %arg3: memref<16384xi32, #tpu.memory_space<hbm>>, %arg4: memref<32x1000000xf32, #tpu.memory_space<hbm>>, %arg5: memref<32x1000000xf32, #tpu.memory_space<hbm>>, %arg6: memref<32x128xf32, #tpu.memory_space<hbm>>, %arg7: memref<32x128xf32, #tpu.memory_space<hbm>>, %arg8: memref<16384xf32, #tpu.memory_space<hbm>>, %arg9: memref<512xi32, #tpu.memory_space<vmem>>, %arg10: memref<512xi32, #tpu.memory_space<vmem>>, %arg11: memref<18x32x128xf32, #tpu.memory_space<vmem>>, %arg12: memref<16x32xf32, #tpu.memory_space<vmem>>, %arg13: memref<512xf32, #tpu.memory_space<vmem>>, %arg14: memref<!tpu.dma_semaphore, #tpu.memory_space<semaphore_mem>>) attributes {dimension_semantics = [#tpu.dimension_semantics<core_parallel>, #tpu.dimension_semantics<subcore_parallel>], iteration_bounds = array<i64: 2, 16>, scalar_prefetch = 0 : i64, scratch_operands = 6 : i64, tpu.core_type = #tpu.core_type<sc_vector_subcore>, window_params = [{transform_indices = #map}, {transform_indices = #map}, {transform_indices = #map1}, {transform_indices = #map1}, {transform_indices = #map1}, {transform_indices = #map1}, {transform_indices = #map}]} {
    %mul3A = arith.constant 2 : i32
    %mul3A_0 = arith.muli %arg1, %mul3A : i32
    %add3A = arith.addi %mul3A_0, %arg0 : i32
    %mul3A_1 = arith.constant 512 : i32
    %mul3A_2 = arith.muli %add3A, %mul3A_1 : i32
    "tpu.region"() ({
      %run_scoped3A_9 = tpu.sem_alloc : memref<!tpu.dma_semaphore, #tpu.memory_space<semaphore_mem>>
      %dma_start3A = tpu.memref_slice %arg2[%mul3A_2] : memref<16384xi32, #tpu.memory_space<hbm>> -> memref<512xi32, #tpu.memory_space<hbm>>
      %dma_start3A_10 = tpu.memref_slice %arg2[%mul3A_2] : memref<16384xi32, #tpu.memory_space<hbm>> -> memref<512xi32, #tpu.memory_space<hbm>>
      tpu.enqueue_dma source(%dma_start3A_10 : memref<512xi32, #tpu.memory_space<hbm>>) target(%arg9 : memref<512xi32, #tpu.memory_space<vmem>>) target_semaphore(%run_scoped3A_9 : memref<!tpu.dma_semaphore, #tpu.memory_space<semaphore_mem>>)
      %dma_wait3A = tpu.memref_slice %arg2[%mul3A_2] : memref<16384xi32, #tpu.memory_space<hbm>> -> memref<512xi32, #tpu.memory_space<hbm>>
      %dma_wait3A_11 = tpu.memref_slice %arg2[%mul3A_2] : memref<16384xi32, #tpu.memory_space<hbm>> -> memref<512xi32, #tpu.memory_space<hbm>>
      tpu.wait_dma2 semaphore(%run_scoped3A_9 : memref<!tpu.dma_semaphore, #tpu.memory_space<semaphore_mem>>) src(%dma_wait3A_11 : memref<512xi32, #tpu.memory_space<hbm>>) dst(%arg9 : memref<512xi32, #tpu.memory_space<vmem>>)
      tpu.yield
    }) : () -> ()
    "tpu.region"() ({
      %run_scoped3A_9 = tpu.sem_alloc : memref<!tpu.dma_semaphore, #tpu.memory_space<semaphore_mem>>
      %dma_start3A = tpu.memref_slice %arg3[%mul3A_2] : memref<16384xi32, #tpu.memory_space<hbm>> -> memref<512xi32, #tpu.memory_space<hbm>>
      %dma_start3A_10 = tpu.memref_slice %arg3[%mul3A_2] : memref<16384xi32, #tpu.memory_space<hbm>> -> memref<512xi32, #tpu.memory_space<hbm>>
      tpu.enqueue_dma source(%dma_start3A_10 : memref<512xi32, #tpu.memory_space<hbm>>) target(%arg10 : memref<512xi32, #tpu.memory_space<vmem>>) target_semaphore(%run_scoped3A_9 : memref<!tpu.dma_semaphore, #tpu.memory_space<semaphore_mem>>)
      %dma_wait3A = tpu.memref_slice %arg3[%mul3A_2] : memref<16384xi32, #tpu.memory_space<hbm>> -> memref<512xi32, #tpu.memory_space<hbm>>
      %dma_wait3A_11 = tpu.memref_slice %arg3[%mul3A_2] : memref<16384xi32, #tpu.memory_space<hbm>> -> memref<512xi32, #tpu.memory_space<hbm>>
      tpu.wait_dma2 semaphore(%run_scoped3A_9 : memref<!tpu.dma_semaphore, #tpu.memory_space<semaphore_mem>>) src(%dma_wait3A_11 : memref<512xi32, #tpu.memory_space<hbm>>) dst(%arg10 : memref<512xi32, #tpu.memory_space<vmem>>)
      tpu.yield
    }) : () -> ()
    %run_scoped3A = arith.constant 16 : i32
    "tpu.region"() ({
      %run_scoped3A_9 = tpu.sem_alloc : memref<!tpu.dma_semaphore, #tpu.memory_space<semaphore_mem>>
      %dma_start3A = arith.constant 0 : i32
      %dma_start3A_10 = arith.constant 0 : i32
      %dma_start3A_11 = tpu.memref_slice %arg11[%run_scoped3A, %dma_start3A, %dma_start3A_10] : memref<18x32x128xf32, #tpu.memory_space<vmem>> -> memref<1x32x128xf32, #tpu.memory_space<vmem>>
      %dma_start3A_12 = tpu.memref_squeeze %dma_start3A_11 : memref<1x32x128xf32, #tpu.memory_space<vmem>> -> memref<32x128xf32, #tpu.memory_space<vmem>>
      %dma_start3A_13 = arith.constant 0 : i32
      %dma_start3A_14 = arith.constant 0 : i32
      %dma_start3A_15 = tpu.memref_slice %arg11[%run_scoped3A, %dma_start3A_13, %dma_start3A_14] : memref<18x32x128xf32, #tpu.memory_space<vmem>> -> memref<1x32x128xf32, #tpu.memory_space<vmem>>
      %dma_start3A_16 = tpu.memref_squeeze %dma_start3A_15 : memref<1x32x128xf32, #tpu.memory_space<vmem>> -> memref<32x128xf32, #tpu.memory_space<vmem>>
      tpu.enqueue_dma source(%arg6 : memref<32x128xf32, #tpu.memory_space<hbm>>) target(%dma_start3A_16 : memref<32x128xf32, #tpu.memory_space<vmem>>) target_semaphore(%run_scoped3A_9 : memref<!tpu.dma_semaphore, #tpu.memory_space<semaphore_mem>>)
      %dma_wait3A = arith.constant 0 : i32
      %dma_wait3A_17 = arith.constant 0 : i32
      %dma_wait3A_18 = tpu.memref_slice %arg11[%run_scoped3A, %dma_wait3A, %dma_wait3A_17] : memref<18x32x128xf32, #tpu.memory_space<vmem>> -> memref<1x32x128xf32, #tpu.memory_space<vmem>>
      %dma_wait3A_19 = tpu.memref_squeeze %dma_wait3A_18 : memref<1x32x128xf32, #tpu.memory_space<vmem>> -> memref<32x128xf32, #tpu.memory_space<vmem>>
      %dma_wait3A_20 = arith.constant 0 : i32
      %dma_wait3A_21 = arith.constant 0 : i32
      %dma_wait3A_22 = tpu.memref_slice %arg11[%run_scoped3A, %dma_wait3A_20, %dma_wait3A_21] : memref<18x32x128xf32, #tpu.memory_space<vmem>> -> memref<1x32x128xf32, #tpu.memory_space<vmem>>
      %dma_wait3A_23 = tpu.memref_squeeze %dma_wait3A_22 : memref<1x32x128xf32, #tpu.memory_space<vmem>> -> memref<32x128xf32, #tpu.memory_space<vmem>>
      tpu.wait_dma2 semaphore(%run_scoped3A_9 : memref<!tpu.dma_semaphore, #tpu.memory_space<semaphore_mem>>) src(%arg6 : memref<32x128xf32, #tpu.memory_space<hbm>>) dst(%dma_wait3A_23 : memref<32x128xf32, #tpu.memory_space<vmem>>)
      tpu.yield
    }) : () -> ()
    %run_scoped3A_3 = arith.constant 17 : i32
    "tpu.region"() ({
      %run_scoped3A_9 = tpu.sem_alloc : memref<!tpu.dma_semaphore, #tpu.memory_space<semaphore_mem>>
      %dma_start3A = arith.constant 0 : i32
      %dma_start3A_10 = arith.constant 0 : i32
      %dma_start3A_11 = tpu.memref_slice %arg11[%run_scoped3A_3, %dma_start3A, %dma_start3A_10] : memref<18x32x128xf32, #tpu.memory_space<vmem>> -> memref<1x32x128xf32, #tpu.memory_space<vmem>>
      %dma_start3A_12 = tpu.memref_squeeze %dma_start3A_11 : memref<1x32x128xf32, #tpu.memory_space<vmem>> -> memref<32x128xf32, #tpu.memory_space<vmem>>
      %dma_start3A_13 = arith.constant 0 : i32
      %dma_start3A_14 = arith.constant 0 : i32
      %dma_start3A_15 = tpu.memref_slice %arg11[%run_scoped3A_3, %dma_start3A_13, %dma_start3A_14] : memref<18x32x128xf32, #tpu.memory_space<vmem>> -> memref<1x32x128xf32, #tpu.memory_space<vmem>>
      %dma_start3A_16 = tpu.memref_squeeze %dma_start3A_15 : memref<1x32x128xf32, #tpu.memory_space<vmem>> -> memref<32x128xf32, #tpu.memory_space<vmem>>
      tpu.enqueue_dma source(%arg7 : memref<32x128xf32, #tpu.memory_space<hbm>>) target(%dma_start3A_16 : memref<32x128xf32, #tpu.memory_space<vmem>>) target_semaphore(%run_scoped3A_9 : memref<!tpu.dma_semaphore, #tpu.memory_space<semaphore_mem>>)
      %dma_wait3A = arith.constant 0 : i32
      %dma_wait3A_17 = arith.constant 0 : i32
      %dma_wait3A_18 = tpu.memref_slice %arg11[%run_scoped3A_3, %dma_wait3A, %dma_wait3A_17] : memref<18x32x128xf32, #tpu.memory_space<vmem>> -> memref<1x32x128xf32, #tpu.memory_space<vmem>>
      %dma_wait3A_19 = tpu.memref_squeeze %dma_wait3A_18 : memref<1x32x128xf32, #tpu.memory_space<vmem>> -> memref<32x128xf32, #tpu.memory_space<vmem>>
      %dma_wait3A_20 = arith.constant 0 : i32
      %dma_wait3A_21 = arith.constant 0 : i32
      %dma_wait3A_22 = tpu.memref_slice %arg11[%run_scoped3A_3, %dma_wait3A_20, %dma_wait3A_21] : memref<18x32x128xf32, #tpu.memory_space<vmem>> -> memref<1x32x128xf32, #tpu.memory_space<vmem>>
      %dma_wait3A_23 = tpu.memref_squeeze %dma_wait3A_22 : memref<1x32x128xf32, #tpu.memory_space<vmem>> -> memref<32x128xf32, #tpu.memory_space<vmem>>
      tpu.wait_dma2 semaphore(%run_scoped3A_9 : memref<!tpu.dma_semaphore, #tpu.memory_space<semaphore_mem>>) src(%arg7 : memref<32x128xf32, #tpu.memory_space<hbm>>) dst(%dma_wait3A_23 : memref<32x128xf32, #tpu.memory_space<vmem>>)
      tpu.yield
    }) : () -> ()
    %iota3A = tpu.iota {dimensions = array<i32: 0>} : vector<16xi32>
    %scan3A = arith.constant 0 : i32
    %scan3A_4 = arith.constant 0 : i32
    %scan3A_5 = arith.constant 32 : i32
    %scan3A_6 = arith.addi %scan3A_4, %scan3A_5 : i32
    %scan3A_7 = arith.constant 1 : i32
    scf.for %scan3A_9 = %scan3A_4 to %scan3A_6 step %scan3A_7  : i32 {
      %mul3A_10 = arith.constant 16 : i32
      %mul3A_11 = arith.muli %scan3A_9, %mul3A_10 : i32
      %get3A = arith.index_cast %mul3A_11 : i32 to index
      %get3A_12 = tpu.vector_load %arg9[%get3A] {strides = array<i32>} : memref<512xi32, #tpu.memory_space<vmem>>, vector<16xi32>,
      %mul3A_13 = arith.constant 16 : i32
      %mul3A_14 = arith.muli %scan3A_9, %mul3A_13 : i32
      %get3A_15 = arith.index_cast %mul3A_14 : i32 to index
      %get3A_16 = tpu.vector_load %arg10[%get3A_15] {strides = array<i32>} : memref<512xi32, #tpu.memory_space<vmem>>, vector<16xi32>,
      %ge3A = arith.constant 999936 : i32
      %ge3A_17 = vector.broadcast %ge3A : i32 to vector<16xi32>
      %ge3A_18 = arith.cmpi sge, %get3A_12, %ge3A_17 : vector<16xi32>
      %shift_right_arithmetic3A = arith.constant 7 : i32
      %shift_right_arithmetic3A_19 = vector.broadcast %shift_right_arithmetic3A : i32 to vector<16xi32>
      %shift_right_arithmetic3A_20 = arith.shrsi %get3A_12, %shift_right_arithmetic3A_19 : vector<16xi32>
      %mul3A_21 = arith.constant 128 : i32
      %mul3A_22 = vector.broadcast %mul3A_21 : i32 to vector<16xi32>
      %mul3A_23 = arith.muli %shift_right_arithmetic3A_20, %mul3A_22 : vector<16xi32>
      %jit3A = arith.constant 0 : i32
      %broadcast_in_dim3A = vector.broadcast %jit3A : i32 to vector<16xi32>
      %select_n3A = arith.select %ge3A_18, %broadcast_in_dim3A, %mul3A_23 : vector<16xi1>, vector<16xi32>
      %sub3A = arith.constant 999936 : i32
      %sub3A_24 = vector.broadcast %sub3A : i32 to vector<16xi32>
      %sub3A_25 = arith.subi %get3A_12, %sub3A_24 : vector<16xi32>
      %sub3A_26 = arith.subi %get3A_12, %select_n3A : vector<16xi32>
      %select_n3A_27 = arith.select %ge3A_18, %sub3A_25, %sub3A_26 : vector<16xi1>, vector<16xi32>
      %jit3A_28 = arith.constant 16 : i32
      %broadcast_in_dim3A_29 = vector.broadcast %jit3A_28 : i32 to vector<16xi32>
      %select_n3A_30 = arith.select %ge3A_18, %broadcast_in_dim3A_29, %iota3A : vector<16xi1>, vector<16xi32>
      %slice3A = vector.extract_strided_slice %select_n3A {offsets = [0], sizes = [1], strides = [1]} : vector<16xi32> to vector<1xi32>
      %squeeze3A = vector.extract %slice3A[0] : i32 from vector<1xi32>
      %multiple_of3A = tpu.assume_multiple %squeeze3A, 128 : i32
      %dma_start3A = arith.constant 0 : i32
      %dma_start3A_31 = arith.constant 0 : i32
      %dma_start3A_32 = arith.constant 0 : i32
      %dma_start3A_33 = tpu.memref_slice %arg11[%dma_start3A, %dma_start3A_31, %dma_start3A_32] : memref<18x32x128xf32, #tpu.memory_space<vmem>> -> memref<1x32x128xf32, #tpu.memory_space<vmem>>
      %dma_start3A_34 = tpu.memref_squeeze %dma_start3A_33 : memref<1x32x128xf32, #tpu.memory_space<vmem>> -> memref<32x128xf32, #tpu.memory_space<vmem>>
      %dma_start3A_35 = arith.constant 0 : i32
      %dma_start3A_36 = tpu.memref_slice %arg4[%dma_start3A_35, %multiple_of3A] : memref<32x1000000xf32, #tpu.memory_space<hbm>> -> memref<32x128xf32, #tpu.memory_space<hbm>>
      %dma_start3A_37 = arith.constant 0 : i32
      %dma_start3A_38 = arith.constant 0 : i32
      %dma_start3A_39 = tpu.memref_slice %arg11[%dma_start3A, %dma_start3A_37, %dma_start3A_38] : memref<18x32x128xf32, #tpu.memory_space<vmem>> -> memref<1x32x128xf32, #tpu.memory_space<vmem>>
      %dma_start3A_40 = tpu.memref_squeeze %dma_start3A_39 : memref<1x32x128xf32, #tpu.memory_space<vmem>> -> memref<32x128xf32, #tpu.memory_space<vmem>>
      %dma_start3A_41 = arith.constant 0 : i32
      %dma_start3A_42 = tpu.memref_slice %arg4[%dma_start3A_41, %multiple_of3A] : memref<32x1000000xf32, #tpu.memory_space<hbm>> -> memref<32x128xf32, #tpu.memory_space<hbm>>
      tpu.enqueue_dma source(%dma_start3A_42 : memref<32x128xf32, #tpu.memory_space<hbm>>) target(%dma_start3A_40 : memref<32x128xf32, #tpu.memory_space<vmem>>) target_semaphore(%arg14 : memref<!tpu.dma_semaphore, #tpu.memory_space<semaphore_mem>>)
      %slice3A_43 = vector.extract_strided_slice %select_n3A {offsets = [1], sizes = [1], strides = [1]} : vector<16xi32> to vector<1xi32>
      %squeeze3A_44 = vector.extract %slice3A_43[0] : i32 from vector<1xi32>
      %multiple_of3A_45 = tpu.assume_multiple %squeeze3A_44, 128 : i32
      %dma_start3A_46 = arith.constant 1 : i32
      %dma_start3A_47 = arith.constant 0 : i32
      %dma_start3A_48 = arith.constant 0 : i32
      %dma_start3A_49 = tpu.memref_slice %arg11[%dma_start3A_46, %dma_start3A_47, %dma_start3A_48] : memref<18x32x128xf32, #tpu.memory_space<vmem>> -> memref<1x32x128xf32, #tpu.memory_space<vmem>>
      %dma_start3A_50 = tpu.memref_squeeze %dma_start3A_49 : memref<1x32x128xf32, #tpu.memory_space<vmem>> -> memref<32x128xf32, #tpu.memory_space<vmem>>
      %dma_start3A_51 = arith.constant 0 : i32
      %dma_start3A_52 = tpu.memref_slice %arg4[%dma_start3A_51, %multiple_of3A_45] : memref<32x1000000xf32, #tpu.memory_space<hbm>> -> memref<32x128xf32, #tpu.memory_space<hbm>>
      %dma_start3A_53 = arith.constant 0 : i32
      %dma_start3A_54 = arith.constant 0 : i32
      %dma_start3A_55 = tpu.memref_slice %arg11[%dma_start3A_46, %dma_start3A_53, %dma_start3A_54] : memref<18x32x128xf32, #tpu.memory_space<vmem>> -> memref<1x32x128xf32, #tpu.memory_space<vmem>>
      %dma_start3A_56 = tpu.memref_squeeze %dma_start3A_55 : memref<1x32x128xf32, #tpu.memory_space<vmem>> -> memref<32x128xf32, #tpu.memory_space<vmem>>
      %dma_start3A_57 = arith.constant 0 : i32
      %dma_start3A_58 = tpu.memref_slice %arg4[%dma_start3A_57, %multiple_of3A_45] : memref<32x1000000xf32, #tpu.memory_space<hbm>> -> memref<32x128xf32, #tpu.memory_space<hbm>>
      tpu.enqueue_dma source(%dma_start3A_58 : memref<32x128xf32, #tpu.memory_space<hbm>>) target(%dma_start3A_56 : memref<32x128xf32, #tpu.memory_space<vmem>>) target_semaphore(%arg14 : memref<!tpu.dma_semaphore, #tpu.memory_space<semaphore_mem>>)
      %slice3A_59 = vector.extract_strided_slice %select_n3A {offsets = [2], sizes = [1], strides = [1]} : vector<16xi32> to vector<1xi32>
      %squeeze3A_60 = vector.extract %slice3A_59[0] : i32 from vector<1xi32>
      %multiple_of3A_61 = tpu.assume_multiple %squeeze3A_60, 128 : i32
      %dma_start3A_62 = arith.constant 2 : i32
      %dma_start3A_63 = arith.constant 0 : i32
      %dma_start3A_64 = arith.constant 0 : i32
      %dma_start3A_65 = tpu.memref_slice %arg11[%dma_start3A_62, %dma_start3A_63, %dma_start3A_64] : memref<18x32x128xf32, #tpu.memory_space<vmem>> -> memref<1x32x128xf32, #tpu.memory_space<vmem>>
      %dma_start3A_66 = tpu.memref_squeeze %dma_start3A_65 : memref<1x32x128xf32, #tpu.memory_space<vmem>> -> memref<32x128xf32, #tpu.memory_space<vmem>>
      %dma_start3A_67 = arith.constant 0 : i32
      %dma_start3A_68 = tpu.memref_slice %arg4[%dma_start3A_67, %multiple_of3A_61] : memref<32x1000000xf32, #tpu.memory_space<hbm>> -> memref<32x128xf32, #tpu.memory_space<hbm>>
      %dma_start3A_69 = arith.constant 0 : i32
      %dma_start3A_70 = arith.constant 0 : i32
      %dma_start3A_71 = tpu.memref_slice %arg11[%dma_start3A_62, %dma_start3A_69, %dma_start3A_70] : memref<18x32x128xf32, #tpu.memory_space<vmem>> -> memref<1x32x128xf32, #tpu.memory_space<vmem>>
      %dma_start3A_72 = tpu.memref_squeeze %dma_start3A_71 : memref<1x32x128xf32, #tpu.memory_space<vmem>> -> memref<32x128xf32, #tpu.memory_space<vmem>>
      %dma_start3A_73 = arith.constant 0 : i32
      %dma_start3A_74 = tpu.memref_slice %arg4[%dma_start3A_73, %multiple_of3A_61] : memref<32x1000000xf32, #tpu.memory_space<hbm>> -> memref<32x128xf32, #tpu.memory_space<hbm>>
      tpu.enqueue_dma source(%dma_start3A_74 : memref<32x128xf32, #tpu.memory_space<hbm>>) target(%dma_start3A_72 : memref<32x128xf32, #tpu.memory_space<vmem>>) target_semaphore(%arg14 : memref<!tpu.dma_semaphore, #tpu.memory_space<semaphore_mem>>)
      %slice3A_75 = vector.extract_strided_slice %select_n3A {offsets = [3], sizes = [1], strides = [1]} : vector<16xi32> to vector<1xi32>
      %squeeze3A_76 = vector.extract %slice3A_75[0] : i32 from vector<1xi32>
      %multiple_of3A_77 = tpu.assume_multiple %squeeze3A_76, 128 : i32
      %dma_start3A_78 = arith.constant 3 : i32
      %dma_start3A_79 = arith.constant 0 : i32
      %dma_start3A_80 = arith.constant 0 : i32
      %dma_start3A_81 = tpu.memref_slice %arg11[%dma_start3A_78, %dma_start3A_79, %dma_start3A_80] : memref<18x32x128xf32, #tpu.memory_space<vmem>> -> memref<1x32x128xf32, #tpu.memory_space<vmem>>
      %dma_start3A_82 = tpu.memref_squeeze %dma_start3A_81 : memref<1x32x128xf32, #tpu.memory_space<vmem>> -> memref<32x128xf32, #tpu.memory_space<vmem>>
      %dma_start3A_83 = arith.constant 0 : i32
      %dma_start3A_84 = tpu.memref_slice %arg4[%dma_start3A_83, %multiple_of3A_77] : memref<32x1000000xf32, #tpu.memory_space<hbm>> -> memref<32x128xf32, #tpu.memory_space<hbm>>
      %dma_start3A_85 = arith.constant 0 : i32
      %dma_start3A_86 = arith.constant 0 : i32
      %dma_start3A_87 = tpu.memref_slice %arg11[%dma_start3A_78, %dma_start3A_85, %dma_start3A_86] : memref<18x32x128xf32, #tpu.memory_space<vmem>> -> memref<1x32x128xf32, #tpu.memory_space<vmem>>
      %dma_start3A_88 = tpu.memref_squeeze %dma_start3A_87 : memref<1x32x128xf32, #tpu.memory_space<vmem>> -> memref<32x128xf32, #tpu.memory_space<vmem>>
      %dma_start3A_89 = arith.constant 0 : i32
      %dma_start3A_90 = tpu.memref_slice %arg4[%dma_start3A_89, %multiple_of3A_77] : memref<32x1000000xf32, #tpu.memory_space<hbm>> -> memref<32x128xf32, #tpu.memory_space<hbm>>
      tpu.enqueue_dma source(%dma_start3A_90 : memref<32x128xf32, #tpu.memory_space<hbm>>) target(%dma_start3A_88 : memref<32x128xf32, #tpu.memory_space<vmem>>) target_semaphore(%arg14 : memref<!tpu.dma_semaphore, #tpu.memory_space<semaphore_mem>>)
      %slice3A_91 = vector.extract_strided_slice %select_n3A {offsets = [4], sizes = [1], strides = [1]} : vector<16xi32> to vector<1xi32>
      %squeeze3A_92 = vector.extract %slice3A_91[0] : i32 from vector<1xi32>
      %multiple_of3A_93 = tpu.assume_multiple %squeeze3A_92, 128 : i32
      %dma_start3A_94 = arith.constant 4 : i32
      %dma_start3A_95 = arith.constant 0 : i32
      %dma_start3A_96 = arith.constant 0 : i32
      %dma_start3A_97 = tpu.memref_slice %arg11[%dma_start3A_94, %dma_start3A_95, %dma_start3A_96] : memref<18x32x128xf32, #tpu.memory_space<vmem>> -> memref<1x32x128xf32, #tpu.memory_space<vmem>>
      %dma_start3A_98 = tpu.memref_squeeze %dma_start3A_97 : memref<1x32x128xf32, #tpu.memory_space<vmem>> -> memref<32x128xf32, #tpu.memory_space<vmem>>
      %dma_start3A_99 = arith.constant 0 : i32
      %dma_start3A_100 = tpu.memref_slice %arg4[%dma_start3A_99, %multiple_of3A_93] : memref<32x1000000xf32, #tpu.memory_space<hbm>> -> memref<32x128xf32, #tpu.memory_space<hbm>>
      %dma_start3A_101 = arith.constant 0 : i32
      %dma_start3A_102 = arith.constant 0 : i32
      %dma_start3A_103 = tpu.memref_slice %arg11[%dma_start3A_94, %dma_start3A_101, %dma_start3A_102] : memref<18x32x128xf32, #tpu.memory_space<vmem>> -> memref<1x32x128xf32, #tpu.memory_space<vmem>>
      %dma_start3A_104 = tpu.memref_squeeze %dma_start3A_103 : memref<1x32x128xf32, #tpu.memory_space<vmem>> -> memref<32x128xf32, #tpu.memory_space<vmem>>
      %dma_start3A_105 = arith.constant 0 : i32
      %dma_start3A_106 = tpu.memref_slice %arg4[%dma_start3A_105, %multiple_of3A_93] : memref<32x1000000xf32, #tpu.memory_space<hbm>> -> memref<32x128xf32, #tpu.memory_space<hbm>>
      tpu.enqueue_dma source(%dma_start3A_106 : memref<32x128xf32, #tpu.memory_space<hbm>>) target(%dma_start3A_104 : memref<32x128xf32, #tpu.memory_space<vmem>>) target_semaphore(%arg14 : memref<!tpu.dma_semaphore, #tpu.memory_space<semaphore_mem>>)
      %slice3A_107 = vector.extract_strided_slice %select_n3A {offsets = [5], sizes = [1], strides = [1]} : vector<16xi32> to vector<1xi32>
      %squeeze3A_108 = vector.extract %slice3A_107[0] : i32 from vector<1xi32>
      %multiple_of3A_109 = tpu.assume_multiple %squeeze3A_108, 128 : i32
      %dma_start3A_110 = arith.constant 5 : i32
      %dma_start3A_111 = arith.constant 0 : i32
      %dma_start3A_112 = arith.constant 0 : i32
      %dma_start3A_113 = tpu.memref_slice %arg11[%dma_start3A_110, %dma_start3A_111, %dma_start3A_112] : memref<18x32x128xf32, #tpu.memory_space<vmem>> -> memref<1x32x128xf32, #tpu.memory_space<vmem>>
      %dma_start3A_114 = tpu.memref_squeeze %dma_start3A_113 : memref<1x32x128xf32, #tpu.memory_space<vmem>> -> memref<32x128xf32, #tpu.memory_space<vmem>>
      %dma_start3A_115 = arith.constant 0 : i32
      %dma_start3A_116 = tpu.memref_slice %arg4[%dma_start3A_115, %multiple_of3A_109] : memref<32x1000000xf32, #tpu.memory_space<hbm>> -> memref<32x128xf32, #tpu.memory_space<hbm>>
      %dma_start3A_117 = arith.constant 0 : i32
      %dma_start3A_118 = arith.constant 0 : i32
      %dma_start3A_119 = tpu.memref_slice %arg11[%dma_start3A_110, %dma_start3A_117, %dma_start3A_118] : memref<18x32x128xf32, #tpu.memory_space<vmem>> -> memref<1x32x128xf32, #tpu.memory_space<vmem>>
      %dma_start3A_120 = tpu.memref_squeeze %dma_start3A_119 : memref<1x32x128xf32, #tpu.memory_space<vmem>> -> memref<32x128xf32, #tpu.memory_space<vmem>>
      %dma_start3A_121 = arith.constant 0 : i32
      %dma_start3A_122 = tpu.memref_slice %arg4[%dma_start3A_121, %multiple_of3A_109] : memref<32x1000000xf32, #tpu.memory_space<hbm>> -> memref<32x128xf32, #tpu.memory_space<hbm>>
      tpu.enqueue_dma source(%dma_start3A_122 : memref<32x128xf32, #tpu.memory_space<hbm>>) target(%dma_start3A_120 : memref<32x128xf32, #tpu.memory_space<vmem>>) target_semaphore(%arg14 : memref<!tpu.dma_semaphore, #tpu.memory_space<semaphore_mem>>)
      %slice3A_123 = vector.extract_strided_slice %select_n3A {offsets = [6], sizes = [1], strides = [1]} : vector<16xi32> to vector<1xi32>
      %squeeze3A_124 = vector.extract %slice3A_123[0] : i32 from vector<1xi32>
      %multiple_of3A_125 = tpu.assume_multiple %squeeze3A_124, 128 : i32
      %dma_start3A_126 = arith.constant 6 : i32
      %dma_start3A_127 = arith.constant 0 : i32
      %dma_start3A_128 = arith.constant 0 : i32
      %dma_start3A_129 = tpu.memref_slice %arg11[%dma_start3A_126, %dma_start3A_127, %dma_start3A_128] : memref<18x32x128xf32, #tpu.memory_space<vmem>> -> memref<1x32x128xf32, #tpu.memory_space<vmem>>
      %dma_start3A_130 = tpu.memref_squeeze %dma_start3A_129 : memref<1x32x128xf32, #tpu.memory_space<vmem>> -> memref<32x128xf32, #tpu.memory_space<vmem>>
      %dma_start3A_131 = arith.constant 0 : i32
      %dma_start3A_132 = tpu.memref_slice %arg4[%dma_start3A_131, %multiple_of3A_125] : memref<32x1000000xf32, #tpu.memory_space<hbm>> -> memref<32x128xf32, #tpu.memory_space<hbm>>
      %dma_start3A_133 = arith.constant 0 : i32
      %dma_start3A_134 = arith.constant 0 : i32
      %dma_start3A_135 = tpu.memref_slice %arg11[%dma_start3A_126, %dma_start3A_133, %dma_start3A_134] : memref<18x32x128xf32, #tpu.memory_space<vmem>> -> memref<1x32x128xf32, #tpu.memory_space<vmem>>
      %dma_start3A_136 = tpu.memref_squeeze %dma_start3A_135 : memref<1x32x128xf32, #tpu.memory_space<vmem>> -> memref<32x128xf32, #tpu.memory_space<vmem>>
      %dma_start3A_137 = arith.constant 0 : i32
      %dma_start3A_138 = tpu.memref_slice %arg4[%dma_start3A_137, %multiple_of3A_125] : memref<32x1000000xf32, #tpu.memory_space<hbm>> -> memref<32x128xf32, #tpu.memory_space<hbm>>
      tpu.enqueue_dma source(%dma_start3A_138 : memref<32x128xf32, #tpu.memory_space<hbm>>) target(%dma_start3A_136 : memref<32x128xf32, #tpu.memory_space<vmem>>) target_semaphore(%arg14 : memref<!tpu.dma_semaphore, #tpu.memory_space<semaphore_mem>>)
      %slice3A_139 = vector.extract_strided_slice %select_n3A {offsets = [7], sizes = [1], strides = [1]} : vector<16xi32> to vector<1xi32>
      %squeeze3A_140 = vector.extract %slice3A_139[0] : i32 from vector<1xi32>
      %multiple_of3A_141 = tpu.assume_multiple %squeeze3A_140, 128 : i32
      %dma_start3A_142 = arith.constant 7 : i32
      %dma_start3A_143 = arith.constant 0 : i32
      %dma_start3A_144 = arith.constant 0 : i32
      %dma_start3A_145 = tpu.memref_slice %arg11[%dma_start3A_142, %dma_start3A_143, %dma_start3A_144] : memref<18x32x128xf32, #tpu.memory_space<vmem>> -> memref<1x32x128xf32, #tpu.memory_space<vmem>>
      %dma_start3A_146 = tpu.memref_squeeze %dma_start3A_145 : memref<1x32x128xf32, #tpu.memory_space<vmem>> -> memref<32x128xf32, #tpu.memory_space<vmem>>
      %dma_start3A_147 = arith.constant 0 : i32
      %dma_start3A_148 = tpu.memref_slice %arg4[%dma_start3A_147, %multiple_of3A_141] : memref<32x1000000xf32, #tpu.memory_space<hbm>> -> memref<32x128xf32, #tpu.memory_space<hbm>>
      %dma_start3A_149 = arith.constant 0 : i32
      %dma_start3A_150 = arith.constant 0 : i32
      %dma_start3A_151 = tpu.memref_slice %arg11[%dma_start3A_142, %dma_start3A_149, %dma_start3A_150] : memref<18x32x128xf32, #tpu.memory_space<vmem>> -> memref<1x32x128xf32, #tpu.memory_space<vmem>>
      %dma_start3A_152 = tpu.memref_squeeze %dma_start3A_151 : memref<1x32x128xf32, #tpu.memory_space<vmem>> -> memref<32x128xf32, #tpu.memory_space<vmem>>
      %dma_start3A_153 = arith.constant 0 : i32
      %dma_start3A_154 = tpu.memref_slice %arg4[%dma_start3A_153, %multiple_of3A_141] : memref<32x1000000xf32, #tpu.memory_space<hbm>> -> memref<32x128xf32, #tpu.memory_space<hbm>>
      tpu.enqueue_dma source(%dma_start3A_154 : memref<32x128xf32, #tpu.memory_space<hbm>>) target(%dma_start3A_152 : memref<32x128xf32, #tpu.memory_space<vmem>>) target_semaphore(%arg14 : memref<!tpu.dma_semaphore, #tpu.memory_space<semaphore_mem>>)
      %slice3A_155 = vector.extract_strided_slice %select_n3A {offsets = [8], sizes = [1], strides = [1]} : vector<16xi32> to vector<1xi32>
      %squeeze3A_156 = vector.extract %slice3A_155[0] : i32 from vector<1xi32>
      %multiple_of3A_157 = tpu.assume_multiple %squeeze3A_156, 128 : i32
      %dma_start3A_158 = arith.constant 8 : i32
      %dma_start3A_159 = arith.constant 0 : i32
      %dma_start3A_160 = arith.constant 0 : i32
      %dma_start3A_161 = tpu.memref_slice %arg11[%dma_start3A_158, %dma_start3A_159, %dma_start3A_160] : memref<18x32x128xf32, #tpu.memory_space<vmem>> -> memref<1x32x128xf32, #tpu.memory_space<vmem>>
      %dma_start3A_162 = tpu.memref_squeeze %dma_start3A_161 : memref<1x32x128xf32, #tpu.memory_space<vmem>> -> memref<32x128xf32, #tpu.memory_space<vmem>>
      %dma_start3A_163 = arith.constant 0 : i32
      %dma_start3A_164 = tpu.memref_slice %arg4[%dma_start3A_163, %multiple_of3A_157] : memref<32x1000000xf32, #tpu.memory_space<hbm>> -> memref<32x128xf32, #tpu.memory_space<hbm>>
      %dma_start3A_165 = arith.constant 0 : i32
      %dma_start3A_166 = arith.constant 0 : i32
      %dma_start3A_167 = tpu.memref_slice %arg11[%dma_start3A_158, %dma_start3A_165, %dma_start3A_166] : memref<18x32x128xf32, #tpu.memory_space<vmem>> -> memref<1x32x128xf32, #tpu.memory_space<vmem>>
      %dma_start3A_168 = tpu.memref_squeeze %dma_start3A_167 : memref<1x32x128xf32, #tpu.memory_space<vmem>> -> memref<32x128xf32, #tpu.memory_space<vmem>>
      %dma_start3A_169 = arith.constant 0 : i32
      %dma_start3A_170 = tpu.memref_slice %arg4[%dma_start3A_169, %multiple_of3A_157] : memref<32x1000000xf32, #tpu.memory_space<hbm>> -> memref<32x128xf32, #tpu.memory_space<hbm>>
      tpu.enqueue_dma source(%dma_start3A_170 : memref<32x128xf32, #tpu.memory_space<hbm>>) target(%dma_start3A_168 : memref<32x128xf32, #tpu.memory_space<vmem>>) target_semaphore(%arg14 : memref<!tpu.dma_semaphore, #tpu.memory_space<semaphore_mem>>)
      %slice3A_171 = vector.extract_strided_slice %select_n3A {offsets = [9], sizes = [1], strides = [1]} : vector<16xi32> to vector<1xi32>
      %squeeze3A_172 = vector.extract %slice3A_171[0] : i32 from vector<1xi32>
      %multiple_of3A_173 = tpu.assume_multiple %squeeze3A_172, 128 : i32
      %dma_start3A_174 = arith.constant 9 : i32
      %dma_start3A_175 = arith.constant 0 : i32
      %dma_start3A_176 = arith.constant 0 : i32
      %dma_start3A_177 = tpu.memref_slice %arg11[%dma_start3A_174, %dma_start3A_175, %dma_start3A_176] : memref<18x32x128xf32, #tpu.memory_space<vmem>> -> memref<1x32x128xf32, #tpu.memory_space<vmem>>
      %dma_start3A_178 = tpu.memref_squeeze %dma_start3A_177 : memref<1x32x128xf32, #tpu.memory_space<vmem>> -> memref<32x128xf32, #tpu.memory_space<vmem>>
      %dma_start3A_179 = arith.constant 0 : i32
      %dma_start3A_180 = tpu.memref_slice %arg4[%dma_start3A_179, %multiple_of3A_173] : memref<32x1000000xf32, #tpu.memory_space<hbm>> -> memref<32x128xf32, #tpu.memory_space<hbm>>
      %dma_start3A_181 = arith.constant 0 : i32
      %dma_start3A_182 = arith.constant 0 : i32
      %dma_start3A_183 = tpu.memref_slice %arg11[%dma_start3A_174, %dma_start3A_181, %dma_start3A_182] : memref<18x32x128xf32, #tpu.memory_space<vmem>> -> memref<1x32x128xf32, #tpu.memory_space<vmem>>
      %dma_start3A_184 = tpu.memref_squeeze %dma_start3A_183 : memref<1x32x128xf32, #tpu.memory_space<vmem>> -> memref<32x128xf32, #tpu.memory_space<vmem>>
      %dma_start3A_185 = arith.constant 0 : i32
      %dma_start3A_186 = tpu.memref_slice %arg4[%dma_start3A_185, %multiple_of3A_173] : memref<32x1000000xf32, #tpu.memory_space<hbm>> -> memref<32x128xf32, #tpu.memory_space<hbm>>
      tpu.enqueue_dma source(%dma_start3A_186 : memref<32x128xf32, #tpu.memory_space<hbm>>) target(%dma_start3A_184 : memref<32x128xf32, #tpu.memory_space<vmem>>) target_semaphore(%arg14 : memref<!tpu.dma_semaphore, #tpu.memory_space<semaphore_mem>>)
      %slice3A_187 = vector.extract_strided_slice %select_n3A {offsets = [10], sizes = [1], strides = [1]} : vector<16xi32> to vector<1xi32>
      %squeeze3A_188 = vector.extract %slice3A_187[0] : i32 from vector<1xi32>
      %multiple_of3A_189 = tpu.assume_multiple %squeeze3A_188, 128 : i32
      %dma_start3A_190 = arith.constant 10 : i32
      %dma_start3A_191 = arith.constant 0 : i32
      %dma_start3A_192 = arith.constant 0 : i32
      %dma_start3A_193 = tpu.memref_slice %arg11[%dma_start3A_190, %dma_start3A_191, %dma_start3A_192] : memref<18x32x128xf32, #tpu.memory_space<vmem>> -> memref<1x32x128xf32, #tpu.memory_space<vmem>>
      %dma_start3A_194 = tpu.memref_squeeze %dma_start3A_193 : memref<1x32x128xf32, #tpu.memory_space<vmem>> -> memref<32x128xf32, #tpu.memory_space<vmem>>
      %dma_start3A_195 = arith.constant 0 : i32
      %dma_start3A_196 = tpu.memref_slice %arg4[%dma_start3A_195, %multiple_of3A_189] : memref<32x1000000xf32, #tpu.memory_space<hbm>> -> memref<32x128xf32, #tpu.memory_space<hbm>>
      %dma_start3A_197 = arith.constant 0 : i32
      %dma_start3A_198 = arith.constant 0 : i32
      %dma_start3A_199 = tpu.memref_slice %arg11[%dma_start3A_190, %dma_start3A_197, %dma_start3A_198] : memref<18x32x128xf32, #tpu.memory_space<vmem>> -> memref<1x32x128xf32, #tpu.memory_space<vmem>>
      %dma_start3A_200 = tpu.memref_squeeze %dma_start3A_199 : memref<1x32x128xf32, #tpu.memory_space<vmem>> -> memref<32x128xf32, #tpu.memory_space<vmem>>
      %dma_start3A_201 = arith.constant 0 : i32
      %dma_start3A_202 = tpu.memref_slice %arg4[%dma_start3A_201, %multiple_of3A_189] : memref<32x1000000xf32, #tpu.memory_space<hbm>> -> memref<32x128xf32, #tpu.memory_space<hbm>>
      tpu.enqueue_dma source(%dma_start3A_202 : memref<32x128xf32, #tpu.memory_space<hbm>>) target(%dma_start3A_200 : memref<32x128xf32, #tpu.memory_space<vmem>>) target_semaphore(%arg14 : memref<!tpu.dma_semaphore, #tpu.memory_space<semaphore_mem>>)
      %slice3A_203 = vector.extract_strided_slice %select_n3A {offsets = [11], sizes = [1], strides = [1]} : vector<16xi32> to vector<1xi32>
      %squeeze3A_204 = vector.extract %slice3A_203[0] : i32 from vector<1xi32>
      %multiple_of3A_205 = tpu.assume_multiple %squeeze3A_204, 128 : i32
      %dma_start3A_206 = arith.constant 11 : i32
      %dma_start3A_207 = arith.constant 0 : i32
      %dma_start3A_208 = arith.constant 0 : i32
      %dma_start3A_209 = tpu.memref_slice %arg11[%dma_start3A_206, %dma_start3A_207, %dma_start3A_208] : memref<18x32x128xf32, #tpu.memory_space<vmem>> -> memref<1x32x128xf32, #tpu.memory_space<vmem>>
      %dma_start3A_210 = tpu.memref_squeeze %dma_start3A_209 : memref<1x32x128xf32, #tpu.memory_space<vmem>> -> memref<32x128xf32, #tpu.memory_space<vmem>>
      %dma_start3A_211 = arith.constant 0 : i32
      %dma_start3A_212 = tpu.memref_slice %arg4[%dma_start3A_211, %multiple_of3A_205] : memref<32x1000000xf32, #tpu.memory_space<hbm>> -> memref<32x128xf32, #tpu.memory_space<hbm>>
      %dma_start3A_213 = arith.constant 0 : i32
      %dma_start3A_214 = arith.constant 0 : i32
      %dma_start3A_215 = tpu.memref_slice %arg11[%dma_start3A_206, %dma_start3A_213, %dma_start3A_214] : memref<18x32x128xf32, #tpu.memory_space<vmem>> -> memref<1x32x128xf32, #tpu.memory_space<vmem>>
      %dma_start3A_216 = tpu.memref_squeeze %dma_start3A_215 : memref<1x32x128xf32, #tpu.memory_space<vmem>> -> memref<32x128xf32, #tpu.memory_space<vmem>>
      %dma_start3A_217 = arith.constant 0 : i32
      %dma_start3A_218 = tpu.memref_slice %arg4[%dma_start3A_217, %multiple_of3A_205] : memref<32x1000000xf32, #tpu.memory_space<hbm>> -> memref<32x128xf32, #tpu.memory_space<hbm>>
      tpu.enqueue_dma source(%dma_start3A_218 : memref<32x128xf32, #tpu.memory_space<hbm>>) target(%dma_start3A_216 : memref<32x128xf32, #tpu.memory_space<vmem>>) target_semaphore(%arg14 : memref<!tpu.dma_semaphore, #tpu.memory_space<semaphore_mem>>)
      %slice3A_219 = vector.extract_strided_slice %select_n3A {offsets = [12], sizes = [1], strides = [1]} : vector<16xi32> to vector<1xi32>
      %squeeze3A_220 = vector.extract %slice3A_219[0] : i32 from vector<1xi32>
      %multiple_of3A_221 = tpu.assume_multiple %squeeze3A_220, 128 : i32
      %dma_start3A_222 = arith.constant 12 : i32
      %dma_start3A_223 = arith.constant 0 : i32
      %dma_start3A_224 = arith.constant 0 : i32
      %dma_start3A_225 = tpu.memref_slice %arg11[%dma_start3A_222, %dma_start3A_223, %dma_start3A_224] : memref<18x32x128xf32, #tpu.memory_space<vmem>> -> memref<1x32x128xf32, #tpu.memory_space<vmem>>
      %dma_start3A_226 = tpu.memref_squeeze %dma_start3A_225 : memref<1x32x128xf32, #tpu.memory_space<vmem>> -> memref<32x128xf32, #tpu.memory_space<vmem>>
      %dma_start3A_227 = arith.constant 0 : i32
      %dma_start3A_228 = tpu.memref_slice %arg4[%dma_start3A_227, %multiple_of3A_221] : memref<32x1000000xf32, #tpu.memory_space<hbm>> -> memref<32x128xf32, #tpu.memory_space<hbm>>
      %dma_start3A_229 = arith.constant 0 : i32
      %dma_start3A_230 = arith.constant 0 : i32
      %dma_start3A_231 = tpu.memref_slice %arg11[%dma_start3A_222, %dma_start3A_229, %dma_start3A_230] : memref<18x32x128xf32, #tpu.memory_space<vmem>> -> memref<1x32x128xf32, #tpu.memory_space<vmem>>
      %dma_start3A_232 = tpu.memref_squeeze %dma_start3A_231 : memref<1x32x128xf32, #tpu.memory_space<vmem>> -> memref<32x128xf32, #tpu.memory_space<vmem>>
      %dma_start3A_233 = arith.constant 0 : i32
      %dma_start3A_234 = tpu.memref_slice %arg4[%dma_start3A_233, %multiple_of3A_221] : memref<32x1000000xf32, #tpu.memory_space<hbm>> -> memref<32x128xf32, #tpu.memory_space<hbm>>
      tpu.enqueue_dma source(%dma_start3A_234 : memref<32x128xf32, #tpu.memory_space<hbm>>) target(%dma_start3A_232 : memref<32x128xf32, #tpu.memory_space<vmem>>) target_semaphore(%arg14 : memref<!tpu.dma_semaphore, #tpu.memory_space<semaphore_mem>>)
      %slice3A_235 = vector.extract_strided_slice %select_n3A {offsets = [13], sizes = [1], strides = [1]} : vector<16xi32> to vector<1xi32>
      %squeeze3A_236 = vector.extract %slice3A_235[0] : i32 from vector<1xi32>
      %multiple_of3A_237 = tpu.assume_multiple %squeeze3A_236, 128 : i32
      %dma_start3A_238 = arith.constant 13 : i32
      %dma_start3A_239 = arith.constant 0 : i32
      %dma_start3A_240 = arith.constant 0 : i32
      %dma_start3A_241 = tpu.memref_slice %arg11[%dma_start3A_238, %dma_start3A_239, %dma_start3A_240] : memref<18x32x128xf32, #tpu.memory_space<vmem>> -> memref<1x32x128xf32, #tpu.memory_space<vmem>>
      %dma_start3A_242 = tpu.memref_squeeze %dma_start3A_241 : memref<1x32x128xf32, #tpu.memory_space<vmem>> -> memref<32x128xf32, #tpu.memory_space<vmem>>
      %dma_start3A_243 = arith.constant 0 : i32
      %dma_start3A_244 = tpu.memref_slice %arg4[%dma_start3A_243, %multiple_of3A_237] : memref<32x1000000xf32, #tpu.memory_space<hbm>> -> memref<32x128xf32, #tpu.memory_space<hbm>>
      %dma_start3A_245 = arith.constant 0 : i32
      %dma_start3A_246 = arith.constant 0 : i32
      %dma_start3A_247 = tpu.memref_slice %arg11[%dma_start3A_238, %dma_start3A_245, %dma_start3A_246] : memref<18x32x128xf32, #tpu.memory_space<vmem>> -> memref<1x32x128xf32, #tpu.memory_space<vmem>>
      %dma_start3A_248 = tpu.memref_squeeze %dma_start3A_247 : memref<1x32x128xf32, #tpu.memory_space<vmem>> -> memref<32x128xf32, #tpu.memory_space<vmem>>
      %dma_start3A_249 = arith.constant 0 : i32
      %dma_start3A_250 = tpu.memref_slice %arg4[%dma_start3A_249, %multiple_of3A_237] : memref<32x1000000xf32, #tpu.memory_space<hbm>> -> memref<32x128xf32, #tpu.memory_space<hbm>>
      tpu.enqueue_dma source(%dma_start3A_250 : memref<32x128xf32, #tpu.memory_space<hbm>>) target(%dma_start3A_248 : memref<32x128xf32, #tpu.memory_space<vmem>>) target_semaphore(%arg14 : memref<!tpu.dma_semaphore, #tpu.memory_space<semaphore_mem>>)
      %slice3A_251 = vector.extract_strided_slice %select_n3A {offsets = [14], sizes = [1], strides = [1]} : vector<16xi32> to vector<1xi32>
      %squeeze3A_252 = vector.extract %slice3A_251[0] : i32 from vector<1xi32>
      %multiple_of3A_253 = tpu.assume_multiple %squeeze3A_252, 128 : i32
      %dma_start3A_254 = arith.constant 14 : i32
      %dma_start3A_255 = arith.constant 0 : i32
      %dma_start3A_256 = arith.constant 0 : i32
      %dma_start3A_257 = tpu.memref_slice %arg11[%dma_start3A_254, %dma_start3A_255, %dma_start3A_256] : memref<18x32x128xf32, #tpu.memory_space<vmem>> -> memref<1x32x128xf32, #tpu.memory_space<vmem>>
      %dma_start3A_258 = tpu.memref_squeeze %dma_start3A_257 : memref<1x32x128xf32, #tpu.memory_space<vmem>> -> memref<32x128xf32, #tpu.memory_space<vmem>>
      %dma_start3A_259 = arith.constant 0 : i32
      %dma_start3A_260 = tpu.memref_slice %arg4[%dma_start3A_259, %multiple_of3A_253] : memref<32x1000000xf32, #tpu.memory_space<hbm>> -> memref<32x128xf32, #tpu.memory_space<hbm>>
      %dma_start3A_261 = arith.constant 0 : i32
      %dma_start3A_262 = arith.constant 0 : i32
      %dma_start3A_263 = tpu.memref_slice %arg11[%dma_start3A_254, %dma_start3A_261, %dma_start3A_262] : memref<18x32x128xf32, #tpu.memory_space<vmem>> -> memref<1x32x128xf32, #tpu.memory_space<vmem>>
      %dma_start3A_264 = tpu.memref_squeeze %dma_start3A_263 : memref<1x32x128xf32, #tpu.memory_space<vmem>> -> memref<32x128xf32, #tpu.memory_space<vmem>>
      %dma_start3A_265 = arith.constant 0 : i32
      %dma_start3A_266 = tpu.memref_slice %arg4[%dma_start3A_265, %multiple_of3A_253] : memref<32x1000000xf32, #tpu.memory_space<hbm>> -> memref<32x128xf32, #tpu.memory_space<hbm>>
      tpu.enqueue_dma source(%dma_start3A_266 : memref<32x128xf32, #tpu.memory_space<hbm>>) target(%dma_start3A_264 : memref<32x128xf32, #tpu.memory_space<vmem>>) target_semaphore(%arg14 : memref<!tpu.dma_semaphore, #tpu.memory_space<semaphore_mem>>)
      %slice3A_267 = vector.extract_strided_slice %select_n3A {offsets = [15], sizes = [1], strides = [1]} : vector<16xi32> to vector<1xi32>
      %squeeze3A_268 = vector.extract %slice3A_267[0] : i32 from vector<1xi32>
      %multiple_of3A_269 = tpu.assume_multiple %squeeze3A_268, 128 : i32
      %dma_start3A_270 = arith.constant 15 : i32
      %dma_start3A_271 = arith.constant 0 : i32
      %dma_start3A_272 = arith.constant 0 : i32
      %dma_start3A_273 = tpu.memref_slice %arg11[%dma_start3A_270, %dma_start3A_271, %dma_start3A_272] : memref<18x32x128xf32, #tpu.memory_space<vmem>> -> memref<1x32x128xf32, #tpu.memory_space<vmem>>
      %dma_start3A_274 = tpu.memref_squeeze %dma_start3A_273 : memref<1x32x128xf32, #tpu.memory_space<vmem>> -> memref<32x128xf32, #tpu.memory_space<vmem>>
      %dma_start3A_275 = arith.constant 0 : i32
      %dma_start3A_276 = tpu.memref_slice %arg4[%dma_start3A_275, %multiple_of3A_269] : memref<32x1000000xf32, #tpu.memory_space<hbm>> -> memref<32x128xf32, #tpu.memory_space<hbm>>
      %dma_start3A_277 = arith.constant 0 : i32
      %dma_start3A_278 = arith.constant 0 : i32
      %dma_start3A_279 = tpu.memref_slice %arg11[%dma_start3A_270, %dma_start3A_277, %dma_start3A_278] : memref<18x32x128xf32, #tpu.memory_space<vmem>> -> memref<1x32x128xf32, #tpu.memory_space<vmem>>
      %dma_start3A_280 = tpu.memref_squeeze %dma_start3A_279 : memref<1x32x128xf32, #tpu.memory_space<vmem>> -> memref<32x128xf32, #tpu.memory_space<vmem>>
      %dma_start3A_281 = arith.constant 0 : i32
      %dma_start3A_282 = tpu.memref_slice %arg4[%dma_start3A_281, %multiple_of3A_269] : memref<32x1000000xf32, #tpu.memory_space<hbm>> -> memref<32x128xf32, #tpu.memory_space<hbm>>
      tpu.enqueue_dma source(%dma_start3A_282 : memref<32x128xf32, #tpu.memory_space<hbm>>) target(%dma_start3A_280 : memref<32x128xf32, #tpu.memory_space<vmem>>) target_semaphore(%arg14 : memref<!tpu.dma_semaphore, #tpu.memory_space<semaphore_mem>>)
      %dma_wait3A = arith.constant 0 : i32
      %dma_wait3A_283 = arith.constant 0 : i32
      %dma_wait3A_284 = arith.constant 0 : i32
      %dma_wait3A_285 = tpu.memref_slice %arg11[%dma_wait3A, %dma_wait3A_283, %dma_wait3A_284] : memref<18x32x128xf32, #tpu.memory_space<vmem>> -> memref<1x32x128xf32, #tpu.memory_space<vmem>>
      %dma_wait3A_286 = tpu.memref_squeeze %dma_wait3A_285 : memref<1x32x128xf32, #tpu.memory_space<vmem>> -> memref<32x128xf32, #tpu.memory_space<vmem>>
      %dma_wait3A_287 = arith.constant 0 : i32
      %dma_wait3A_288 = tpu.memref_slice %arg4[%dma_wait3A_287, %multiple_of3A] : memref<32x1000000xf32, #tpu.memory_space<hbm>> -> memref<32x128xf32, #tpu.memory_space<hbm>>
      %dma_wait3A_289 = arith.constant 0 : i32
      %dma_wait3A_290 = arith.constant 0 : i32
      %dma_wait3A_291 = tpu.memref_slice %arg11[%dma_wait3A, %dma_wait3A_289, %dma_wait3A_290] : memref<18x32x128xf32, #tpu.memory_space<vmem>> -> memref<1x32x128xf32, #tpu.memory_space<vmem>>
      %dma_wait3A_292 = tpu.memref_squeeze %dma_wait3A_291 : memref<1x32x128xf32, #tpu.memory_space<vmem>> -> memref<32x128xf32, #tpu.memory_space<vmem>>
      %dma_wait3A_293 = arith.constant 0 : i32
      %dma_wait3A_294 = tpu.memref_slice %arg4[%dma_wait3A_293, %multiple_of3A] : memref<32x1000000xf32, #tpu.memory_space<hbm>> -> memref<32x128xf32, #tpu.memory_space<hbm>>
      tpu.wait_dma2 semaphore(%arg14 : memref<!tpu.dma_semaphore, #tpu.memory_space<semaphore_mem>>) src(%dma_wait3A_294 : memref<32x128xf32, #tpu.memory_space<hbm>>) dst(%dma_wait3A_292 : memref<32x128xf32, #tpu.memory_space<vmem>>)
      %dma_wait3A_295 = arith.constant 1 : i32
      %dma_wait3A_296 = arith.constant 0 : i32
      %dma_wait3A_297 = arith.constant 0 : i32
      %dma_wait3A_298 = tpu.memref_slice %arg11[%dma_wait3A_295, %dma_wait3A_296, %dma_wait3A_297] : memref<18x32x128xf32, #tpu.memory_space<vmem>> -> memref<1x32x128xf32, #tpu.memory_space<vmem>>
      %dma_wait3A_299 = tpu.memref_squeeze %dma_wait3A_298 : memref<1x32x128xf32, #tpu.memory_space<vmem>> -> memref<32x128xf32, #tpu.memory_space<vmem>>
      %dma_wait3A_300 = arith.constant 0 : i32
      %dma_wait3A_301 = tpu.memref_slice %arg4[%dma_wait3A_300, %multiple_of3A_45] : memref<32x1000000xf32, #tpu.memory_space<hbm>> -> memref<32x128xf32, #tpu.memory_space<hbm>>
      %dma_wait3A_302 = arith.constant 0 : i32
      %dma_wait3A_303 = arith.constant 0 : i32
      %dma_wait3A_304 = tpu.memref_slice %arg11[%dma_wait3A_295, %dma_wait3A_302, %dma_wait3A_303] : memref<18x32x128xf32, #tpu.memory_space<vmem>> -> memref<1x32x128xf32, #tpu.memory_space<vmem>>
      %dma_wait3A_305 = tpu.memref_squeeze %dma_wait3A_304 : memref<1x32x128xf32, #tpu.memory_space<vmem>> -> memref<32x128xf32, #tpu.memory_space<vmem>>
      %dma_wait3A_306 = arith.constant 0 : i32
      %dma_wait3A_307 = tpu.memref_slice %arg4[%dma_wait3A_306, %multiple_of3A_45] : memref<32x1000000xf32, #tpu.memory_space<hbm>> -> memref<32x128xf32, #tpu.memory_space<hbm>>
      tpu.wait_dma2 semaphore(%arg14 : memref<!tpu.dma_semaphore, #tpu.memory_space<semaphore_mem>>) src(%dma_wait3A_307 : memref<32x128xf32, #tpu.memory_space<hbm>>) dst(%dma_wait3A_305 : memref<32x128xf32, #tpu.memory_space<vmem>>)
      %dma_wait3A_308 = arith.constant 2 : i32
      %dma_wait3A_309 = arith.constant 0 : i32
      %dma_wait3A_310 = arith.constant 0 : i32
      %dma_wait3A_311 = tpu.memref_slice %arg11[%dma_wait3A_308, %dma_wait3A_309, %dma_wait3A_310] : memref<18x32x128xf32, #tpu.memory_space<vmem>> -> memref<1x32x128xf32, #tpu.memory_space<vmem>>
      %dma_wait3A_312 = tpu.memref_squeeze %dma_wait3A_311 : memref<1x32x128xf32, #tpu.memory_space<vmem>> -> memref<32x128xf32, #tpu.memory_space<vmem>>
      %dma_wait3A_313 = arith.constant 0 : i32
      %dma_wait3A_314 = tpu.memref_slice %arg4[%dma_wait3A_313, %multiple_of3A_61] : memref<32x1000000xf32, #tpu.memory_space<hbm>> -> memref<32x128xf32, #tpu.memory_space<hbm>>
      %dma_wait3A_315 = arith.constant 0 : i32
      %dma_wait3A_316 = arith.constant 0 : i32
      %dma_wait3A_317 = tpu.memref_slice %arg11[%dma_wait3A_308, %dma_wait3A_315, %dma_wait3A_316] : memref<18x32x128xf32, #tpu.memory_space<vmem>> -> memref<1x32x128xf32, #tpu.memory_space<vmem>>
      %dma_wait3A_318 = tpu.memref_squeeze %dma_wait3A_317 : memref<1x32x128xf32, #tpu.memory_space<vmem>> -> memref<32x128xf32, #tpu.memory_space<vmem>>
      %dma_wait3A_319 = arith.constant 0 : i32
      %dma_wait3A_320 = tpu.memref_slice %arg4[%dma_wait3A_319, %multiple_of3A_61] : memref<32x1000000xf32, #tpu.memory_space<hbm>> -> memref<32x128xf32, #tpu.memory_space<hbm>>
      tpu.wait_dma2 semaphore(%arg14 : memref<!tpu.dma_semaphore, #tpu.memory_space<semaphore_mem>>) src(%dma_wait3A_320 : memref<32x128xf32, #tpu.memory_space<hbm>>) dst(%dma_wait3A_318 : memref<32x128xf32, #tpu.memory_space<vmem>>)
      %dma_wait3A_321 = arith.constant 3 : i32
      %dma_wait3A_322 = arith.constant 0 : i32
      %dma_wait3A_323 = arith.constant 0 : i32
      %dma_wait3A_324 = tpu.memref_slice %arg11[%dma_wait3A_321, %dma_wait3A_322, %dma_wait3A_323] : memref<18x32x128xf32, #tpu.memory_space<vmem>> -> memref<1x32x128xf32, #tpu.memory_space<vmem>>
      %dma_wait3A_325 = tpu.memref_squeeze %dma_wait3A_324 : memref<1x32x128xf32, #tpu.memory_space<vmem>> -> memref<32x128xf32, #tpu.memory_space<vmem>>
      %dma_wait3A_326 = arith.constant 0 : i32
      %dma_wait3A_327 = tpu.memref_slice %arg4[%dma_wait3A_326, %multiple_of3A_77] : memref<32x1000000xf32, #tpu.memory_space<hbm>> -> memref<32x128xf32, #tpu.memory_space<hbm>>
      %dma_wait3A_328 = arith.constant 0 : i32
      %dma_wait3A_329 = arith.constant 0 : i32
      %dma_wait3A_330 = tpu.memref_slice %arg11[%dma_wait3A_321, %dma_wait3A_328, %dma_wait3A_329] : memref<18x32x128xf32, #tpu.memory_space<vmem>> -> memref<1x32x128xf32, #tpu.memory_space<vmem>>
      %dma_wait3A_331 = tpu.memref_squeeze %dma_wait3A_330 : memref<1x32x128xf32, #tpu.memory_space<vmem>> -> memref<32x128xf32, #tpu.memory_space<vmem>>
      %dma_wait3A_332 = arith.constant 0 : i32
      %dma_wait3A_333 = tpu.memref_slice %arg4[%dma_wait3A_332, %multiple_of3A_77] : memref<32x1000000xf32, #tpu.memory_space<hbm>> -> memref<32x128xf32, #tpu.memory_space<hbm>>
      tpu.wait_dma2 semaphore(%arg14 : memref<!tpu.dma_semaphore, #tpu.memory_space<semaphore_mem>>) src(%dma_wait3A_333 : memref<32x128xf32, #tpu.memory_space<hbm>>) dst(%dma_wait3A_331 : memref<32x128xf32, #tpu.memory_space<vmem>>)
      %dma_wait3A_334 = arith.constant 4 : i32
      %dma_wait3A_335 = arith.constant 0 : i32
      %dma_wait3A_336 = arith.constant 0 : i32
      %dma_wait3A_337 = tpu.memref_slice %arg11[%dma_wait3A_334, %dma_wait3A_335, %dma_wait3A_336] : memref<18x32x128xf32, #tpu.memory_space<vmem>> -> memref<1x32x128xf32, #tpu.memory_space<vmem>>
      %dma_wait3A_338 = tpu.memref_squeeze %dma_wait3A_337 : memref<1x32x128xf32, #tpu.memory_space<vmem>> -> memref<32x128xf32, #tpu.memory_space<vmem>>
      %dma_wait3A_339 = arith.constant 0 : i32
      %dma_wait3A_340 = tpu.memref_slice %arg4[%dma_wait3A_339, %multiple_of3A_93] : memref<32x1000000xf32, #tpu.memory_space<hbm>> -> memref<32x128xf32, #tpu.memory_space<hbm>>
      %dma_wait3A_341 = arith.constant 0 : i32
      %dma_wait3A_342 = arith.constant 0 : i32
      %dma_wait3A_343 = tpu.memref_slice %arg11[%dma_wait3A_334, %dma_wait3A_341, %dma_wait3A_342] : memref<18x32x128xf32, #tpu.memory_space<vmem>> -> memref<1x32x128xf32, #tpu.memory_space<vmem>>
      %dma_wait3A_344 = tpu.memref_squeeze %dma_wait3A_343 : memref<1x32x128xf32, #tpu.memory_space<vmem>> -> memref<32x128xf32, #tpu.memory_space<vmem>>
      %dma_wait3A_345 = arith.constant 0 : i32
      %dma_wait3A_346 = tpu.memref_slice %arg4[%dma_wait3A_345, %multiple_of3A_93] : memref<32x1000000xf32, #tpu.memory_space<hbm>> -> memref<32x128xf32, #tpu.memory_space<hbm>>
      tpu.wait_dma2 semaphore(%arg14 : memref<!tpu.dma_semaphore, #tpu.memory_space<semaphore_mem>>) src(%dma_wait3A_346 : memref<32x128xf32, #tpu.memory_space<hbm>>) dst(%dma_wait3A_344 : memref<32x128xf32, #tpu.memory_space<vmem>>)
      %dma_wait3A_347 = arith.constant 5 : i32
      %dma_wait3A_348 = arith.constant 0 : i32
      %dma_wait3A_349 = arith.constant 0 : i32
      %dma_wait3A_350 = tpu.memref_slice %arg11[%dma_wait3A_347, %dma_wait3A_348, %dma_wait3A_349] : memref<18x32x128xf32, #tpu.memory_space<vmem>> -> memref<1x32x128xf32, #tpu.memory_space<vmem>>
      %dma_wait3A_351 = tpu.memref_squeeze %dma_wait3A_350 : memref<1x32x128xf32, #tpu.memory_space<vmem>> -> memref<32x128xf32, #tpu.memory_space<vmem>>
      %dma_wait3A_352 = arith.constant 0 : i32
      %dma_wait3A_353 = tpu.memref_slice %arg4[%dma_wait3A_352, %multiple_of3A_109] : memref<32x1000000xf32, #tpu.memory_space<hbm>> -> memref<32x128xf32, #tpu.memory_space<hbm>>
      %dma_wait3A_354 = arith.constant 0 : i32
      %dma_wait3A_355 = arith.constant 0 : i32
      %dma_wait3A_356 = tpu.memref_slice %arg11[%dma_wait3A_347, %dma_wait3A_354, %dma_wait3A_355] : memref<18x32x128xf32, #tpu.memory_space<vmem>> -> memref<1x32x128xf32, #tpu.memory_space<vmem>>
      %dma_wait3A_357 = tpu.memref_squeeze %dma_wait3A_356 : memref<1x32x128xf32, #tpu.memory_space<vmem>> -> memref<32x128xf32, #tpu.memory_space<vmem>>
      %dma_wait3A_358 = arith.constant 0 : i32
      %dma_wait3A_359 = tpu.memref_slice %arg4[%dma_wait3A_358, %multiple_of3A_109] : memref<32x1000000xf32, #tpu.memory_space<hbm>> -> memref<32x128xf32, #tpu.memory_space<hbm>>
      tpu.wait_dma2 semaphore(%arg14 : memref<!tpu.dma_semaphore, #tpu.memory_space<semaphore_mem>>) src(%dma_wait3A_359 : memref<32x128xf32, #tpu.memory_space<hbm>>) dst(%dma_wait3A_357 : memref<32x128xf32, #tpu.memory_space<vmem>>)
      %dma_wait3A_360 = arith.constant 6 : i32
      %dma_wait3A_361 = arith.constant 0 : i32
      %dma_wait3A_362 = arith.constant 0 : i32
      %dma_wait3A_363 = tpu.memref_slice %arg11[%dma_wait3A_360, %dma_wait3A_361, %dma_wait3A_362] : memref<18x32x128xf32, #tpu.memory_space<vmem>> -> memref<1x32x128xf32, #tpu.memory_space<vmem>>
      %dma_wait3A_364 = tpu.memref_squeeze %dma_wait3A_363 : memref<1x32x128xf32, #tpu.memory_space<vmem>> -> memref<32x128xf32, #tpu.memory_space<vmem>>
      %dma_wait3A_365 = arith.constant 0 : i32
      %dma_wait3A_366 = tpu.memref_slice %arg4[%dma_wait3A_365, %multiple_of3A_125] : memref<32x1000000xf32, #tpu.memory_space<hbm>> -> memref<32x128xf32, #tpu.memory_space<hbm>>
      %dma_wait3A_367 = arith.constant 0 : i32
      %dma_wait3A_368 = arith.constant 0 : i32
      %dma_wait3A_369 = tpu.memref_slice %arg11[%dma_wait3A_360, %dma_wait3A_367, %dma_wait3A_368] : memref<18x32x128xf32, #tpu.memory_space<vmem>> -> memref<1x32x128xf32, #tpu.memory_space<vmem>>
      %dma_wait3A_370 = tpu.memref_squeeze %dma_wait3A_369 : memref<1x32x128xf32, #tpu.memory_space<vmem>> -> memref<32x128xf32, #tpu.memory_space<vmem>>
      %dma_wait3A_371 = arith.constant 0 : i32
      %dma_wait3A_372 = tpu.memref_slice %arg4[%dma_wait3A_371, %multiple_of3A_125] : memref<32x1000000xf32, #tpu.memory_space<hbm>> -> memref<32x128xf32, #tpu.memory_space<hbm>>
      tpu.wait_dma2 semaphore(%arg14 : memref<!tpu.dma_semaphore, #tpu.memory_space<semaphore_mem>>) src(%dma_wait3A_372 : memref<32x128xf32, #tpu.memory_space<hbm>>) dst(%dma_wait3A_370 : memref<32x128xf32, #tpu.memory_space<vmem>>)
      %dma_wait3A_373 = arith.constant 7 : i32
      %dma_wait3A_374 = arith.constant 0 : i32
      %dma_wait3A_375 = arith.constant 0 : i32
      %dma_wait3A_376 = tpu.memref_slice %arg11[%dma_wait3A_373, %dma_wait3A_374, %dma_wait3A_375] : memref<18x32x128xf32, #tpu.memory_space<vmem>> -> memref<1x32x128xf32, #tpu.memory_space<vmem>>
      %dma_wait3A_377 = tpu.memref_squeeze %dma_wait3A_376 : memref<1x32x128xf32, #tpu.memory_space<vmem>> -> memref<32x128xf32, #tpu.memory_space<vmem>>
      %dma_wait3A_378 = arith.constant 0 : i32
      %dma_wait3A_379 = tpu.memref_slice %arg4[%dma_wait3A_378, %multiple_of3A_141] : memref<32x1000000xf32, #tpu.memory_space<hbm>> -> memref<32x128xf32, #tpu.memory_space<hbm>>
      %dma_wait3A_380 = arith.constant 0 : i32
      %dma_wait3A_381 = arith.constant 0 : i32
      %dma_wait3A_382 = tpu.memref_slice %arg11[%dma_wait3A_373, %dma_wait3A_380, %dma_wait3A_381] : memref<18x32x128xf32, #tpu.memory_space<vmem>> -> memref<1x32x128xf32, #tpu.memory_space<vmem>>
      %dma_wait3A_383 = tpu.memref_squeeze %dma_wait3A_382 : memref<1x32x128xf32, #tpu.memory_space<vmem>> -> memref<32x128xf32, #tpu.memory_space<vmem>>
      %dma_wait3A_384 = arith.constant 0 : i32
      %dma_wait3A_385 = tpu.memref_slice %arg4[%dma_wait3A_384, %multiple_of3A_141] : memref<32x1000000xf32, #tpu.memory_space<hbm>> -> memref<32x128xf32, #tpu.memory_space<hbm>>
      tpu.wait_dma2 semaphore(%arg14 : memref<!tpu.dma_semaphore, #tpu.memory_space<semaphore_mem>>) src(%dma_wait3A_385 : memref<32x128xf32, #tpu.memory_space<hbm>>) dst(%dma_wait3A_383 : memref<32x128xf32, #tpu.memory_space<vmem>>)
      %dma_wait3A_386 = arith.constant 8 : i32
      %dma_wait3A_387 = arith.constant 0 : i32
      %dma_wait3A_388 = arith.constant 0 : i32
      %dma_wait3A_389 = tpu.memref_slice %arg11[%dma_wait3A_386, %dma_wait3A_387, %dma_wait3A_388] : memref<18x32x128xf32, #tpu.memory_space<vmem>> -> memref<1x32x128xf32, #tpu.memory_space<vmem>>
      %dma_wait3A_390 = tpu.memref_squeeze %dma_wait3A_389 : memref<1x32x128xf32, #tpu.memory_space<vmem>> -> memref<32x128xf32, #tpu.memory_space<vmem>>
      %dma_wait3A_391 = arith.constant 0 : i32
      %dma_wait3A_392 = tpu.memref_slice %arg4[%dma_wait3A_391, %multiple_of3A_157] : memref<32x1000000xf32, #tpu.memory_space<hbm>> -> memref<32x128xf32, #tpu.memory_space<hbm>>
      %dma_wait3A_393 = arith.constant 0 : i32
      %dma_wait3A_394 = arith.constant 0 : i32
      %dma_wait3A_395 = tpu.memref_slice %arg11[%dma_wait3A_386, %dma_wait3A_393, %dma_wait3A_394] : memref<18x32x128xf32, #tpu.memory_space<vmem>> -> memref<1x32x128xf32, #tpu.memory_space<vmem>>
      %dma_wait3A_396 = tpu.memref_squeeze %dma_wait3A_395 : memref<1x32x128xf32, #tpu.memory_space<vmem>> -> memref<32x128xf32, #tpu.memory_space<vmem>>
      %dma_wait3A_397 = arith.constant 0 : i32
      %dma_wait3A_398 = tpu.memref_slice %arg4[%dma_wait3A_397, %multiple_of3A_157] : memref<32x1000000xf32, #tpu.memory_space<hbm>> -> memref<32x128xf32, #tpu.memory_space<hbm>>
      tpu.wait_dma2 semaphore(%arg14 : memref<!tpu.dma_semaphore, #tpu.memory_space<semaphore_mem>>) src(%dma_wait3A_398 : memref<32x128xf32, #tpu.memory_space<hbm>>) dst(%dma_wait3A_396 : memref<32x128xf32, #tpu.memory_space<vmem>>)
      %dma_wait3A_399 = arith.constant 9 : i32
      %dma_wait3A_400 = arith.constant 0 : i32
      %dma_wait3A_401 = arith.constant 0 : i32
      %dma_wait3A_402 = tpu.memref_slice %arg11[%dma_wait3A_399, %dma_wait3A_400, %dma_wait3A_401] : memref<18x32x128xf32, #tpu.memory_space<vmem>> -> memref<1x32x128xf32, #tpu.memory_space<vmem>>
      %dma_wait3A_403 = tpu.memref_squeeze %dma_wait3A_402 : memref<1x32x128xf32, #tpu.memory_space<vmem>> -> memref<32x128xf32, #tpu.memory_space<vmem>>
      %dma_wait3A_404 = arith.constant 0 : i32
      %dma_wait3A_405 = tpu.memref_slice %arg4[%dma_wait3A_404, %multiple_of3A_173] : memref<32x1000000xf32, #tpu.memory_space<hbm>> -> memref<32x128xf32, #tpu.memory_space<hbm>>
      %dma_wait3A_406 = arith.constant 0 : i32
      %dma_wait3A_407 = arith.constant 0 : i32
      %dma_wait3A_408 = tpu.memref_slice %arg11[%dma_wait3A_399, %dma_wait3A_406, %dma_wait3A_407] : memref<18x32x128xf32, #tpu.memory_space<vmem>> -> memref<1x32x128xf32, #tpu.memory_space<vmem>>
      %dma_wait3A_409 = tpu.memref_squeeze %dma_wait3A_408 : memref<1x32x128xf32, #tpu.memory_space<vmem>> -> memref<32x128xf32, #tpu.memory_space<vmem>>
      %dma_wait3A_410 = arith.constant 0 : i32
      %dma_wait3A_411 = tpu.memref_slice %arg4[%dma_wait3A_410, %multiple_of3A_173] : memref<32x1000000xf32, #tpu.memory_space<hbm>> -> memref<32x128xf32, #tpu.memory_space<hbm>>
      tpu.wait_dma2 semaphore(%arg14 : memref<!tpu.dma_semaphore, #tpu.memory_space<semaphore_mem>>) src(%dma_wait3A_411 : memref<32x128xf32, #tpu.memory_space<hbm>>) dst(%dma_wait3A_409 : memref<32x128xf32, #tpu.memory_space<vmem>>)
      %dma_wait3A_412 = arith.constant 10 : i32
      %dma_wait3A_413 = arith.constant 0 : i32
      %dma_wait3A_414 = arith.constant 0 : i32
      %dma_wait3A_415 = tpu.memref_slice %arg11[%dma_wait3A_412, %dma_wait3A_413, %dma_wait3A_414] : memref<18x32x128xf32, #tpu.memory_space<vmem>> -> memref<1x32x128xf32, #tpu.memory_space<vmem>>
      %dma_wait3A_416 = tpu.memref_squeeze %dma_wait3A_415 : memref<1x32x128xf32, #tpu.memory_space<vmem>> -> memref<32x128xf32, #tpu.memory_space<vmem>>
      %dma_wait3A_417 = arith.constant 0 : i32
      %dma_wait3A_418 = tpu.memref_slice %arg4[%dma_wait3A_417, %multiple_of3A_189] : memref<32x1000000xf32, #tpu.memory_space<hbm>> -> memref<32x128xf32, #tpu.memory_space<hbm>>
      %dma_wait3A_419 = arith.constant 0 : i32
      %dma_wait3A_420 = arith.constant 0 : i32
      %dma_wait3A_421 = tpu.memref_slice %arg11[%dma_wait3A_412, %dma_wait3A_419, %dma_wait3A_420] : memref<18x32x128xf32, #tpu.memory_space<vmem>> -> memref<1x32x128xf32, #tpu.memory_space<vmem>>
      %dma_wait3A_422 = tpu.memref_squeeze %dma_wait3A_421 : memref<1x32x128xf32, #tpu.memory_space<vmem>> -> memref<32x128xf32, #tpu.memory_space<vmem>>
      %dma_wait3A_423 = arith.constant 0 : i32
      %dma_wait3A_424 = tpu.memref_slice %arg4[%dma_wait3A_423, %multiple_of3A_189] : memref<32x1000000xf32, #tpu.memory_space<hbm>> -> memref<32x128xf32, #tpu.memory_space<hbm>>
      tpu.wait_dma2 semaphore(%arg14 : memref<!tpu.dma_semaphore, #tpu.memory_space<semaphore_mem>>) src(%dma_wait3A_424 : memref<32x128xf32, #tpu.memory_space<hbm>>) dst(%dma_wait3A_422 : memref<32x128xf32, #tpu.memory_space<vmem>>)
      %dma_wait3A_425 = arith.constant 11 : i32
      %dma_wait3A_426 = arith.constant 0 : i32
      %dma_wait3A_427 = arith.constant 0 : i32
      %dma_wait3A_428 = tpu.memref_slice %arg11[%dma_wait3A_425, %dma_wait3A_426, %dma_wait3A_427] : memref<18x32x128xf32, #tpu.memory_space<vmem>> -> memref<1x32x128xf32, #tpu.memory_space<vmem>>
      %dma_wait3A_429 = tpu.memref_squeeze %dma_wait3A_428 : memref<1x32x128xf32, #tpu.memory_space<vmem>> -> memref<32x128xf32, #tpu.memory_space<vmem>>
      %dma_wait3A_430 = arith.constant 0 : i32
      %dma_wait3A_431 = tpu.memref_slice %arg4[%dma_wait3A_430, %multiple_of3A_205] : memref<32x1000000xf32, #tpu.memory_space<hbm>> -> memref<32x128xf32, #tpu.memory_space<hbm>>
      %dma_wait3A_432 = arith.constant 0 : i32
      %dma_wait3A_433 = arith.constant 0 : i32
      %dma_wait3A_434 = tpu.memref_slice %arg11[%dma_wait3A_425, %dma_wait3A_432, %dma_wait3A_433] : memref<18x32x128xf32, #tpu.memory_space<vmem>> -> memref<1x32x128xf32, #tpu.memory_space<vmem>>
      %dma_wait3A_435 = tpu.memref_squeeze %dma_wait3A_434 : memref<1x32x128xf32, #tpu.memory_space<vmem>> -> memref<32x128xf32, #tpu.memory_space<vmem>>
      %dma_wait3A_436 = arith.constant 0 : i32
      %dma_wait3A_437 = tpu.memref_slice %arg4[%dma_wait3A_436, %multiple_of3A_205] : memref<32x1000000xf32, #tpu.memory_space<hbm>> -> memref<32x128xf32, #tpu.memory_space<hbm>>
      tpu.wait_dma2 semaphore(%arg14 : memref<!tpu.dma_semaphore, #tpu.memory_space<semaphore_mem>>) src(%dma_wait3A_437 : memref<32x128xf32, #tpu.memory_space<hbm>>) dst(%dma_wait3A_435 : memref<32x128xf32, #tpu.memory_space<vmem>>)
      %dma_wait3A_438 = arith.constant 12 : i32
      %dma_wait3A_439 = arith.constant 0 : i32
      %dma_wait3A_440 = arith.constant 0 : i32
      %dma_wait3A_441 = tpu.memref_slice %arg11[%dma_wait3A_438, %dma_wait3A_439, %dma_wait3A_440] : memref<18x32x128xf32, #tpu.memory_space<vmem>> -> memref<1x32x128xf32, #tpu.memory_space<vmem>>
      %dma_wait3A_442 = tpu.memref_squeeze %dma_wait3A_441 : memref<1x32x128xf32, #tpu.memory_space<vmem>> -> memref<32x128xf32, #tpu.memory_space<vmem>>
      %dma_wait3A_443 = arith.constant 0 : i32
      %dma_wait3A_444 = tpu.memref_slice %arg4[%dma_wait3A_443, %multiple_of3A_221] : memref<32x1000000xf32, #tpu.memory_space<hbm>> -> memref<32x128xf32, #tpu.memory_space<hbm>>
      %dma_wait3A_445 = arith.constant 0 : i32
      %dma_wait3A_446 = arith.constant 0 : i32
      %dma_wait3A_447 = tpu.memref_slice %arg11[%dma_wait3A_438, %dma_wait3A_445, %dma_wait3A_446] : memref<18x32x128xf32, #tpu.memory_space<vmem>> -> memref<1x32x128xf32, #tpu.memory_space<vmem>>
      %dma_wait3A_448 = tpu.memref_squeeze %dma_wait3A_447 : memref<1x32x128xf32, #tpu.memory_space<vmem>> -> memref<32x128xf32, #tpu.memory_space<vmem>>
      %dma_wait3A_449 = arith.constant 0 : i32
      %dma_wait3A_450 = tpu.memref_slice %arg4[%dma_wait3A_449, %multiple_of3A_221] : memref<32x1000000xf32, #tpu.memory_space<hbm>> -> memref<32x128xf32, #tpu.memory_space<hbm>>
      tpu.wait_dma2 semaphore(%arg14 : memref<!tpu.dma_semaphore, #tpu.memory_space<semaphore_mem>>) src(%dma_wait3A_450 : memref<32x128xf32, #tpu.memory_space<hbm>>) dst(%dma_wait3A_448 : memref<32x128xf32, #tpu.memory_space<vmem>>)
      %dma_wait3A_451 = arith.constant 13 : i32
      %dma_wait3A_452 = arith.constant 0 : i32
      %dma_wait3A_453 = arith.constant 0 : i32
      %dma_wait3A_454 = tpu.memref_slice %arg11[%dma_wait3A_451, %dma_wait3A_452, %dma_wait3A_453] : memref<18x32x128xf32, #tpu.memory_space<vmem>> -> memref<1x32x128xf32, #tpu.memory_space<vmem>>
      %dma_wait3A_455 = tpu.memref_squeeze %dma_wait3A_454 : memref<1x32x128xf32, #tpu.memory_space<vmem>> -> memref<32x128xf32, #tpu.memory_space<vmem>>
      %dma_wait3A_456 = arith.constant 0 : i32
      %dma_wait3A_457 = tpu.memref_slice %arg4[%dma_wait3A_456, %multiple_of3A_237] : memref<32x1000000xf32, #tpu.memory_space<hbm>> -> memref<32x128xf32, #tpu.memory_space<hbm>>
      %dma_wait3A_458 = arith.constant 0 : i32
      %dma_wait3A_459 = arith.constant 0 : i32
      %dma_wait3A_460 = tpu.memref_slice %arg11[%dma_wait3A_451, %dma_wait3A_458, %dma_wait3A_459] : memref<18x32x128xf32, #tpu.memory_space<vmem>> -> memref<1x32x128xf32, #tpu.memory_space<vmem>>
      %dma_wait3A_461 = tpu.memref_squeeze %dma_wait3A_460 : memref<1x32x128xf32, #tpu.memory_space<vmem>> -> memref<32x128xf32, #tpu.memory_space<vmem>>
      %dma_wait3A_462 = arith.constant 0 : i32
      %dma_wait3A_463 = tpu.memref_slice %arg4[%dma_wait3A_462, %multiple_of3A_237] : memref<32x1000000xf32, #tpu.memory_space<hbm>> -> memref<32x128xf32, #tpu.memory_space<hbm>>
      tpu.wait_dma2 semaphore(%arg14 : memref<!tpu.dma_semaphore, #tpu.memory_space<semaphore_mem>>) src(%dma_wait3A_463 : memref<32x128xf32, #tpu.memory_space<hbm>>) dst(%dma_wait3A_461 : memref<32x128xf32, #tpu.memory_space<vmem>>)
      %dma_wait3A_464 = arith.constant 14 : i32
      %dma_wait3A_465 = arith.constant 0 : i32
      %dma_wait3A_466 = arith.constant 0 : i32
      %dma_wait3A_467 = tpu.memref_slice %arg11[%dma_wait3A_464, %dma_wait3A_465, %dma_wait3A_466] : memref<18x32x128xf32, #tpu.memory_space<vmem>> -> memref<1x32x128xf32, #tpu.memory_space<vmem>>
      %dma_wait3A_468 = tpu.memref_squeeze %dma_wait3A_467 : memref<1x32x128xf32, #tpu.memory_space<vmem>> -> memref<32x128xf32, #tpu.memory_space<vmem>>
      %dma_wait3A_469 = arith.constant 0 : i32
      %dma_wait3A_470 = tpu.memref_slice %arg4[%dma_wait3A_469, %multiple_of3A_253] : memref<32x1000000xf32, #tpu.memory_space<hbm>> -> memref<32x128xf32, #tpu.memory_space<hbm>>
      %dma_wait3A_471 = arith.constant 0 : i32
      %dma_wait3A_472 = arith.constant 0 : i32
      %dma_wait3A_473 = tpu.memref_slice %arg11[%dma_wait3A_464, %dma_wait3A_471, %dma_wait3A_472] : memref<18x32x128xf32, #tpu.memory_space<vmem>> -> memref<1x32x128xf32, #tpu.memory_space<vmem>>
      %dma_wait3A_474 = tpu.memref_squeeze %dma_wait3A_473 : memref<1x32x128xf32, #tpu.memory_space<vmem>> -> memref<32x128xf32, #tpu.memory_space<vmem>>
      %dma_wait3A_475 = arith.constant 0 : i32
      %dma_wait3A_476 = tpu.memref_slice %arg4[%dma_wait3A_475, %multiple_of3A_253] : memref<32x1000000xf32, #tpu.memory_space<hbm>> -> memref<32x128xf32, #tpu.memory_space<hbm>>
      tpu.wait_dma2 semaphore(%arg14 : memref<!tpu.dma_semaphore, #tpu.memory_space<semaphore_mem>>) src(%dma_wait3A_476 : memref<32x128xf32, #tpu.memory_space<hbm>>) dst(%dma_wait3A_474 : memref<32x128xf32, #tpu.memory_space<vmem>>)
      %dma_wait3A_477 = arith.constant 15 : i32
      %dma_wait3A_478 = arith.constant 0 : i32
      %dma_wait3A_479 = arith.constant 0 : i32
      %dma_wait3A_480 = tpu.memref_slice %arg11[%dma_wait3A_477, %dma_wait3A_478, %dma_wait3A_479] : memref<18x32x128xf32, #tpu.memory_space<vmem>> -> memref<1x32x128xf32, #tpu.memory_space<vmem>>
      %dma_wait3A_481 = tpu.memref_squeeze %dma_wait3A_480 : memref<1x32x128xf32, #tpu.memory_space<vmem>> -> memref<32x128xf32, #tpu.memory_space<vmem>>
      %dma_wait3A_482 = arith.constant 0 : i32
      %dma_wait3A_483 = tpu.memref_slice %arg4[%dma_wait3A_482, %multiple_of3A_269] : memref<32x1000000xf32, #tpu.memory_space<hbm>> -> memref<32x128xf32, #tpu.memory_space<hbm>>
      %dma_wait3A_484 = arith.constant 0 : i32
      %dma_wait3A_485 = arith.constant 0 : i32
      %dma_wait3A_486 = tpu.memref_slice %arg11[%dma_wait3A_477, %dma_wait3A_484, %dma_wait3A_485] : memref<18x32x128xf32, #tpu.memory_space<vmem>> -> memref<1x32x128xf32, #tpu.memory_space<vmem>>
      %dma_wait3A_487 = tpu.memref_squeeze %dma_wait3A_486 : memref<1x32x128xf32, #tpu.memory_space<vmem>> -> memref<32x128xf32, #tpu.memory_space<vmem>>
      %dma_wait3A_488 = arith.constant 0 : i32
      %dma_wait3A_489 = tpu.memref_slice %arg4[%dma_wait3A_488, %multiple_of3A_269] : memref<32x1000000xf32, #tpu.memory_space<hbm>> -> memref<32x128xf32, #tpu.memory_space<hbm>>
      tpu.wait_dma2 semaphore(%arg14 : memref<!tpu.dma_semaphore, #tpu.memory_space<semaphore_mem>>) src(%dma_wait3A_489 : memref<32x128xf32, #tpu.memory_space<hbm>>) dst(%dma_wait3A_487 : memref<32x128xf32, #tpu.memory_space<vmem>>)
      %broadcast_in_dim3A_490 = arith.constant 0 : i32
      %broadcast_in_dim3A_491 = vector.broadcast %broadcast_in_dim3A_490 : i32 to vector<16xi32>
      %gather3A = tpu.vector_load_idx %arg11[%select_n3A_30, %broadcast_in_dim3A_491, %select_n3A_27] : memref<18x32x128xf32, #tpu.memory_space<vmem>>[vector<16xi32>, vector<16xi32>, vector<16xi32>], vector<16xf32>,
      tpu.vector_store_idx %arg12[%iota3A, %broadcast_in_dim3A_491], %gather3A : memref<16x32xf32, #tpu.memory_space<vmem>>[vector<16xi32>, vector<16xi32>], vector<16xf32>,
      %broadcast_in_dim3A_492 = arith.constant 1 : i32
      %broadcast_in_dim3A_493 = vector.broadcast %broadcast_in_dim3A_492 : i32 to vector<16xi32>
      %gather3A_494 = tpu.vector_load_idx %arg11[%select_n3A_30, %broadcast_in_dim3A_493, %select_n3A_27] : memref<18x32x128xf32, #tpu.memory_space<vmem>>[vector<16xi32>, vector<16xi32>, vector<16xi32>], vector<16xf32>,
      tpu.vector_store_idx %arg12[%iota3A, %broadcast_in_dim3A_493], %gather3A_494 : memref<16x32xf32, #tpu.memory_space<vmem>>[vector<16xi32>, vector<16xi32>], vector<16xf32>,
      %broadcast_in_dim3A_495 = arith.constant 2 : i32
      %broadcast_in_dim3A_496 = vector.broadcast %broadcast_in_dim3A_495 : i32 to vector<16xi32>
      %gather3A_497 = tpu.vector_load_idx %arg11[%select_n3A_30, %broadcast_in_dim3A_496, %select_n3A_27] : memref<18x32x128xf32, #tpu.memory_space<vmem>>[vector<16xi32>, vector<16xi32>, vector<16xi32>], vector<16xf32>,
      tpu.vector_store_idx %arg12[%iota3A, %broadcast_in_dim3A_496], %gather3A_497 : memref<16x32xf32, #tpu.memory_space<vmem>>[vector<16xi32>, vector<16xi32>], vector<16xf32>,
      %broadcast_in_dim3A_498 = arith.constant 3 : i32
      %broadcast_in_dim3A_499 = vector.broadcast %broadcast_in_dim3A_498 : i32 to vector<16xi32>
      %gather3A_500 = tpu.vector_load_idx %arg11[%select_n3A_30, %broadcast_in_dim3A_499, %select_n3A_27] : memref<18x32x128xf32, #tpu.memory_space<vmem>>[vector<16xi32>, vector<16xi32>, vector<16xi32>], vector<16xf32>,
      tpu.vector_store_idx %arg12[%iota3A, %broadcast_in_dim3A_499], %gather3A_500 : memref<16x32xf32, #tpu.memory_space<vmem>>[vector<16xi32>, vector<16xi32>], vector<16xf32>,
      %broadcast_in_dim3A_501 = arith.constant 4 : i32
      %broadcast_in_dim3A_502 = vector.broadcast %broadcast_in_dim3A_501 : i32 to vector<16xi32>
      %gather3A_503 = tpu.vector_load_idx %arg11[%select_n3A_30, %broadcast_in_dim3A_502, %select_n3A_27] : memref<18x32x128xf32, #tpu.memory_space<vmem>>[vector<16xi32>, vector<16xi32>, vector<16xi32>], vector<16xf32>,
      tpu.vector_store_idx %arg12[%iota3A, %broadcast_in_dim3A_502], %gather3A_503 : memref<16x32xf32, #tpu.memory_space<vmem>>[vector<16xi32>, vector<16xi32>], vector<16xf32>,
      %broadcast_in_dim3A_504 = arith.constant 5 : i32
      %broadcast_in_dim3A_505 = vector.broadcast %broadcast_in_dim3A_504 : i32 to vector<16xi32>
      %gather3A_506 = tpu.vector_load_idx %arg11[%select_n3A_30, %broadcast_in_dim3A_505, %select_n3A_27] : memref<18x32x128xf32, #tpu.memory_space<vmem>>[vector<16xi32>, vector<16xi32>, vector<16xi32>], vector<16xf32>,
      tpu.vector_store_idx %arg12[%iota3A, %broadcast_in_dim3A_505], %gather3A_506 : memref<16x32xf32, #tpu.memory_space<vmem>>[vector<16xi32>, vector<16xi32>], vector<16xf32>,
      %broadcast_in_dim3A_507 = arith.constant 6 : i32
      %broadcast_in_dim3A_508 = vector.broadcast %broadcast_in_dim3A_507 : i32 to vector<16xi32>
      %gather3A_509 = tpu.vector_load_idx %arg11[%select_n3A_30, %broadcast_in_dim3A_508, %select_n3A_27] : memref<18x32x128xf32, #tpu.memory_space<vmem>>[vector<16xi32>, vector<16xi32>, vector<16xi32>], vector<16xf32>,
      tpu.vector_store_idx %arg12[%iota3A, %broadcast_in_dim3A_508], %gather3A_509 : memref<16x32xf32, #tpu.memory_space<vmem>>[vector<16xi32>, vector<16xi32>], vector<16xf32>,
      %broadcast_in_dim3A_510 = arith.constant 7 : i32
      %broadcast_in_dim3A_511 = vector.broadcast %broadcast_in_dim3A_510 : i32 to vector<16xi32>
      %gather3A_512 = tpu.vector_load_idx %arg11[%select_n3A_30, %broadcast_in_dim3A_511, %select_n3A_27] : memref<18x32x128xf32, #tpu.memory_space<vmem>>[vector<16xi32>, vector<16xi32>, vector<16xi32>], vector<16xf32>,
      tpu.vector_store_idx %arg12[%iota3A, %broadcast_in_dim3A_511], %gather3A_512 : memref<16x32xf32, #tpu.memory_space<vmem>>[vector<16xi32>, vector<16xi32>], vector<16xf32>,
      %broadcast_in_dim3A_513 = arith.constant 8 : i32
      %broadcast_in_dim3A_514 = vector.broadcast %broadcast_in_dim3A_513 : i32 to vector<16xi32>
      %gather3A_515 = tpu.vector_load_idx %arg11[%select_n3A_30, %broadcast_in_dim3A_514, %select_n3A_27] : memref<18x32x128xf32, #tpu.memory_space<vmem>>[vector<16xi32>, vector<16xi32>, vector<16xi32>], vector<16xf32>,
      tpu.vector_store_idx %arg12[%iota3A, %broadcast_in_dim3A_514], %gather3A_515 : memref<16x32xf32, #tpu.memory_space<vmem>>[vector<16xi32>, vector<16xi32>], vector<16xf32>,
      %broadcast_in_dim3A_516 = arith.constant 9 : i32
      %broadcast_in_dim3A_517 = vector.broadcast %broadcast_in_dim3A_516 : i32 to vector<16xi32>
      %gather3A_518 = tpu.vector_load_idx %arg11[%select_n3A_30, %broadcast_in_dim3A_517, %select_n3A_27] : memref<18x32x128xf32, #tpu.memory_space<vmem>>[vector<16xi32>, vector<16xi32>, vector<16xi32>], vector<16xf32>,
      tpu.vector_store_idx %arg12[%iota3A, %broadcast_in_dim3A_517], %gather3A_518 : memref<16x32xf32, #tpu.memory_space<vmem>>[vector<16xi32>, vector<16xi32>], vector<16xf32>,
      %broadcast_in_dim3A_519 = arith.constant 10 : i32
      %broadcast_in_dim3A_520 = vector.broadcast %broadcast_in_dim3A_519 : i32 to vector<16xi32>
      %gather3A_521 = tpu.vector_load_idx %arg11[%select_n3A_30, %broadcast_in_dim3A_520, %select_n3A_27] : memref<18x32x128xf32, #tpu.memory_space<vmem>>[vector<16xi32>, vector<16xi32>, vector<16xi32>], vector<16xf32>,
      tpu.vector_store_idx %arg12[%iota3A, %broadcast_in_dim3A_520], %gather3A_521 : memref<16x32xf32, #tpu.memory_space<vmem>>[vector<16xi32>, vector<16xi32>], vector<16xf32>,
      %broadcast_in_dim3A_522 = arith.constant 11 : i32
      %broadcast_in_dim3A_523 = vector.broadcast %broadcast_in_dim3A_522 : i32 to vector<16xi32>
      %gather3A_524 = tpu.vector_load_idx %arg11[%select_n3A_30, %broadcast_in_dim3A_523, %select_n3A_27] : memref<18x32x128xf32, #tpu.memory_space<vmem>>[vector<16xi32>, vector<16xi32>, vector<16xi32>], vector<16xf32>,
      tpu.vector_store_idx %arg12[%iota3A, %broadcast_in_dim3A_523], %gather3A_524 : memref<16x32xf32, #tpu.memory_space<vmem>>[vector<16xi32>, vector<16xi32>], vector<16xf32>,
      %broadcast_in_dim3A_525 = arith.constant 12 : i32
      %broadcast_in_dim3A_526 = vector.broadcast %broadcast_in_dim3A_525 : i32 to vector<16xi32>
      %gather3A_527 = tpu.vector_load_idx %arg11[%select_n3A_30, %broadcast_in_dim3A_526, %select_n3A_27] : memref<18x32x128xf32, #tpu.memory_space<vmem>>[vector<16xi32>, vector<16xi32>, vector<16xi32>], vector<16xf32>,
      tpu.vector_store_idx %arg12[%iota3A, %broadcast_in_dim3A_526], %gather3A_527 : memref<16x32xf32, #tpu.memory_space<vmem>>[vector<16xi32>, vector<16xi32>], vector<16xf32>,
      %broadcast_in_dim3A_528 = arith.constant 13 : i32
      %broadcast_in_dim3A_529 = vector.broadcast %broadcast_in_dim3A_528 : i32 to vector<16xi32>
      %gather3A_530 = tpu.vector_load_idx %arg11[%select_n3A_30, %broadcast_in_dim3A_529, %select_n3A_27] : memref<18x32x128xf32, #tpu.memory_space<vmem>>[vector<16xi32>, vector<16xi32>, vector<16xi32>], vector<16xf32>,
      tpu.vector_store_idx %arg12[%iota3A, %broadcast_in_dim3A_529], %gather3A_530 : memref<16x32xf32, #tpu.memory_space<vmem>>[vector<16xi32>, vector<16xi32>], vector<16xf32>,
      %broadcast_in_dim3A_531 = arith.constant 14 : i32
      %broadcast_in_dim3A_532 = vector.broadcast %broadcast_in_dim3A_531 : i32 to vector<16xi32>
      %gather3A_533 = tpu.vector_load_idx %arg11[%select_n3A_30, %broadcast_in_dim3A_532, %select_n3A_27] : memref<18x32x128xf32, #tpu.memory_space<vmem>>[vector<16xi32>, vector<16xi32>, vector<16xi32>], vector<16xf32>,
      tpu.vector_store_idx %arg12[%iota3A, %broadcast_in_dim3A_532], %gather3A_533 : memref<16x32xf32, #tpu.memory_space<vmem>>[vector<16xi32>, vector<16xi32>], vector<16xf32>,
      %broadcast_in_dim3A_534 = arith.constant 15 : i32
      %broadcast_in_dim3A_535 = vector.broadcast %broadcast_in_dim3A_534 : i32 to vector<16xi32>
      %gather3A_536 = tpu.vector_load_idx %arg11[%select_n3A_30, %broadcast_in_dim3A_535, %select_n3A_27] : memref<18x32x128xf32, #tpu.memory_space<vmem>>[vector<16xi32>, vector<16xi32>, vector<16xi32>], vector<16xf32>,
      tpu.vector_store_idx %arg12[%iota3A, %broadcast_in_dim3A_535], %gather3A_536 : memref<16x32xf32, #tpu.memory_space<vmem>>[vector<16xi32>, vector<16xi32>], vector<16xf32>,
      %broadcast_in_dim3A_537 = arith.constant 16 : i32
      %broadcast_in_dim3A_538 = vector.broadcast %broadcast_in_dim3A_537 : i32 to vector<16xi32>
      %gather3A_539 = tpu.vector_load_idx %arg11[%select_n3A_30, %broadcast_in_dim3A_538, %select_n3A_27] : memref<18x32x128xf32, #tpu.memory_space<vmem>>[vector<16xi32>, vector<16xi32>, vector<16xi32>], vector<16xf32>,
      tpu.vector_store_idx %arg12[%iota3A, %broadcast_in_dim3A_538], %gather3A_539 : memref<16x32xf32, #tpu.memory_space<vmem>>[vector<16xi32>, vector<16xi32>], vector<16xf32>,
      %broadcast_in_dim3A_540 = arith.constant 17 : i32
      %broadcast_in_dim3A_541 = vector.broadcast %broadcast_in_dim3A_540 : i32 to vector<16xi32>
      %gather3A_542 = tpu.vector_load_idx %arg11[%select_n3A_30, %broadcast_in_dim3A_541, %select_n3A_27] : memref<18x32x128xf32, #tpu.memory_space<vmem>>[vector<16xi32>, vector<16xi32>, vector<16xi32>], vector<16xf32>,
      tpu.vector_store_idx %arg12[%iota3A, %broadcast_in_dim3A_541], %gather3A_542 : memref<16x32xf32, #tpu.memory_space<vmem>>[vector<16xi32>, vector<16xi32>], vector<16xf32>,
      %broadcast_in_dim3A_543 = arith.constant 18 : i32
      %broadcast_in_dim3A_544 = vector.broadcast %broadcast_in_dim3A_543 : i32 to vector<16xi32>
      %gather3A_545 = tpu.vector_load_idx %arg11[%select_n3A_30, %broadcast_in_dim3A_544, %select_n3A_27] : memref<18x32x128xf32, #tpu.memory_space<vmem>>[vector<16xi32>, vector<16xi32>, vector<16xi32>], vector<16xf32>,
      tpu.vector_store_idx %arg12[%iota3A, %broadcast_in_dim3A_544], %gather3A_545 : memref<16x32xf32, #tpu.memory_space<vmem>>[vector<16xi32>, vector<16xi32>], vector<16xf32>,
      %broadcast_in_dim3A_546 = arith.constant 19 : i32
      %broadcast_in_dim3A_547 = vector.broadcast %broadcast_in_dim3A_546 : i32 to vector<16xi32>
      %gather3A_548 = tpu.vector_load_idx %arg11[%select_n3A_30, %broadcast_in_dim3A_547, %select_n3A_27] : memref<18x32x128xf32, #tpu.memory_space<vmem>>[vector<16xi32>, vector<16xi32>, vector<16xi32>], vector<16xf32>,
      tpu.vector_store_idx %arg12[%iota3A, %broadcast_in_dim3A_547], %gather3A_548 : memref<16x32xf32, #tpu.memory_space<vmem>>[vector<16xi32>, vector<16xi32>], vector<16xf32>,
      %broadcast_in_dim3A_549 = arith.constant 20 : i32
      %broadcast_in_dim3A_550 = vector.broadcast %broadcast_in_dim3A_549 : i32 to vector<16xi32>
      %gather3A_551 = tpu.vector_load_idx %arg11[%select_n3A_30, %broadcast_in_dim3A_550, %select_n3A_27] : memref<18x32x128xf32, #tpu.memory_space<vmem>>[vector<16xi32>, vector<16xi32>, vector<16xi32>], vector<16xf32>,
      tpu.vector_store_idx %arg12[%iota3A, %broadcast_in_dim3A_550], %gather3A_551 : memref<16x32xf32, #tpu.memory_space<vmem>>[vector<16xi32>, vector<16xi32>], vector<16xf32>,
      %broadcast_in_dim3A_552 = arith.constant 21 : i32
      %broadcast_in_dim3A_553 = vector.broadcast %broadcast_in_dim3A_552 : i32 to vector<16xi32>
      %gather3A_554 = tpu.vector_load_idx %arg11[%select_n3A_30, %broadcast_in_dim3A_553, %select_n3A_27] : memref<18x32x128xf32, #tpu.memory_space<vmem>>[vector<16xi32>, vector<16xi32>, vector<16xi32>], vector<16xf32>,
      tpu.vector_store_idx %arg12[%iota3A, %broadcast_in_dim3A_553], %gather3A_554 : memref<16x32xf32, #tpu.memory_space<vmem>>[vector<16xi32>, vector<16xi32>], vector<16xf32>,
      %broadcast_in_dim3A_555 = arith.constant 22 : i32
      %broadcast_in_dim3A_556 = vector.broadcast %broadcast_in_dim3A_555 : i32 to vector<16xi32>
      %gather3A_557 = tpu.vector_load_idx %arg11[%select_n3A_30, %broadcast_in_dim3A_556, %select_n3A_27] : memref<18x32x128xf32, #tpu.memory_space<vmem>>[vector<16xi32>, vector<16xi32>, vector<16xi32>], vector<16xf32>,
      tpu.vector_store_idx %arg12[%iota3A, %broadcast_in_dim3A_556], %gather3A_557 : memref<16x32xf32, #tpu.memory_space<vmem>>[vector<16xi32>, vector<16xi32>], vector<16xf32>,
      %broadcast_in_dim3A_558 = arith.constant 23 : i32
      %broadcast_in_dim3A_559 = vector.broadcast %broadcast_in_dim3A_558 : i32 to vector<16xi32>
      %gather3A_560 = tpu.vector_load_idx %arg11[%select_n3A_30, %broadcast_in_dim3A_559, %select_n3A_27] : memref<18x32x128xf32, #tpu.memory_space<vmem>>[vector<16xi32>, vector<16xi32>, vector<16xi32>], vector<16xf32>,
      tpu.vector_store_idx %arg12[%iota3A, %broadcast_in_dim3A_559], %gather3A_560 : memref<16x32xf32, #tpu.memory_space<vmem>>[vector<16xi32>, vector<16xi32>], vector<16xf32>,
      %broadcast_in_dim3A_561 = arith.constant 24 : i32
      %broadcast_in_dim3A_562 = vector.broadcast %broadcast_in_dim3A_561 : i32 to vector<16xi32>
      %gather3A_563 = tpu.vector_load_idx %arg11[%select_n3A_30, %broadcast_in_dim3A_562, %select_n3A_27] : memref<18x32x128xf32, #tpu.memory_space<vmem>>[vector<16xi32>, vector<16xi32>, vector<16xi32>], vector<16xf32>,
      tpu.vector_store_idx %arg12[%iota3A, %broadcast_in_dim3A_562], %gather3A_563 : memref<16x32xf32, #tpu.memory_space<vmem>>[vector<16xi32>, vector<16xi32>], vector<16xf32>,
      %broadcast_in_dim3A_564 = arith.constant 25 : i32
      %broadcast_in_dim3A_565 = vector.broadcast %broadcast_in_dim3A_564 : i32 to vector<16xi32>
      %gather3A_566 = tpu.vector_load_idx %arg11[%select_n3A_30, %broadcast_in_dim3A_565, %select_n3A_27] : memref<18x32x128xf32, #tpu.memory_space<vmem>>[vector<16xi32>, vector<16xi32>, vector<16xi32>], vector<16xf32>,
      tpu.vector_store_idx %arg12[%iota3A, %broadcast_in_dim3A_565], %gather3A_566 : memref<16x32xf32, #tpu.memory_space<vmem>>[vector<16xi32>, vector<16xi32>], vector<16xf32>,
      %broadcast_in_dim3A_567 = arith.constant 26 : i32
      %broadcast_in_dim3A_568 = vector.broadcast %broadcast_in_dim3A_567 : i32 to vector<16xi32>
      %gather3A_569 = tpu.vector_load_idx %arg11[%select_n3A_30, %broadcast_in_dim3A_568, %select_n3A_27] : memref<18x32x128xf32, #tpu.memory_space<vmem>>[vector<16xi32>, vector<16xi32>, vector<16xi32>], vector<16xf32>,
      tpu.vector_store_idx %arg12[%iota3A, %broadcast_in_dim3A_568], %gather3A_569 : memref<16x32xf32, #tpu.memory_space<vmem>>[vector<16xi32>, vector<16xi32>], vector<16xf32>,
      %broadcast_in_dim3A_570 = arith.constant 27 : i32
      %broadcast_in_dim3A_571 = vector.broadcast %broadcast_in_dim3A_570 : i32 to vector<16xi32>
      %gather3A_572 = tpu.vector_load_idx %arg11[%select_n3A_30, %broadcast_in_dim3A_571, %select_n3A_27] : memref<18x32x128xf32, #tpu.memory_space<vmem>>[vector<16xi32>, vector<16xi32>, vector<16xi32>], vector<16xf32>,
      tpu.vector_store_idx %arg12[%iota3A, %broadcast_in_dim3A_571], %gather3A_572 : memref<16x32xf32, #tpu.memory_space<vmem>>[vector<16xi32>, vector<16xi32>], vector<16xf32>,
      %broadcast_in_dim3A_573 = arith.constant 28 : i32
      %broadcast_in_dim3A_574 = vector.broadcast %broadcast_in_dim3A_573 : i32 to vector<16xi32>
      %gather3A_575 = tpu.vector_load_idx %arg11[%select_n3A_30, %broadcast_in_dim3A_574, %select_n3A_27] : memref<18x32x128xf32, #tpu.memory_space<vmem>>[vector<16xi32>, vector<16xi32>, vector<16xi32>], vector<16xf32>,
      tpu.vector_store_idx %arg12[%iota3A, %broadcast_in_dim3A_574], %gather3A_575 : memref<16x32xf32, #tpu.memory_space<vmem>>[vector<16xi32>, vector<16xi32>], vector<16xf32>,
      %broadcast_in_dim3A_576 = arith.constant 29 : i32
      %broadcast_in_dim3A_577 = vector.broadcast %broadcast_in_dim3A_576 : i32 to vector<16xi32>
      %gather3A_578 = tpu.vector_load_idx %arg11[%select_n3A_30, %broadcast_in_dim3A_577, %select_n3A_27] : memref<18x32x128xf32, #tpu.memory_space<vmem>>[vector<16xi32>, vector<16xi32>, vector<16xi32>], vector<16xf32>,
      tpu.vector_store_idx %arg12[%iota3A, %broadcast_in_dim3A_577], %gather3A_578 : memref<16x32xf32, #tpu.memory_space<vmem>>[vector<16xi32>, vector<16xi32>], vector<16xf32>,
      %broadcast_in_dim3A_579 = arith.constant 30 : i32
      %broadcast_in_dim3A_580 = vector.broadcast %broadcast_in_dim3A_579 : i32 to vector<16xi32>
      %gather3A_581 = tpu.vector_load_idx %arg11[%select_n3A_30, %broadcast_in_dim3A_580, %select_n3A_27] : memref<18x32x128xf32, #tpu.memory_space<vmem>>[vector<16xi32>, vector<16xi32>, vector<16xi32>], vector<16xf32>,
      tpu.vector_store_idx %arg12[%iota3A, %broadcast_in_dim3A_580], %gather3A_581 : memref<16x32xf32, #tpu.memory_space<vmem>>[vector<16xi32>, vector<16xi32>], vector<16xf32>,
      %broadcast_in_dim3A_582 = arith.constant 31 : i32
      %broadcast_in_dim3A_583 = vector.broadcast %broadcast_in_dim3A_582 : i32 to vector<16xi32>
      %gather3A_584 = tpu.vector_load_idx %arg11[%select_n3A_30, %broadcast_in_dim3A_583, %select_n3A_27] : memref<18x32x128xf32, #tpu.memory_space<vmem>>[vector<16xi32>, vector<16xi32>, vector<16xi32>], vector<16xf32>,
      tpu.vector_store_idx %arg12[%iota3A, %broadcast_in_dim3A_583], %gather3A_584 : memref<16x32xf32, #tpu.memory_space<vmem>>[vector<16xi32>, vector<16xi32>], vector<16xf32>,
      %ge3A_585 = arith.constant 999936 : i32
      %ge3A_586 = vector.broadcast %ge3A_585 : i32 to vector<16xi32>
      %ge3A_587 = arith.cmpi sge, %get3A_16, %ge3A_586 : vector<16xi32>
      %shift_right_arithmetic3A_588 = arith.constant 7 : i32
      %shift_right_arithmetic3A_589 = vector.broadcast %shift_right_arithmetic3A_588 : i32 to vector<16xi32>
      %shift_right_arithmetic3A_590 = arith.shrsi %get3A_16, %shift_right_arithmetic3A_589 : vector<16xi32>
      %mul3A_591 = arith.constant 128 : i32
      %mul3A_592 = vector.broadcast %mul3A_591 : i32 to vector<16xi32>
      %mul3A_593 = arith.muli %shift_right_arithmetic3A_590, %mul3A_592 : vector<16xi32>
      %jit3A_594 = arith.constant 0 : i32
      %broadcast_in_dim3A_595 = vector.broadcast %jit3A_594 : i32 to vector<16xi32>
      %select_n3A_596 = arith.select %ge3A_587, %broadcast_in_dim3A_595, %mul3A_593 : vector<16xi1>, vector<16xi32>
      %sub3A_597 = arith.constant 999936 : i32
      %sub3A_598 = vector.broadcast %sub3A_597 : i32 to vector<16xi32>
      %sub3A_599 = arith.subi %get3A_16, %sub3A_598 : vector<16xi32>
      %sub3A_600 = arith.subi %get3A_16, %select_n3A_596 : vector<16xi32>
      %select_n3A_601 = arith.select %ge3A_587, %sub3A_599, %sub3A_600 : vector<16xi1>, vector<16xi32>
      %jit3A_602 = arith.constant 17 : i32
      %broadcast_in_dim3A_603 = vector.broadcast %jit3A_602 : i32 to vector<16xi32>
      %select_n3A_604 = arith.select %ge3A_587, %broadcast_in_dim3A_603, %iota3A : vector<16xi1>, vector<16xi32>
      %slice3A_605 = vector.extract_strided_slice %select_n3A_596 {offsets = [0], sizes = [1], strides = [1]} : vector<16xi32> to vector<1xi32>
      %squeeze3A_606 = vector.extract %slice3A_605[0] : i32 from vector<1xi32>
      %multiple_of3A_607 = tpu.assume_multiple %squeeze3A_606, 128 : i32
      %dma_start3A_608 = arith.constant 0 : i32
      %dma_start3A_609 = arith.constant 0 : i32
      %dma_start3A_610 = arith.constant 0 : i32
      %dma_start3A_611 = tpu.memref_slice %arg11[%dma_start3A_608, %dma_start3A_609, %dma_start3A_610] : memref<18x32x128xf32, #tpu.memory_space<vmem>> -> memref<1x32x128xf32, #tpu.memory_space<vmem>>
      %dma_start3A_612 = tpu.memref_squeeze %dma_start3A_611 : memref<1x32x128xf32, #tpu.memory_space<vmem>> -> memref<32x128xf32, #tpu.memory_space<vmem>>
      %dma_start3A_613 = arith.constant 0 : i32
      %dma_start3A_614 = tpu.memref_slice %arg5[%dma_start3A_613, %multiple_of3A_607] : memref<32x1000000xf32, #tpu.memory_space<hbm>> -> memref<32x128xf32, #tpu.memory_space<hbm>>
      %dma_start3A_615 = arith.constant 0 : i32
      %dma_start3A_616 = arith.constant 0 : i32
      %dma_start3A_617 = tpu.memref_slice %arg11[%dma_start3A_608, %dma_start3A_615, %dma_start3A_616] : memref<18x32x128xf32, #tpu.memory_space<vmem>> -> memref<1x32x128xf32, #tpu.memory_space<vmem>>
      %dma_start3A_618 = tpu.memref_squeeze %dma_start3A_617 : memref<1x32x128xf32, #tpu.memory_space<vmem>> -> memref<32x128xf32, #tpu.memory_space<vmem>>
      %dma_start3A_619 = arith.constant 0 : i32
      %dma_start3A_620 = tpu.memref_slice %arg5[%dma_start3A_619, %multiple_of3A_607] : memref<32x1000000xf32, #tpu.memory_space<hbm>> -> memref<32x128xf32, #tpu.memory_space<hbm>>
      tpu.enqueue_dma source(%dma_start3A_620 : memref<32x128xf32, #tpu.memory_space<hbm>>) target(%dma_start3A_618 : memref<32x128xf32, #tpu.memory_space<vmem>>) target_semaphore(%arg14 : memref<!tpu.dma_semaphore, #tpu.memory_space<semaphore_mem>>)
      %slice3A_621 = vector.extract_strided_slice %select_n3A_596 {offsets = [1], sizes = [1], strides = [1]} : vector<16xi32> to vector<1xi32>
      %squeeze3A_622 = vector.extract %slice3A_621[0] : i32 from vector<1xi32>
      %multiple_of3A_623 = tpu.assume_multiple %squeeze3A_622, 128 : i32
      %dma_start3A_624 = arith.constant 1 : i32
      %dma_start3A_625 = arith.constant 0 : i32
      %dma_start3A_626 = arith.constant 0 : i32
      %dma_start3A_627 = tpu.memref_slice %arg11[%dma_start3A_624, %dma_start3A_625, %dma_start3A_626] : memref<18x32x128xf32, #tpu.memory_space<vmem>> -> memref<1x32x128xf32, #tpu.memory_space<vmem>>
      %dma_start3A_628 = tpu.memref_squeeze %dma_start3A_627 : memref<1x32x128xf32, #tpu.memory_space<vmem>> -> memref<32x128xf32, #tpu.memory_space<vmem>>
      %dma_start3A_629 = arith.constant 0 : i32
      %dma_start3A_630 = tpu.memref_slice %arg5[%dma_start3A_629, %multiple_of3A_623] : memref<32x1000000xf32, #tpu.memory_space<hbm>> -> memref<32x128xf32, #tpu.memory_space<hbm>>
      %dma_start3A_631 = arith.constant 0 : i32
      %dma_start3A_632 = arith.constant 0 : i32
      %dma_start3A_633 = tpu.memref_slice %arg11[%dma_start3A_624, %dma_start3A_631, %dma_start3A_632] : memref<18x32x128xf32, #tpu.memory_space<vmem>> -> memref<1x32x128xf32, #tpu.memory_space<vmem>>
      %dma_start3A_634 = tpu.memref_squeeze %dma_start3A_633 : memref<1x32x128xf32, #tpu.memory_space<vmem>> -> memref<32x128xf32, #tpu.memory_space<vmem>>
      %dma_start3A_635 = arith.constant 0 : i32
      %dma_start3A_636 = tpu.memref_slice %arg5[%dma_start3A_635, %multiple_of3A_623] : memref<32x1000000xf32, #tpu.memory_space<hbm>> -> memref<32x128xf32, #tpu.memory_space<hbm>>
      tpu.enqueue_dma source(%dma_start3A_636 : memref<32x128xf32, #tpu.memory_space<hbm>>) target(%dma_start3A_634 : memref<32x128xf32, #tpu.memory_space<vmem>>) target_semaphore(%arg14 : memref<!tpu.dma_semaphore, #tpu.memory_space<semaphore_mem>>)
      %slice3A_637 = vector.extract_strided_slice %select_n3A_596 {offsets = [2], sizes = [1], strides = [1]} : vector<16xi32> to vector<1xi32>
      %squeeze3A_638 = vector.extract %slice3A_637[0] : i32 from vector<1xi32>
      %multiple_of3A_639 = tpu.assume_multiple %squeeze3A_638, 128 : i32
      %dma_start3A_640 = arith.constant 2 : i32
      %dma_start3A_641 = arith.constant 0 : i32
      %dma_start3A_642 = arith.constant 0 : i32
      %dma_start3A_643 = tpu.memref_slice %arg11[%dma_start3A_640, %dma_start3A_641, %dma_start3A_642] : memref<18x32x128xf32, #tpu.memory_space<vmem>> -> memref<1x32x128xf32, #tpu.memory_space<vmem>>
      %dma_start3A_644 = tpu.memref_squeeze %dma_start3A_643 : memref<1x32x128xf32, #tpu.memory_space<vmem>> -> memref<32x128xf32, #tpu.memory_space<vmem>>
      %dma_start3A_645 = arith.constant 0 : i32
      %dma_start3A_646 = tpu.memref_slice %arg5[%dma_start3A_645, %multiple_of3A_639] : memref<32x1000000xf32, #tpu.memory_space<hbm>> -> memref<32x128xf32, #tpu.memory_space<hbm>>
      %dma_start3A_647 = arith.constant 0 : i32
      %dma_start3A_648 = arith.constant 0 : i32
      %dma_start3A_649 = tpu.memref_slice %arg11[%dma_start3A_640, %dma_start3A_647, %dma_start3A_648] : memref<18x32x128xf32, #tpu.memory_space<vmem>> -> memref<1x32x128xf32, #tpu.memory_space<vmem>>
      %dma_start3A_650 = tpu.memref_squeeze %dma_start3A_649 : memref<1x32x128xf32, #tpu.memory_space<vmem>> -> memref<32x128xf32, #tpu.memory_space<vmem>>
      %dma_start3A_651 = arith.constant 0 : i32
      %dma_start3A_652 = tpu.memref_slice %arg5[%dma_start3A_651, %multiple_of3A_639] : memref<32x1000000xf32, #tpu.memory_space<hbm>> -> memref<32x128xf32, #tpu.memory_space<hbm>>
      tpu.enqueue_dma source(%dma_start3A_652 : memref<32x128xf32, #tpu.memory_space<hbm>>) target(%dma_start3A_650 : memref<32x128xf32, #tpu.memory_space<vmem>>) target_semaphore(%arg14 : memref<!tpu.dma_semaphore, #tpu.memory_space<semaphore_mem>>)
      %slice3A_653 = vector.extract_strided_slice %select_n3A_596 {offsets = [3], sizes = [1], strides = [1]} : vector<16xi32> to vector<1xi32>
      %squeeze3A_654 = vector.extract %slice3A_653[0] : i32 from vector<1xi32>
      %multiple_of3A_655 = tpu.assume_multiple %squeeze3A_654, 128 : i32
      %dma_start3A_656 = arith.constant 3 : i32
      %dma_start3A_657 = arith.constant 0 : i32
      %dma_start3A_658 = arith.constant 0 : i32
      %dma_start3A_659 = tpu.memref_slice %arg11[%dma_start3A_656, %dma_start3A_657, %dma_start3A_658] : memref<18x32x128xf32, #tpu.memory_space<vmem>> -> memref<1x32x128xf32, #tpu.memory_space<vmem>>
      %dma_start3A_660 = tpu.memref_squeeze %dma_start3A_659 : memref<1x32x128xf32, #tpu.memory_space<vmem>> -> memref<32x128xf32, #tpu.memory_space<vmem>>
      %dma_start3A_661 = arith.constant 0 : i32
      %dma_start3A_662 = tpu.memref_slice %arg5[%dma_start3A_661, %multiple_of3A_655] : memref<32x1000000xf32, #tpu.memory_space<hbm>> -> memref<32x128xf32, #tpu.memory_space<hbm>>
      %dma_start3A_663 = arith.constant 0 : i32
      %dma_start3A_664 = arith.constant 0 : i32
      %dma_start3A_665 = tpu.memref_slice %arg11[%dma_start3A_656, %dma_start3A_663, %dma_start3A_664] : memref<18x32x128xf32, #tpu.memory_space<vmem>> -> memref<1x32x128xf32, #tpu.memory_space<vmem>>
      %dma_start3A_666 = tpu.memref_squeeze %dma_start3A_665 : memref<1x32x128xf32, #tpu.memory_space<vmem>> -> memref<32x128xf32, #tpu.memory_space<vmem>>
      %dma_start3A_667 = arith.constant 0 : i32
      %dma_start3A_668 = tpu.memref_slice %arg5[%dma_start3A_667, %multiple_of3A_655] : memref<32x1000000xf32, #tpu.memory_space<hbm>> -> memref<32x128xf32, #tpu.memory_space<hbm>>
      tpu.enqueue_dma source(%dma_start3A_668 : memref<32x128xf32, #tpu.memory_space<hbm>>) target(%dma_start3A_666 : memref<32x128xf32, #tpu.memory_space<vmem>>) target_semaphore(%arg14 : memref<!tpu.dma_semaphore, #tpu.memory_space<semaphore_mem>>)
      %slice3A_669 = vector.extract_strided_slice %select_n3A_596 {offsets = [4], sizes = [1], strides = [1]} : vector<16xi32> to vector<1xi32>
      %squeeze3A_670 = vector.extract %slice3A_669[0] : i32 from vector<1xi32>
      %multiple_of3A_671 = tpu.assume_multiple %squeeze3A_670, 128 : i32
      %dma_start3A_672 = arith.constant 4 : i32
      %dma_start3A_673 = arith.constant 0 : i32
      %dma_start3A_674 = arith.constant 0 : i32
      %dma_start3A_675 = tpu.memref_slice %arg11[%dma_start3A_672, %dma_start3A_673, %dma_start3A_674] : memref<18x32x128xf32, #tpu.memory_space<vmem>> -> memref<1x32x128xf32, #tpu.memory_space<vmem>>
      %dma_start3A_676 = tpu.memref_squeeze %dma_start3A_675 : memref<1x32x128xf32, #tpu.memory_space<vmem>> -> memref<32x128xf32, #tpu.memory_space<vmem>>
      %dma_start3A_677 = arith.constant 0 : i32
      %dma_start3A_678 = tpu.memref_slice %arg5[%dma_start3A_677, %multiple_of3A_671] : memref<32x1000000xf32, #tpu.memory_space<hbm>> -> memref<32x128xf32, #tpu.memory_space<hbm>>
      %dma_start3A_679 = arith.constant 0 : i32
      %dma_start3A_680 = arith.constant 0 : i32
      %dma_start3A_681 = tpu.memref_slice %arg11[%dma_start3A_672, %dma_start3A_679, %dma_start3A_680] : memref<18x32x128xf32, #tpu.memory_space<vmem>> -> memref<1x32x128xf32, #tpu.memory_space<vmem>>
      %dma_start3A_682 = tpu.memref_squeeze %dma_start3A_681 : memref<1x32x128xf32, #tpu.memory_space<vmem>> -> memref<32x128xf32, #tpu.memory_space<vmem>>
      %dma_start3A_683 = arith.constant 0 : i32
      %dma_start3A_684 = tpu.memref_slice %arg5[%dma_start3A_683, %multiple_of3A_671] : memref<32x1000000xf32, #tpu.memory_space<hbm>> -> memref<32x128xf32, #tpu.memory_space<hbm>>
      tpu.enqueue_dma source(%dma_start3A_684 : memref<32x128xf32, #tpu.memory_space<hbm>>) target(%dma_start3A_682 : memref<32x128xf32, #tpu.memory_space<vmem>>) target_semaphore(%arg14 : memref<!tpu.dma_semaphore, #tpu.memory_space<semaphore_mem>>)
      %slice3A_685 = vector.extract_strided_slice %select_n3A_596 {offsets = [5], sizes = [1], strides = [1]} : vector<16xi32> to vector<1xi32>
      %squeeze3A_686 = vector.extract %slice3A_685[0] : i32 from vector<1xi32>
      %multiple_of3A_687 = tpu.assume_multiple %squeeze3A_686, 128 : i32
      %dma_start3A_688 = arith.constant 5 : i32
      %dma_start3A_689 = arith.constant 0 : i32
      %dma_start3A_690 = arith.constant 0 : i32
      %dma_start3A_691 = tpu.memref_slice %arg11[%dma_start3A_688, %dma_start3A_689, %dma_start3A_690] : memref<18x32x128xf32, #tpu.memory_space<vmem>> -> memref<1x32x128xf32, #tpu.memory_space<vmem>>
      %dma_start3A_692 = tpu.memref_squeeze %dma_start3A_691 : memref<1x32x128xf32, #tpu.memory_space<vmem>> -> memref<32x128xf32, #tpu.memory_space<vmem>>
      %dma_start3A_693 = arith.constant 0 : i32
      %dma_start3A_694 = tpu.memref_slice %arg5[%dma_start3A_693, %multiple_of3A_687] : memref<32x1000000xf32, #tpu.memory_space<hbm>> -> memref<32x128xf32, #tpu.memory_space<hbm>>
      %dma_start3A_695 = arith.constant 0 : i32
      %dma_start3A_696 = arith.constant 0 : i32
      %dma_start3A_697 = tpu.memref_slice %arg11[%dma_start3A_688, %dma_start3A_695, %dma_start3A_696] : memref<18x32x128xf32, #tpu.memory_space<vmem>> -> memref<1x32x128xf32, #tpu.memory_space<vmem>>
      %dma_start3A_698 = tpu.memref_squeeze %dma_start3A_697 : memref<1x32x128xf32, #tpu.memory_space<vmem>> -> memref<32x128xf32, #tpu.memory_space<vmem>>
      %dma_start3A_699 = arith.constant 0 : i32
      %dma_start3A_700 = tpu.memref_slice %arg5[%dma_start3A_699, %multiple_of3A_687] : memref<32x1000000xf32, #tpu.memory_space<hbm>> -> memref<32x128xf32, #tpu.memory_space<hbm>>
      tpu.enqueue_dma source(%dma_start3A_700 : memref<32x128xf32, #tpu.memory_space<hbm>>) target(%dma_start3A_698 : memref<32x128xf32, #tpu.memory_space<vmem>>) target_semaphore(%arg14 : memref<!tpu.dma_semaphore, #tpu.memory_space<semaphore_mem>>)
      %slice3A_701 = vector.extract_strided_slice %select_n3A_596 {offsets = [6], sizes = [1], strides = [1]} : vector<16xi32> to vector<1xi32>
      %squeeze3A_702 = vector.extract %slice3A_701[0] : i32 from vector<1xi32>
      %multiple_of3A_703 = tpu.assume_multiple %squeeze3A_702, 128 : i32
      %dma_start3A_704 = arith.constant 6 : i32
      %dma_start3A_705 = arith.constant 0 : i32
      %dma_start3A_706 = arith.constant 0 : i32
      %dma_start3A_707 = tpu.memref_slice %arg11[%dma_start3A_704, %dma_start3A_705, %dma_start3A_706] : memref<18x32x128xf32, #tpu.memory_space<vmem>> -> memref<1x32x128xf32, #tpu.memory_space<vmem>>
      %dma_start3A_708 = tpu.memref_squeeze %dma_start3A_707 : memref<1x32x128xf32, #tpu.memory_space<vmem>> -> memref<32x128xf32, #tpu.memory_space<vmem>>
      %dma_start3A_709 = arith.constant 0 : i32
      %dma_start3A_710 = tpu.memref_slice %arg5[%dma_start3A_709, %multiple_of3A_703] : memref<32x1000000xf32, #tpu.memory_space<hbm>> -> memref<32x128xf32, #tpu.memory_space<hbm>>
      %dma_start3A_711 = arith.constant 0 : i32
      %dma_start3A_712 = arith.constant 0 : i32
      %dma_start3A_713 = tpu.memref_slice %arg11[%dma_start3A_704, %dma_start3A_711, %dma_start3A_712] : memref<18x32x128xf32, #tpu.memory_space<vmem>> -> memref<1x32x128xf32, #tpu.memory_space<vmem>>
      %dma_start3A_714 = tpu.memref_squeeze %dma_start3A_713 : memref<1x32x128xf32, #tpu.memory_space<vmem>> -> memref<32x128xf32, #tpu.memory_space<vmem>>
      %dma_start3A_715 = arith.constant 0 : i32
      %dma_start3A_716 = tpu.memref_slice %arg5[%dma_start3A_715, %multiple_of3A_703] : memref<32x1000000xf32, #tpu.memory_space<hbm>> -> memref<32x128xf32, #tpu.memory_space<hbm>>
      tpu.enqueue_dma source(%dma_start3A_716 : memref<32x128xf32, #tpu.memory_space<hbm>>) target(%dma_start3A_714 : memref<32x128xf32, #tpu.memory_space<vmem>>) target_semaphore(%arg14 : memref<!tpu.dma_semaphore, #tpu.memory_space<semaphore_mem>>)
      %slice3A_717 = vector.extract_strided_slice %select_n3A_596 {offsets = [7], sizes = [1], strides = [1]} : vector<16xi32> to vector<1xi32>
      %squeeze3A_718 = vector.extract %slice3A_717[0] : i32 from vector<1xi32>
      %multiple_of3A_719 = tpu.assume_multiple %squeeze3A_718, 128 : i32
      %dma_start3A_720 = arith.constant 7 : i32
      %dma_start3A_721 = arith.constant 0 : i32
      %dma_start3A_722 = arith.constant 0 : i32
      %dma_start3A_723 = tpu.memref_slice %arg11[%dma_start3A_720, %dma_start3A_721, %dma_start3A_722] : memref<18x32x128xf32, #tpu.memory_space<vmem>> -> memref<1x32x128xf32, #tpu.memory_space<vmem>>
      %dma_start3A_724 = tpu.memref_squeeze %dma_start3A_723 : memref<1x32x128xf32, #tpu.memory_space<vmem>> -> memref<32x128xf32, #tpu.memory_space<vmem>>
      %dma_start3A_725 = arith.constant 0 : i32
      %dma_start3A_726 = tpu.memref_slice %arg5[%dma_start3A_725, %multiple_of3A_719] : memref<32x1000000xf32, #tpu.memory_space<hbm>> -> memref<32x128xf32, #tpu.memory_space<hbm>>
      %dma_start3A_727 = arith.constant 0 : i32
      %dma_start3A_728 = arith.constant 0 : i32
      %dma_start3A_729 = tpu.memref_slice %arg11[%dma_start3A_720, %dma_start3A_727, %dma_start3A_728] : memref<18x32x128xf32, #tpu.memory_space<vmem>> -> memref<1x32x128xf32, #tpu.memory_space<vmem>>
      %dma_start3A_730 = tpu.memref_squeeze %dma_start3A_729 : memref<1x32x128xf32, #tpu.memory_space<vmem>> -> memref<32x128xf32, #tpu.memory_space<vmem>>
      %dma_start3A_731 = arith.constant 0 : i32
      %dma_start3A_732 = tpu.memref_slice %arg5[%dma_start3A_731, %multiple_of3A_719] : memref<32x1000000xf32, #tpu.memory_space<hbm>> -> memref<32x128xf32, #tpu.memory_space<hbm>>
      tpu.enqueue_dma source(%dma_start3A_732 : memref<32x128xf32, #tpu.memory_space<hbm>>) target(%dma_start3A_730 : memref<32x128xf32, #tpu.memory_space<vmem>>) target_semaphore(%arg14 : memref<!tpu.dma_semaphore, #tpu.memory_space<semaphore_mem>>)
      %slice3A_733 = vector.extract_strided_slice %select_n3A_596 {offsets = [8], sizes = [1], strides = [1]} : vector<16xi32> to vector<1xi32>
      %squeeze3A_734 = vector.extract %slice3A_733[0] : i32 from vector<1xi32>
      %multiple_of3A_735 = tpu.assume_multiple %squeeze3A_734, 128 : i32
      %dma_start3A_736 = arith.constant 8 : i32
      %dma_start3A_737 = arith.constant 0 : i32
      %dma_start3A_738 = arith.constant 0 : i32
      %dma_start3A_739 = tpu.memref_slice %arg11[%dma_start3A_736, %dma_start3A_737, %dma_start3A_738] : memref<18x32x128xf32, #tpu.memory_space<vmem>> -> memref<1x32x128xf32, #tpu.memory_space<vmem>>
      %dma_start3A_740 = tpu.memref_squeeze %dma_start3A_739 : memref<1x32x128xf32, #tpu.memory_space<vmem>> -> memref<32x128xf32, #tpu.memory_space<vmem>>
      %dma_start3A_741 = arith.constant 0 : i32
      %dma_start3A_742 = tpu.memref_slice %arg5[%dma_start3A_741, %multiple_of3A_735] : memref<32x1000000xf32, #tpu.memory_space<hbm>> -> memref<32x128xf32, #tpu.memory_space<hbm>>
      %dma_start3A_743 = arith.constant 0 : i32
      %dma_start3A_744 = arith.constant 0 : i32
      %dma_start3A_745 = tpu.memref_slice %arg11[%dma_start3A_736, %dma_start3A_743, %dma_start3A_744] : memref<18x32x128xf32, #tpu.memory_space<vmem>> -> memref<1x32x128xf32, #tpu.memory_space<vmem>>
      %dma_start3A_746 = tpu.memref_squeeze %dma_start3A_745 : memref<1x32x128xf32, #tpu.memory_space<vmem>> -> memref<32x128xf32, #tpu.memory_space<vmem>>
      %dma_start3A_747 = arith.constant 0 : i32
      %dma_start3A_748 = tpu.memref_slice %arg5[%dma_start3A_747, %multiple_of3A_735] : memref<32x1000000xf32, #tpu.memory_space<hbm>> -> memref<32x128xf32, #tpu.memory_space<hbm>>
      tpu.enqueue_dma source(%dma_start3A_748 : memref<32x128xf32, #tpu.memory_space<hbm>>) target(%dma_start3A_746 : memref<32x128xf32, #tpu.memory_space<vmem>>) target_semaphore(%arg14 : memref<!tpu.dma_semaphore, #tpu.memory_space<semaphore_mem>>)
      %slice3A_749 = vector.extract_strided_slice %select_n3A_596 {offsets = [9], sizes = [1], strides = [1]} : vector<16xi32> to vector<1xi32>
      %squeeze3A_750 = vector.extract %slice3A_749[0] : i32 from vector<1xi32>
      %multiple_of3A_751 = tpu.assume_multiple %squeeze3A_750, 128 : i32
      %dma_start3A_752 = arith.constant 9 : i32
      %dma_start3A_753 = arith.constant 0 : i32
      %dma_start3A_754 = arith.constant 0 : i32
      %dma_start3A_755 = tpu.memref_slice %arg11[%dma_start3A_752, %dma_start3A_753, %dma_start3A_754] : memref<18x32x128xf32, #tpu.memory_space<vmem>> -> memref<1x32x128xf32, #tpu.memory_space<vmem>>
      %dma_start3A_756 = tpu.memref_squeeze %dma_start3A_755 : memref<1x32x128xf32, #tpu.memory_space<vmem>> -> memref<32x128xf32, #tpu.memory_space<vmem>>
      %dma_start3A_757 = arith.constant 0 : i32
      %dma_start3A_758 = tpu.memref_slice %arg5[%dma_start3A_757, %multiple_of3A_751] : memref<32x1000000xf32, #tpu.memory_space<hbm>> -> memref<32x128xf32, #tpu.memory_space<hbm>>
      %dma_start3A_759 = arith.constant 0 : i32
      %dma_start3A_760 = arith.constant 0 : i32
      %dma_start3A_761 = tpu.memref_slice %arg11[%dma_start3A_752, %dma_start3A_759, %dma_start3A_760] : memref<18x32x128xf32, #tpu.memory_space<vmem>> -> memref<1x32x128xf32, #tpu.memory_space<vmem>>
      %dma_start3A_762 = tpu.memref_squeeze %dma_start3A_761 : memref<1x32x128xf32, #tpu.memory_space<vmem>> -> memref<32x128xf32, #tpu.memory_space<vmem>>
      %dma_start3A_763 = arith.constant 0 : i32
      %dma_start3A_764 = tpu.memref_slice %arg5[%dma_start3A_763, %multiple_of3A_751] : memref<32x1000000xf32, #tpu.memory_space<hbm>> -> memref<32x128xf32, #tpu.memory_space<hbm>>
      tpu.enqueue_dma source(%dma_start3A_764 : memref<32x128xf32, #tpu.memory_space<hbm>>) target(%dma_start3A_762 : memref<32x128xf32, #tpu.memory_space<vmem>>) target_semaphore(%arg14 : memref<!tpu.dma_semaphore, #tpu.memory_space<semaphore_mem>>)
      %slice3A_765 = vector.extract_strided_slice %select_n3A_596 {offsets = [10], sizes = [1], strides = [1]} : vector<16xi32> to vector<1xi32>
      %squeeze3A_766 = vector.extract %slice3A_765[0] : i32 from vector<1xi32>
      %multiple_of3A_767 = tpu.assume_multiple %squeeze3A_766, 128 : i32
      %dma_start3A_768 = arith.constant 10 : i32
      %dma_start3A_769 = arith.constant 0 : i32
      %dma_start3A_770 = arith.constant 0 : i32
      %dma_start3A_771 = tpu.memref_slice %arg11[%dma_start3A_768, %dma_start3A_769, %dma_start3A_770] : memref<18x32x128xf32, #tpu.memory_space<vmem>> -> memref<1x32x128xf32, #tpu.memory_space<vmem>>
      %dma_start3A_772 = tpu.memref_squeeze %dma_start3A_771 : memref<1x32x128xf32, #tpu.memory_space<vmem>> -> memref<32x128xf32, #tpu.memory_space<vmem>>
      %dma_start3A_773 = arith.constant 0 : i32
      %dma_start3A_774 = tpu.memref_slice %arg5[%dma_start3A_773, %multiple_of3A_767] : memref<32x1000000xf32, #tpu.memory_space<hbm>> -> memref<32x128xf32, #tpu.memory_space<hbm>>
      %dma_start3A_775 = arith.constant 0 : i32
      %dma_start3A_776 = arith.constant 0 : i32
      %dma_start3A_777 = tpu.memref_slice %arg11[%dma_start3A_768, %dma_start3A_775, %dma_start3A_776] : memref<18x32x128xf32, #tpu.memory_space<vmem>> -> memref<1x32x128xf32, #tpu.memory_space<vmem>>
      %dma_start3A_778 = tpu.memref_squeeze %dma_start3A_777 : memref<1x32x128xf32, #tpu.memory_space<vmem>> -> memref<32x128xf32, #tpu.memory_space<vmem>>
      %dma_start3A_779 = arith.constant 0 : i32
      %dma_start3A_780 = tpu.memref_slice %arg5[%dma_start3A_779, %multiple_of3A_767] : memref<32x1000000xf32, #tpu.memory_space<hbm>> -> memref<32x128xf32, #tpu.memory_space<hbm>>
      tpu.enqueue_dma source(%dma_start3A_780 : memref<32x128xf32, #tpu.memory_space<hbm>>) target(%dma_start3A_778 : memref<32x128xf32, #tpu.memory_space<vmem>>) target_semaphore(%arg14 : memref<!tpu.dma_semaphore, #tpu.memory_space<semaphore_mem>>)
      %slice3A_781 = vector.extract_strided_slice %select_n3A_596 {offsets = [11], sizes = [1], strides = [1]} : vector<16xi32> to vector<1xi32>
      %squeeze3A_782 = vector.extract %slice3A_781[0] : i32 from vector<1xi32>
      %multiple_of3A_783 = tpu.assume_multiple %squeeze3A_782, 128 : i32
      %dma_start3A_784 = arith.constant 11 : i32
      %dma_start3A_785 = arith.constant 0 : i32
      %dma_start3A_786 = arith.constant 0 : i32
      %dma_start3A_787 = tpu.memref_slice %arg11[%dma_start3A_784, %dma_start3A_785, %dma_start3A_786] : memref<18x32x128xf32, #tpu.memory_space<vmem>> -> memref<1x32x128xf32, #tpu.memory_space<vmem>>
      %dma_start3A_788 = tpu.memref_squeeze %dma_start3A_787 : memref<1x32x128xf32, #tpu.memory_space<vmem>> -> memref<32x128xf32, #tpu.memory_space<vmem>>
      %dma_start3A_789 = arith.constant 0 : i32
      %dma_start3A_790 = tpu.memref_slice %arg5[%dma_start3A_789, %multiple_of3A_783] : memref<32x1000000xf32, #tpu.memory_space<hbm>> -> memref<32x128xf32, #tpu.memory_space<hbm>>
      %dma_start3A_791 = arith.constant 0 : i32
      %dma_start3A_792 = arith.constant 0 : i32
      %dma_start3A_793 = tpu.memref_slice %arg11[%dma_start3A_784, %dma_start3A_791, %dma_start3A_792] : memref<18x32x128xf32, #tpu.memory_space<vmem>> -> memref<1x32x128xf32, #tpu.memory_space<vmem>>
      %dma_start3A_794 = tpu.memref_squeeze %dma_start3A_793 : memref<1x32x128xf32, #tpu.memory_space<vmem>> -> memref<32x128xf32, #tpu.memory_space<vmem>>
      %dma_start3A_795 = arith.constant 0 : i32
      %dma_start3A_796 = tpu.memref_slice %arg5[%dma_start3A_795, %multiple_of3A_783] : memref<32x1000000xf32, #tpu.memory_space<hbm>> -> memref<32x128xf32, #tpu.memory_space<hbm>>
      tpu.enqueue_dma source(%dma_start3A_796 : memref<32x128xf32, #tpu.memory_space<hbm>>) target(%dma_start3A_794 : memref<32x128xf32, #tpu.memory_space<vmem>>) target_semaphore(%arg14 : memref<!tpu.dma_semaphore, #tpu.memory_space<semaphore_mem>>)
      %slice3A_797 = vector.extract_strided_slice %select_n3A_596 {offsets = [12], sizes = [1], strides = [1]} : vector<16xi32> to vector<1xi32>
      %squeeze3A_798 = vector.extract %slice3A_797[0] : i32 from vector<1xi32>
      %multiple_of3A_799 = tpu.assume_multiple %squeeze3A_798, 128 : i32
      %dma_start3A_800 = arith.constant 12 : i32
      %dma_start3A_801 = arith.constant 0 : i32
      %dma_start3A_802 = arith.constant 0 : i32
      %dma_start3A_803 = tpu.memref_slice %arg11[%dma_start3A_800, %dma_start3A_801, %dma_start3A_802] : memref<18x32x128xf32, #tpu.memory_space<vmem>> -> memref<1x32x128xf32, #tpu.memory_space<vmem>>
      %dma_start3A_804 = tpu.memref_squeeze %dma_start3A_803 : memref<1x32x128xf32, #tpu.memory_space<vmem>> -> memref<32x128xf32, #tpu.memory_space<vmem>>
      %dma_start3A_805 = arith.constant 0 : i32
      %dma_start3A_806 = tpu.memref_slice %arg5[%dma_start3A_805, %multiple_of3A_799] : memref<32x1000000xf32, #tpu.memory_space<hbm>> -> memref<32x128xf32, #tpu.memory_space<hbm>>
      %dma_start3A_807 = arith.constant 0 : i32
      %dma_start3A_808 = arith.constant 0 : i32
      %dma_start3A_809 = tpu.memref_slice %arg11[%dma_start3A_800, %dma_start3A_807, %dma_start3A_808] : memref<18x32x128xf32, #tpu.memory_space<vmem>> -> memref<1x32x128xf32, #tpu.memory_space<vmem>>
      %dma_start3A_810 = tpu.memref_squeeze %dma_start3A_809 : memref<1x32x128xf32, #tpu.memory_space<vmem>> -> memref<32x128xf32, #tpu.memory_space<vmem>>
      %dma_start3A_811 = arith.constant 0 : i32
      %dma_start3A_812 = tpu.memref_slice %arg5[%dma_start3A_811, %multiple_of3A_799] : memref<32x1000000xf32, #tpu.memory_space<hbm>> -> memref<32x128xf32, #tpu.memory_space<hbm>>
      tpu.enqueue_dma source(%dma_start3A_812 : memref<32x128xf32, #tpu.memory_space<hbm>>) target(%dma_start3A_810 : memref<32x128xf32, #tpu.memory_space<vmem>>) target_semaphore(%arg14 : memref<!tpu.dma_semaphore, #tpu.memory_space<semaphore_mem>>)
      %slice3A_813 = vector.extract_strided_slice %select_n3A_596 {offsets = [13], sizes = [1], strides = [1]} : vector<16xi32> to vector<1xi32>
      %squeeze3A_814 = vector.extract %slice3A_813[0] : i32 from vector<1xi32>
      %multiple_of3A_815 = tpu.assume_multiple %squeeze3A_814, 128 : i32
      %dma_start3A_816 = arith.constant 13 : i32
      %dma_start3A_817 = arith.constant 0 : i32
      %dma_start3A_818 = arith.constant 0 : i32
      %dma_start3A_819 = tpu.memref_slice %arg11[%dma_start3A_816, %dma_start3A_817, %dma_start3A_818] : memref<18x32x128xf32, #tpu.memory_space<vmem>> -> memref<1x32x128xf32, #tpu.memory_space<vmem>>
      %dma_start3A_820 = tpu.memref_squeeze %dma_start3A_819 : memref<1x32x128xf32, #tpu.memory_space<vmem>> -> memref<32x128xf32, #tpu.memory_space<vmem>>
      %dma_start3A_821 = arith.constant 0 : i32
      %dma_start3A_822 = tpu.memref_slice %arg5[%dma_start3A_821, %multiple_of3A_815] : memref<32x1000000xf32, #tpu.memory_space<hbm>> -> memref<32x128xf32, #tpu.memory_space<hbm>>
      %dma_start3A_823 = arith.constant 0 : i32
      %dma_start3A_824 = arith.constant 0 : i32
      %dma_start3A_825 = tpu.memref_slice %arg11[%dma_start3A_816, %dma_start3A_823, %dma_start3A_824] : memref<18x32x128xf32, #tpu.memory_space<vmem>> -> memref<1x32x128xf32, #tpu.memory_space<vmem>>
      %dma_start3A_826 = tpu.memref_squeeze %dma_start3A_825 : memref<1x32x128xf32, #tpu.memory_space<vmem>> -> memref<32x128xf32, #tpu.memory_space<vmem>>
      %dma_start3A_827 = arith.constant 0 : i32
      %dma_start3A_828 = tpu.memref_slice %arg5[%dma_start3A_827, %multiple_of3A_815] : memref<32x1000000xf32, #tpu.memory_space<hbm>> -> memref<32x128xf32, #tpu.memory_space<hbm>>
      tpu.enqueue_dma source(%dma_start3A_828 : memref<32x128xf32, #tpu.memory_space<hbm>>) target(%dma_start3A_826 : memref<32x128xf32, #tpu.memory_space<vmem>>) target_semaphore(%arg14 : memref<!tpu.dma_semaphore, #tpu.memory_space<semaphore_mem>>)
      %slice3A_829 = vector.extract_strided_slice %select_n3A_596 {offsets = [14], sizes = [1], strides = [1]} : vector<16xi32> to vector<1xi32>
      %squeeze3A_830 = vector.extract %slice3A_829[0] : i32 from vector<1xi32>
      %multiple_of3A_831 = tpu.assume_multiple %squeeze3A_830, 128 : i32
      %dma_start3A_832 = arith.constant 14 : i32
      %dma_start3A_833 = arith.constant 0 : i32
      %dma_start3A_834 = arith.constant 0 : i32
      %dma_start3A_835 = tpu.memref_slice %arg11[%dma_start3A_832, %dma_start3A_833, %dma_start3A_834] : memref<18x32x128xf32, #tpu.memory_space<vmem>> -> memref<1x32x128xf32, #tpu.memory_space<vmem>>
      %dma_start3A_836 = tpu.memref_squeeze %dma_start3A_835 : memref<1x32x128xf32, #tpu.memory_space<vmem>> -> memref<32x128xf32, #tpu.memory_space<vmem>>
      %dma_start3A_837 = arith.constant 0 : i32
      %dma_start3A_838 = tpu.memref_slice %arg5[%dma_start3A_837, %multiple_of3A_831] : memref<32x1000000xf32, #tpu.memory_space<hbm>> -> memref<32x128xf32, #tpu.memory_space<hbm>>
      %dma_start3A_839 = arith.constant 0 : i32
      %dma_start3A_840 = arith.constant 0 : i32
      %dma_start3A_841 = tpu.memref_slice %arg11[%dma_start3A_832, %dma_start3A_839, %dma_start3A_840] : memref<18x32x128xf32, #tpu.memory_space<vmem>> -> memref<1x32x128xf32, #tpu.memory_space<vmem>>
      %dma_start3A_842 = tpu.memref_squeeze %dma_start3A_841 : memref<1x32x128xf32, #tpu.memory_space<vmem>> -> memref<32x128xf32, #tpu.memory_space<vmem>>
      %dma_start3A_843 = arith.constant 0 : i32
      %dma_start3A_844 = tpu.memref_slice %arg5[%dma_start3A_843, %multiple_of3A_831] : memref<32x1000000xf32, #tpu.memory_space<hbm>> -> memref<32x128xf32, #tpu.memory_space<hbm>>
      tpu.enqueue_dma source(%dma_start3A_844 : memref<32x128xf32, #tpu.memory_space<hbm>>) target(%dma_start3A_842 : memref<32x128xf32, #tpu.memory_space<vmem>>) target_semaphore(%arg14 : memref<!tpu.dma_semaphore, #tpu.memory_space<semaphore_mem>>)
      %slice3A_845 = vector.extract_strided_slice %select_n3A_596 {offsets = [15], sizes = [1], strides = [1]} : vector<16xi32> to vector<1xi32>
      %squeeze3A_846 = vector.extract %slice3A_845[0] : i32 from vector<1xi32>
      %multiple_of3A_847 = tpu.assume_multiple %squeeze3A_846, 128 : i32
      %dma_start3A_848 = arith.constant 15 : i32
      %dma_start3A_849 = arith.constant 0 : i32
      %dma_start3A_850 = arith.constant 0 : i32
      %dma_start3A_851 = tpu.memref_slice %arg11[%dma_start3A_848, %dma_start3A_849, %dma_start3A_850] : memref<18x32x128xf32, #tpu.memory_space<vmem>> -> memref<1x32x128xf32, #tpu.memory_space<vmem>>
      %dma_start3A_852 = tpu.memref_squeeze %dma_start3A_851 : memref<1x32x128xf32, #tpu.memory_space<vmem>> -> memref<32x128xf32, #tpu.memory_space<vmem>>
      %dma_start3A_853 = arith.constant 0 : i32
      %dma_start3A_854 = tpu.memref_slice %arg5[%dma_start3A_853, %multiple_of3A_847] : memref<32x1000000xf32, #tpu.memory_space<hbm>> -> memref<32x128xf32, #tpu.memory_space<hbm>>
      %dma_start3A_855 = arith.constant 0 : i32
      %dma_start3A_856 = arith.constant 0 : i32
      %dma_start3A_857 = tpu.memref_slice %arg11[%dma_start3A_848, %dma_start3A_855, %dma_start3A_856] : memref<18x32x128xf32, #tpu.memory_space<vmem>> -> memref<1x32x128xf32, #tpu.memory_space<vmem>>
      %dma_start3A_858 = tpu.memref_squeeze %dma_start3A_857 : memref<1x32x128xf32, #tpu.memory_space<vmem>> -> memref<32x128xf32, #tpu.memory_space<vmem>>
      %dma_start3A_859 = arith.constant 0 : i32
      %dma_start3A_860 = tpu.memref_slice %arg5[%dma_start3A_859, %multiple_of3A_847] : memref<32x1000000xf32, #tpu.memory_space<hbm>> -> memref<32x128xf32, #tpu.memory_space<hbm>>
      tpu.enqueue_dma source(%dma_start3A_860 : memref<32x128xf32, #tpu.memory_space<hbm>>) target(%dma_start3A_858 : memref<32x128xf32, #tpu.memory_space<vmem>>) target_semaphore(%arg14 : memref<!tpu.dma_semaphore, #tpu.memory_space<semaphore_mem>>)
      %dma_wait3A_861 = arith.constant 0 : i32
      %dma_wait3A_862 = arith.constant 0 : i32
      %dma_wait3A_863 = arith.constant 0 : i32
      %dma_wait3A_864 = tpu.memref_slice %arg11[%dma_wait3A_861, %dma_wait3A_862, %dma_wait3A_863] : memref<18x32x128xf32, #tpu.memory_space<vmem>> -> memref<1x32x128xf32, #tpu.memory_space<vmem>>
      %dma_wait3A_865 = tpu.memref_squeeze %dma_wait3A_864 : memref<1x32x128xf32, #tpu.memory_space<vmem>> -> memref<32x128xf32, #tpu.memory_space<vmem>>
      %dma_wait3A_866 = arith.constant 0 : i32
      %dma_wait3A_867 = tpu.memref_slice %arg5[%dma_wait3A_866, %multiple_of3A_607] : memref<32x1000000xf32, #tpu.memory_space<hbm>> -> memref<32x128xf32, #tpu.memory_space<hbm>>
      %dma_wait3A_868 = arith.constant 0 : i32
      %dma_wait3A_869 = arith.constant 0 : i32
      %dma_wait3A_870 = tpu.memref_slice %arg11[%dma_wait3A_861, %dma_wait3A_868, %dma_wait3A_869] : memref<18x32x128xf32, #tpu.memory_space<vmem>> -> memref<1x32x128xf32, #tpu.memory_space<vmem>>
      %dma_wait3A_871 = tpu.memref_squeeze %dma_wait3A_870 : memref<1x32x128xf32, #tpu.memory_space<vmem>> -> memref<32x128xf32, #tpu.memory_space<vmem>>
      %dma_wait3A_872 = arith.constant 0 : i32
      %dma_wait3A_873 = tpu.memref_slice %arg5[%dma_wait3A_872, %multiple_of3A_607] : memref<32x1000000xf32, #tpu.memory_space<hbm>> -> memref<32x128xf32, #tpu.memory_space<hbm>>
      tpu.wait_dma2 semaphore(%arg14 : memref<!tpu.dma_semaphore, #tpu.memory_space<semaphore_mem>>) src(%dma_wait3A_873 : memref<32x128xf32, #tpu.memory_space<hbm>>) dst(%dma_wait3A_871 : memref<32x128xf32, #tpu.memory_space<vmem>>)
      %dma_wait3A_874 = arith.constant 1 : i32
      %dma_wait3A_875 = arith.constant 0 : i32
      %dma_wait3A_876 = arith.constant 0 : i32
      %dma_wait3A_877 = tpu.memref_slice %arg11[%dma_wait3A_874, %dma_wait3A_875, %dma_wait3A_876] : memref<18x32x128xf32, #tpu.memory_space<vmem>> -> memref<1x32x128xf32, #tpu.memory_space<vmem>>
      %dma_wait3A_878 = tpu.memref_squeeze %dma_wait3A_877 : memref<1x32x128xf32, #tpu.memory_space<vmem>> -> memref<32x128xf32, #tpu.memory_space<vmem>>
      %dma_wait3A_879 = arith.constant 0 : i32
      %dma_wait3A_880 = tpu.memref_slice %arg5[%dma_wait3A_879, %multiple_of3A_623] : memref<32x1000000xf32, #tpu.memory_space<hbm>> -> memref<32x128xf32, #tpu.memory_space<hbm>>
      %dma_wait3A_881 = arith.constant 0 : i32
      %dma_wait3A_882 = arith.constant 0 : i32
      %dma_wait3A_883 = tpu.memref_slice %arg11[%dma_wait3A_874, %dma_wait3A_881, %dma_wait3A_882] : memref<18x32x128xf32, #tpu.memory_space<vmem>> -> memref<1x32x128xf32, #tpu.memory_space<vmem>>
      %dma_wait3A_884 = tpu.memref_squeeze %dma_wait3A_883 : memref<1x32x128xf32, #tpu.memory_space<vmem>> -> memref<32x128xf32, #tpu.memory_space<vmem>>
      %dma_wait3A_885 = arith.constant 0 : i32
      %dma_wait3A_886 = tpu.memref_slice %arg5[%dma_wait3A_885, %multiple_of3A_623] : memref<32x1000000xf32, #tpu.memory_space<hbm>> -> memref<32x128xf32, #tpu.memory_space<hbm>>
      tpu.wait_dma2 semaphore(%arg14 : memref<!tpu.dma_semaphore, #tpu.memory_space<semaphore_mem>>) src(%dma_wait3A_886 : memref<32x128xf32, #tpu.memory_space<hbm>>) dst(%dma_wait3A_884 : memref<32x128xf32, #tpu.memory_space<vmem>>)
      %dma_wait3A_887 = arith.constant 2 : i32
      %dma_wait3A_888 = arith.constant 0 : i32
      %dma_wait3A_889 = arith.constant 0 : i32
      %dma_wait3A_890 = tpu.memref_slice %arg11[%dma_wait3A_887, %dma_wait3A_888, %dma_wait3A_889] : memref<18x32x128xf32, #tpu.memory_space<vmem>> -> memref<1x32x128xf32, #tpu.memory_space<vmem>>
      %dma_wait3A_891 = tpu.memref_squeeze %dma_wait3A_890 : memref<1x32x128xf32, #tpu.memory_space<vmem>> -> memref<32x128xf32, #tpu.memory_space<vmem>>
      %dma_wait3A_892 = arith.constant 0 : i32
      %dma_wait3A_893 = tpu.memref_slice %arg5[%dma_wait3A_892, %multiple_of3A_639] : memref<32x1000000xf32, #tpu.memory_space<hbm>> -> memref<32x128xf32, #tpu.memory_space<hbm>>
      %dma_wait3A_894 = arith.constant 0 : i32
      %dma_wait3A_895 = arith.constant 0 : i32
      %dma_wait3A_896 = tpu.memref_slice %arg11[%dma_wait3A_887, %dma_wait3A_894, %dma_wait3A_895] : memref<18x32x128xf32, #tpu.memory_space<vmem>> -> memref<1x32x128xf32, #tpu.memory_space<vmem>>
      %dma_wait3A_897 = tpu.memref_squeeze %dma_wait3A_896 : memref<1x32x128xf32, #tpu.memory_space<vmem>> -> memref<32x128xf32, #tpu.memory_space<vmem>>
      %dma_wait3A_898 = arith.constant 0 : i32
      %dma_wait3A_899 = tpu.memref_slice %arg5[%dma_wait3A_898, %multiple_of3A_639] : memref<32x1000000xf32, #tpu.memory_space<hbm>> -> memref<32x128xf32, #tpu.memory_space<hbm>>
      tpu.wait_dma2 semaphore(%arg14 : memref<!tpu.dma_semaphore, #tpu.memory_space<semaphore_mem>>) src(%dma_wait3A_899 : memref<32x128xf32, #tpu.memory_space<hbm>>) dst(%dma_wait3A_897 : memref<32x128xf32, #tpu.memory_space<vmem>>)
      %dma_wait3A_900 = arith.constant 3 : i32
      %dma_wait3A_901 = arith.constant 0 : i32
      %dma_wait3A_902 = arith.constant 0 : i32
      %dma_wait3A_903 = tpu.memref_slice %arg11[%dma_wait3A_900, %dma_wait3A_901, %dma_wait3A_902] : memref<18x32x128xf32, #tpu.memory_space<vmem>> -> memref<1x32x128xf32, #tpu.memory_space<vmem>>
      %dma_wait3A_904 = tpu.memref_squeeze %dma_wait3A_903 : memref<1x32x128xf32, #tpu.memory_space<vmem>> -> memref<32x128xf32, #tpu.memory_space<vmem>>
      %dma_wait3A_905 = arith.constant 0 : i32
      %dma_wait3A_906 = tpu.memref_slice %arg5[%dma_wait3A_905, %multiple_of3A_655] : memref<32x1000000xf32, #tpu.memory_space<hbm>> -> memref<32x128xf32, #tpu.memory_space<hbm>>
      %dma_wait3A_907 = arith.constant 0 : i32
      %dma_wait3A_908 = arith.constant 0 : i32
      %dma_wait3A_909 = tpu.memref_slice %arg11[%dma_wait3A_900, %dma_wait3A_907, %dma_wait3A_908] : memref<18x32x128xf32, #tpu.memory_space<vmem>> -> memref<1x32x128xf32, #tpu.memory_space<vmem>>
      %dma_wait3A_910 = tpu.memref_squeeze %dma_wait3A_909 : memref<1x32x128xf32, #tpu.memory_space<vmem>> -> memref<32x128xf32, #tpu.memory_space<vmem>>
      %dma_wait3A_911 = arith.constant 0 : i32
      %dma_wait3A_912 = tpu.memref_slice %arg5[%dma_wait3A_911, %multiple_of3A_655] : memref<32x1000000xf32, #tpu.memory_space<hbm>> -> memref<32x128xf32, #tpu.memory_space<hbm>>
      tpu.wait_dma2 semaphore(%arg14 : memref<!tpu.dma_semaphore, #tpu.memory_space<semaphore_mem>>) src(%dma_wait3A_912 : memref<32x128xf32, #tpu.memory_space<hbm>>) dst(%dma_wait3A_910 : memref<32x128xf32, #tpu.memory_space<vmem>>)
      %dma_wait3A_913 = arith.constant 4 : i32
      %dma_wait3A_914 = arith.constant 0 : i32
      %dma_wait3A_915 = arith.constant 0 : i32
      %dma_wait3A_916 = tpu.memref_slice %arg11[%dma_wait3A_913, %dma_wait3A_914, %dma_wait3A_915] : memref<18x32x128xf32, #tpu.memory_space<vmem>> -> memref<1x32x128xf32, #tpu.memory_space<vmem>>
      %dma_wait3A_917 = tpu.memref_squeeze %dma_wait3A_916 : memref<1x32x128xf32, #tpu.memory_space<vmem>> -> memref<32x128xf32, #tpu.memory_space<vmem>>
      %dma_wait3A_918 = arith.constant 0 : i32
      %dma_wait3A_919 = tpu.memref_slice %arg5[%dma_wait3A_918, %multiple_of3A_671] : memref<32x1000000xf32, #tpu.memory_space<hbm>> -> memref<32x128xf32, #tpu.memory_space<hbm>>
      %dma_wait3A_920 = arith.constant 0 : i32
      %dma_wait3A_921 = arith.constant 0 : i32
      %dma_wait3A_922 = tpu.memref_slice %arg11[%dma_wait3A_913, %dma_wait3A_920, %dma_wait3A_921] : memref<18x32x128xf32, #tpu.memory_space<vmem>> -> memref<1x32x128xf32, #tpu.memory_space<vmem>>
      %dma_wait3A_923 = tpu.memref_squeeze %dma_wait3A_922 : memref<1x32x128xf32, #tpu.memory_space<vmem>> -> memref<32x128xf32, #tpu.memory_space<vmem>>
      %dma_wait3A_924 = arith.constant 0 : i32
      %dma_wait3A_925 = tpu.memref_slice %arg5[%dma_wait3A_924, %multiple_of3A_671] : memref<32x1000000xf32, #tpu.memory_space<hbm>> -> memref<32x128xf32, #tpu.memory_space<hbm>>
      tpu.wait_dma2 semaphore(%arg14 : memref<!tpu.dma_semaphore, #tpu.memory_space<semaphore_mem>>) src(%dma_wait3A_925 : memref<32x128xf32, #tpu.memory_space<hbm>>) dst(%dma_wait3A_923 : memref<32x128xf32, #tpu.memory_space<vmem>>)
      %dma_wait3A_926 = arith.constant 5 : i32
      %dma_wait3A_927 = arith.constant 0 : i32
      %dma_wait3A_928 = arith.constant 0 : i32
      %dma_wait3A_929 = tpu.memref_slice %arg11[%dma_wait3A_926, %dma_wait3A_927, %dma_wait3A_928] : memref<18x32x128xf32, #tpu.memory_space<vmem>> -> memref<1x32x128xf32, #tpu.memory_space<vmem>>
      %dma_wait3A_930 = tpu.memref_squeeze %dma_wait3A_929 : memref<1x32x128xf32, #tpu.memory_space<vmem>> -> memref<32x128xf32, #tpu.memory_space<vmem>>
      %dma_wait3A_931 = arith.constant 0 : i32
      %dma_wait3A_932 = tpu.memref_slice %arg5[%dma_wait3A_931, %multiple_of3A_687] : memref<32x1000000xf32, #tpu.memory_space<hbm>> -> memref<32x128xf32, #tpu.memory_space<hbm>>
      %dma_wait3A_933 = arith.constant 0 : i32
      %dma_wait3A_934 = arith.constant 0 : i32
      %dma_wait3A_935 = tpu.memref_slice %arg11[%dma_wait3A_926, %dma_wait3A_933, %dma_wait3A_934] : memref<18x32x128xf32, #tpu.memory_space<vmem>> -> memref<1x32x128xf32, #tpu.memory_space<vmem>>
      %dma_wait3A_936 = tpu.memref_squeeze %dma_wait3A_935 : memref<1x32x128xf32, #tpu.memory_space<vmem>> -> memref<32x128xf32, #tpu.memory_space<vmem>>
      %dma_wait3A_937 = arith.constant 0 : i32
      %dma_wait3A_938 = tpu.memref_slice %arg5[%dma_wait3A_937, %multiple_of3A_687] : memref<32x1000000xf32, #tpu.memory_space<hbm>> -> memref<32x128xf32, #tpu.memory_space<hbm>>
      tpu.wait_dma2 semaphore(%arg14 : memref<!tpu.dma_semaphore, #tpu.memory_space<semaphore_mem>>) src(%dma_wait3A_938 : memref<32x128xf32, #tpu.memory_space<hbm>>) dst(%dma_wait3A_936 : memref<32x128xf32, #tpu.memory_space<vmem>>)
      %dma_wait3A_939 = arith.constant 6 : i32
      %dma_wait3A_940 = arith.constant 0 : i32
      %dma_wait3A_941 = arith.constant 0 : i32
      %dma_wait3A_942 = tpu.memref_slice %arg11[%dma_wait3A_939, %dma_wait3A_940, %dma_wait3A_941] : memref<18x32x128xf32, #tpu.memory_space<vmem>> -> memref<1x32x128xf32, #tpu.memory_space<vmem>>
      %dma_wait3A_943 = tpu.memref_squeeze %dma_wait3A_942 : memref<1x32x128xf32, #tpu.memory_space<vmem>> -> memref<32x128xf32, #tpu.memory_space<vmem>>
      %dma_wait3A_944 = arith.constant 0 : i32
      %dma_wait3A_945 = tpu.memref_slice %arg5[%dma_wait3A_944, %multiple_of3A_703] : memref<32x1000000xf32, #tpu.memory_space<hbm>> -> memref<32x128xf32, #tpu.memory_space<hbm>>
      %dma_wait3A_946 = arith.constant 0 : i32
      %dma_wait3A_947 = arith.constant 0 : i32
      %dma_wait3A_948 = tpu.memref_slice %arg11[%dma_wait3A_939, %dma_wait3A_946, %dma_wait3A_947] : memref<18x32x128xf32, #tpu.memory_space<vmem>> -> memref<1x32x128xf32, #tpu.memory_space<vmem>>
      %dma_wait3A_949 = tpu.memref_squeeze %dma_wait3A_948 : memref<1x32x128xf32, #tpu.memory_space<vmem>> -> memref<32x128xf32, #tpu.memory_space<vmem>>
      %dma_wait3A_950 = arith.constant 0 : i32
      %dma_wait3A_951 = tpu.memref_slice %arg5[%dma_wait3A_950, %multiple_of3A_703] : memref<32x1000000xf32, #tpu.memory_space<hbm>> -> memref<32x128xf32, #tpu.memory_space<hbm>>
      tpu.wait_dma2 semaphore(%arg14 : memref<!tpu.dma_semaphore, #tpu.memory_space<semaphore_mem>>) src(%dma_wait3A_951 : memref<32x128xf32, #tpu.memory_space<hbm>>) dst(%dma_wait3A_949 : memref<32x128xf32, #tpu.memory_space<vmem>>)
      %dma_wait3A_952 = arith.constant 7 : i32
      %dma_wait3A_953 = arith.constant 0 : i32
      %dma_wait3A_954 = arith.constant 0 : i32
      %dma_wait3A_955 = tpu.memref_slice %arg11[%dma_wait3A_952, %dma_wait3A_953, %dma_wait3A_954] : memref<18x32x128xf32, #tpu.memory_space<vmem>> -> memref<1x32x128xf32, #tpu.memory_space<vmem>>
      %dma_wait3A_956 = tpu.memref_squeeze %dma_wait3A_955 : memref<1x32x128xf32, #tpu.memory_space<vmem>> -> memref<32x128xf32, #tpu.memory_space<vmem>>
      %dma_wait3A_957 = arith.constant 0 : i32
      %dma_wait3A_958 = tpu.memref_slice %arg5[%dma_wait3A_957, %multiple_of3A_719] : memref<32x1000000xf32, #tpu.memory_space<hbm>> -> memref<32x128xf32, #tpu.memory_space<hbm>>
      %dma_wait3A_959 = arith.constant 0 : i32
      %dma_wait3A_960 = arith.constant 0 : i32
      %dma_wait3A_961 = tpu.memref_slice %arg11[%dma_wait3A_952, %dma_wait3A_959, %dma_wait3A_960] : memref<18x32x128xf32, #tpu.memory_space<vmem>> -> memref<1x32x128xf32, #tpu.memory_space<vmem>>
      %dma_wait3A_962 = tpu.memref_squeeze %dma_wait3A_961 : memref<1x32x128xf32, #tpu.memory_space<vmem>> -> memref<32x128xf32, #tpu.memory_space<vmem>>
      %dma_wait3A_963 = arith.constant 0 : i32
      %dma_wait3A_964 = tpu.memref_slice %arg5[%dma_wait3A_963, %multiple_of3A_719] : memref<32x1000000xf32, #tpu.memory_space<hbm>> -> memref<32x128xf32, #tpu.memory_space<hbm>>
      tpu.wait_dma2 semaphore(%arg14 : memref<!tpu.dma_semaphore, #tpu.memory_space<semaphore_mem>>) src(%dma_wait3A_964 : memref<32x128xf32, #tpu.memory_space<hbm>>) dst(%dma_wait3A_962 : memref<32x128xf32, #tpu.memory_space<vmem>>)
      %dma_wait3A_965 = arith.constant 8 : i32
      %dma_wait3A_966 = arith.constant 0 : i32
      %dma_wait3A_967 = arith.constant 0 : i32
      %dma_wait3A_968 = tpu.memref_slice %arg11[%dma_wait3A_965, %dma_wait3A_966, %dma_wait3A_967] : memref<18x32x128xf32, #tpu.memory_space<vmem>> -> memref<1x32x128xf32, #tpu.memory_space<vmem>>
      %dma_wait3A_969 = tpu.memref_squeeze %dma_wait3A_968 : memref<1x32x128xf32, #tpu.memory_space<vmem>> -> memref<32x128xf32, #tpu.memory_space<vmem>>
      %dma_wait3A_970 = arith.constant 0 : i32
      %dma_wait3A_971 = tpu.memref_slice %arg5[%dma_wait3A_970, %multiple_of3A_735] : memref<32x1000000xf32, #tpu.memory_space<hbm>> -> memref<32x128xf32, #tpu.memory_space<hbm>>
      %dma_wait3A_972 = arith.constant 0 : i32
      %dma_wait3A_973 = arith.constant 0 : i32
      %dma_wait3A_974 = tpu.memref_slice %arg11[%dma_wait3A_965, %dma_wait3A_972, %dma_wait3A_973] : memref<18x32x128xf32, #tpu.memory_space<vmem>> -> memref<1x32x128xf32, #tpu.memory_space<vmem>>
      %dma_wait3A_975 = tpu.memref_squeeze %dma_wait3A_974 : memref<1x32x128xf32, #tpu.memory_space<vmem>> -> memref<32x128xf32, #tpu.memory_space<vmem>>
      %dma_wait3A_976 = arith.constant 0 : i32
      %dma_wait3A_977 = tpu.memref_slice %arg5[%dma_wait3A_976, %multiple_of3A_735] : memref<32x1000000xf32, #tpu.memory_space<hbm>> -> memref<32x128xf32, #tpu.memory_space<hbm>>
      tpu.wait_dma2 semaphore(%arg14 : memref<!tpu.dma_semaphore, #tpu.memory_space<semaphore_mem>>) src(%dma_wait3A_977 : memref<32x128xf32, #tpu.memory_space<hbm>>) dst(%dma_wait3A_975 : memref<32x128xf32, #tpu.memory_space<vmem>>)
      %dma_wait3A_978 = arith.constant 9 : i32
      %dma_wait3A_979 = arith.constant 0 : i32
      %dma_wait3A_980 = arith.constant 0 : i32
      %dma_wait3A_981 = tpu.memref_slice %arg11[%dma_wait3A_978, %dma_wait3A_979, %dma_wait3A_980] : memref<18x32x128xf32, #tpu.memory_space<vmem>> -> memref<1x32x128xf32, #tpu.memory_space<vmem>>
      %dma_wait3A_982 = tpu.memref_squeeze %dma_wait3A_981 : memref<1x32x128xf32, #tpu.memory_space<vmem>> -> memref<32x128xf32, #tpu.memory_space<vmem>>
      %dma_wait3A_983 = arith.constant 0 : i32
      %dma_wait3A_984 = tpu.memref_slice %arg5[%dma_wait3A_983, %multiple_of3A_751] : memref<32x1000000xf32, #tpu.memory_space<hbm>> -> memref<32x128xf32, #tpu.memory_space<hbm>>
      %dma_wait3A_985 = arith.constant 0 : i32
      %dma_wait3A_986 = arith.constant 0 : i32
      %dma_wait3A_987 = tpu.memref_slice %arg11[%dma_wait3A_978, %dma_wait3A_985, %dma_wait3A_986] : memref<18x32x128xf32, #tpu.memory_space<vmem>> -> memref<1x32x128xf32, #tpu.memory_space<vmem>>
      %dma_wait3A_988 = tpu.memref_squeeze %dma_wait3A_987 : memref<1x32x128xf32, #tpu.memory_space<vmem>> -> memref<32x128xf32, #tpu.memory_space<vmem>>
      %dma_wait3A_989 = arith.constant 0 : i32
      %dma_wait3A_990 = tpu.memref_slice %arg5[%dma_wait3A_989, %multiple_of3A_751] : memref<32x1000000xf32, #tpu.memory_space<hbm>> -> memref<32x128xf32, #tpu.memory_space<hbm>>
      tpu.wait_dma2 semaphore(%arg14 : memref<!tpu.dma_semaphore, #tpu.memory_space<semaphore_mem>>) src(%dma_wait3A_990 : memref<32x128xf32, #tpu.memory_space<hbm>>) dst(%dma_wait3A_988 : memref<32x128xf32, #tpu.memory_space<vmem>>)
      %dma_wait3A_991 = arith.constant 10 : i32
      %dma_wait3A_992 = arith.constant 0 : i32
      %dma_wait3A_993 = arith.constant 0 : i32
      %dma_wait3A_994 = tpu.memref_slice %arg11[%dma_wait3A_991, %dma_wait3A_992, %dma_wait3A_993] : memref<18x32x128xf32, #tpu.memory_space<vmem>> -> memref<1x32x128xf32, #tpu.memory_space<vmem>>
      %dma_wait3A_995 = tpu.memref_squeeze %dma_wait3A_994 : memref<1x32x128xf32, #tpu.memory_space<vmem>> -> memref<32x128xf32, #tpu.memory_space<vmem>>
      %dma_wait3A_996 = arith.constant 0 : i32
      %dma_wait3A_997 = tpu.memref_slice %arg5[%dma_wait3A_996, %multiple_of3A_767] : memref<32x1000000xf32, #tpu.memory_space<hbm>> -> memref<32x128xf32, #tpu.memory_space<hbm>>
      %dma_wait3A_998 = arith.constant 0 : i32
      %dma_wait3A_999 = arith.constant 0 : i32
      %dma_wait3A_1000 = tpu.memref_slice %arg11[%dma_wait3A_991, %dma_wait3A_998, %dma_wait3A_999] : memref<18x32x128xf32, #tpu.memory_space<vmem>> -> memref<1x32x128xf32, #tpu.memory_space<vmem>>
      %dma_wait3A_1001 = tpu.memref_squeeze %dma_wait3A_1000 : memref<1x32x128xf32, #tpu.memory_space<vmem>> -> memref<32x128xf32, #tpu.memory_space<vmem>>
      %dma_wait3A_1002 = arith.constant 0 : i32
      %dma_wait3A_1003 = tpu.memref_slice %arg5[%dma_wait3A_1002, %multiple_of3A_767] : memref<32x1000000xf32, #tpu.memory_space<hbm>> -> memref<32x128xf32, #tpu.memory_space<hbm>>
      tpu.wait_dma2 semaphore(%arg14 : memref<!tpu.dma_semaphore, #tpu.memory_space<semaphore_mem>>) src(%dma_wait3A_1003 : memref<32x128xf32, #tpu.memory_space<hbm>>) dst(%dma_wait3A_1001 : memref<32x128xf32, #tpu.memory_space<vmem>>)
      %dma_wait3A_1004 = arith.constant 11 : i32
      %dma_wait3A_1005 = arith.constant 0 : i32
      %dma_wait3A_1006 = arith.constant 0 : i32
      %dma_wait3A_1007 = tpu.memref_slice %arg11[%dma_wait3A_1004, %dma_wait3A_1005, %dma_wait3A_1006] : memref<18x32x128xf32, #tpu.memory_space<vmem>> -> memref<1x32x128xf32, #tpu.memory_space<vmem>>
      %dma_wait3A_1008 = tpu.memref_squeeze %dma_wait3A_1007 : memref<1x32x128xf32, #tpu.memory_space<vmem>> -> memref<32x128xf32, #tpu.memory_space<vmem>>
      %dma_wait3A_1009 = arith.constant 0 : i32
      %dma_wait3A_1010 = tpu.memref_slice %arg5[%dma_wait3A_1009, %multiple_of3A_783] : memref<32x1000000xf32, #tpu.memory_space<hbm>> -> memref<32x128xf32, #tpu.memory_space<hbm>>
      %dma_wait3A_1011 = arith.constant 0 : i32
      %dma_wait3A_1012 = arith.constant 0 : i32
      %dma_wait3A_1013 = tpu.memref_slice %arg11[%dma_wait3A_1004, %dma_wait3A_1011, %dma_wait3A_1012] : memref<18x32x128xf32, #tpu.memory_space<vmem>> -> memref<1x32x128xf32, #tpu.memory_space<vmem>>
      %dma_wait3A_1014 = tpu.memref_squeeze %dma_wait3A_1013 : memref<1x32x128xf32, #tpu.memory_space<vmem>> -> memref<32x128xf32, #tpu.memory_space<vmem>>
      %dma_wait3A_1015 = arith.constant 0 : i32
      %dma_wait3A_1016 = tpu.memref_slice %arg5[%dma_wait3A_1015, %multiple_of3A_783] : memref<32x1000000xf32, #tpu.memory_space<hbm>> -> memref<32x128xf32, #tpu.memory_space<hbm>>
      tpu.wait_dma2 semaphore(%arg14 : memref<!tpu.dma_semaphore, #tpu.memory_space<semaphore_mem>>) src(%dma_wait3A_1016 : memref<32x128xf32, #tpu.memory_space<hbm>>) dst(%dma_wait3A_1014 : memref<32x128xf32, #tpu.memory_space<vmem>>)
      %dma_wait3A_1017 = arith.constant 12 : i32
      %dma_wait3A_1018 = arith.constant 0 : i32
      %dma_wait3A_1019 = arith.constant 0 : i32
      %dma_wait3A_1020 = tpu.memref_slice %arg11[%dma_wait3A_1017, %dma_wait3A_1018, %dma_wait3A_1019] : memref<18x32x128xf32, #tpu.memory_space<vmem>> -> memref<1x32x128xf32, #tpu.memory_space<vmem>>
      %dma_wait3A_1021 = tpu.memref_squeeze %dma_wait3A_1020 : memref<1x32x128xf32, #tpu.memory_space<vmem>> -> memref<32x128xf32, #tpu.memory_space<vmem>>
      %dma_wait3A_1022 = arith.constant 0 : i32
      %dma_wait3A_1023 = tpu.memref_slice %arg5[%dma_wait3A_1022, %multiple_of3A_799] : memref<32x1000000xf32, #tpu.memory_space<hbm>> -> memref<32x128xf32, #tpu.memory_space<hbm>>
      %dma_wait3A_1024 = arith.constant 0 : i32
      %dma_wait3A_1025 = arith.constant 0 : i32
      %dma_wait3A_1026 = tpu.memref_slice %arg11[%dma_wait3A_1017, %dma_wait3A_1024, %dma_wait3A_1025] : memref<18x32x128xf32, #tpu.memory_space<vmem>> -> memref<1x32x128xf32, #tpu.memory_space<vmem>>
      %dma_wait3A_1027 = tpu.memref_squeeze %dma_wait3A_1026 : memref<1x32x128xf32, #tpu.memory_space<vmem>> -> memref<32x128xf32, #tpu.memory_space<vmem>>
      %dma_wait3A_1028 = arith.constant 0 : i32
      %dma_wait3A_1029 = tpu.memref_slice %arg5[%dma_wait3A_1028, %multiple_of3A_799] : memref<32x1000000xf32, #tpu.memory_space<hbm>> -> memref<32x128xf32, #tpu.memory_space<hbm>>
      tpu.wait_dma2 semaphore(%arg14 : memref<!tpu.dma_semaphore, #tpu.memory_space<semaphore_mem>>) src(%dma_wait3A_1029 : memref<32x128xf32, #tpu.memory_space<hbm>>) dst(%dma_wait3A_1027 : memref<32x128xf32, #tpu.memory_space<vmem>>)
      %dma_wait3A_1030 = arith.constant 13 : i32
      %dma_wait3A_1031 = arith.constant 0 : i32
      %dma_wait3A_1032 = arith.constant 0 : i32
      %dma_wait3A_1033 = tpu.memref_slice %arg11[%dma_wait3A_1030, %dma_wait3A_1031, %dma_wait3A_1032] : memref<18x32x128xf32, #tpu.memory_space<vmem>> -> memref<1x32x128xf32, #tpu.memory_space<vmem>>
      %dma_wait3A_1034 = tpu.memref_squeeze %dma_wait3A_1033 : memref<1x32x128xf32, #tpu.memory_space<vmem>> -> memref<32x128xf32, #tpu.memory_space<vmem>>
      %dma_wait3A_1035 = arith.constant 0 : i32
      %dma_wait3A_1036 = tpu.memref_slice %arg5[%dma_wait3A_1035, %multiple_of3A_815] : memref<32x1000000xf32, #tpu.memory_space<hbm>> -> memref<32x128xf32, #tpu.memory_space<hbm>>
      %dma_wait3A_1037 = arith.constant 0 : i32
      %dma_wait3A_1038 = arith.constant 0 : i32
      %dma_wait3A_1039 = tpu.memref_slice %arg11[%dma_wait3A_1030, %dma_wait3A_1037, %dma_wait3A_1038] : memref<18x32x128xf32, #tpu.memory_space<vmem>> -> memref<1x32x128xf32, #tpu.memory_space<vmem>>
      %dma_wait3A_1040 = tpu.memref_squeeze %dma_wait3A_1039 : memref<1x32x128xf32, #tpu.memory_space<vmem>> -> memref<32x128xf32, #tpu.memory_space<vmem>>
      %dma_wait3A_1041 = arith.constant 0 : i32
      %dma_wait3A_1042 = tpu.memref_slice %arg5[%dma_wait3A_1041, %multiple_of3A_815] : memref<32x1000000xf32, #tpu.memory_space<hbm>> -> memref<32x128xf32, #tpu.memory_space<hbm>>
      tpu.wait_dma2 semaphore(%arg14 : memref<!tpu.dma_semaphore, #tpu.memory_space<semaphore_mem>>) src(%dma_wait3A_1042 : memref<32x128xf32, #tpu.memory_space<hbm>>) dst(%dma_wait3A_1040 : memref<32x128xf32, #tpu.memory_space<vmem>>)
      %dma_wait3A_1043 = arith.constant 14 : i32
      %dma_wait3A_1044 = arith.constant 0 : i32
      %dma_wait3A_1045 = arith.constant 0 : i32
      %dma_wait3A_1046 = tpu.memref_slice %arg11[%dma_wait3A_1043, %dma_wait3A_1044, %dma_wait3A_1045] : memref<18x32x128xf32, #tpu.memory_space<vmem>> -> memref<1x32x128xf32, #tpu.memory_space<vmem>>
      %dma_wait3A_1047 = tpu.memref_squeeze %dma_wait3A_1046 : memref<1x32x128xf32, #tpu.memory_space<vmem>> -> memref<32x128xf32, #tpu.memory_space<vmem>>
      %dma_wait3A_1048 = arith.constant 0 : i32
      %dma_wait3A_1049 = tpu.memref_slice %arg5[%dma_wait3A_1048, %multiple_of3A_831] : memref<32x1000000xf32, #tpu.memory_space<hbm>> -> memref<32x128xf32, #tpu.memory_space<hbm>>
      %dma_wait3A_1050 = arith.constant 0 : i32
      %dma_wait3A_1051 = arith.constant 0 : i32
      %dma_wait3A_1052 = tpu.memref_slice %arg11[%dma_wait3A_1043, %dma_wait3A_1050, %dma_wait3A_1051] : memref<18x32x128xf32, #tpu.memory_space<vmem>> -> memref<1x32x128xf32, #tpu.memory_space<vmem>>
      %dma_wait3A_1053 = tpu.memref_squeeze %dma_wait3A_1052 : memref<1x32x128xf32, #tpu.memory_space<vmem>> -> memref<32x128xf32, #tpu.memory_space<vmem>>
      %dma_wait3A_1054 = arith.constant 0 : i32
      %dma_wait3A_1055 = tpu.memref_slice %arg5[%dma_wait3A_1054, %multiple_of3A_831] : memref<32x1000000xf32, #tpu.memory_space<hbm>> -> memref<32x128xf32, #tpu.memory_space<hbm>>
      tpu.wait_dma2 semaphore(%arg14 : memref<!tpu.dma_semaphore, #tpu.memory_space<semaphore_mem>>) src(%dma_wait3A_1055 : memref<32x128xf32, #tpu.memory_space<hbm>>) dst(%dma_wait3A_1053 : memref<32x128xf32, #tpu.memory_space<vmem>>)
      %dma_wait3A_1056 = arith.constant 15 : i32
      %dma_wait3A_1057 = arith.constant 0 : i32
      %dma_wait3A_1058 = arith.constant 0 : i32
      %dma_wait3A_1059 = tpu.memref_slice %arg11[%dma_wait3A_1056, %dma_wait3A_1057, %dma_wait3A_1058] : memref<18x32x128xf32, #tpu.memory_space<vmem>> -> memref<1x32x128xf32, #tpu.memory_space<vmem>>
      %dma_wait3A_1060 = tpu.memref_squeeze %dma_wait3A_1059 : memref<1x32x128xf32, #tpu.memory_space<vmem>> -> memref<32x128xf32, #tpu.memory_space<vmem>>
      %dma_wait3A_1061 = arith.constant 0 : i32
      %dma_wait3A_1062 = tpu.memref_slice %arg5[%dma_wait3A_1061, %multiple_of3A_847] : memref<32x1000000xf32, #tpu.memory_space<hbm>> -> memref<32x128xf32, #tpu.memory_space<hbm>>
      %dma_wait3A_1063 = arith.constant 0 : i32
      %dma_wait3A_1064 = arith.constant 0 : i32
      %dma_wait3A_1065 = tpu.memref_slice %arg11[%dma_wait3A_1056, %dma_wait3A_1063, %dma_wait3A_1064] : memref<18x32x128xf32, #tpu.memory_space<vmem>> -> memref<1x32x128xf32, #tpu.memory_space<vmem>>
      %dma_wait3A_1066 = tpu.memref_squeeze %dma_wait3A_1065 : memref<1x32x128xf32, #tpu.memory_space<vmem>> -> memref<32x128xf32, #tpu.memory_space<vmem>>
      %dma_wait3A_1067 = arith.constant 0 : i32
      %dma_wait3A_1068 = tpu.memref_slice %arg5[%dma_wait3A_1067, %multiple_of3A_847] : memref<32x1000000xf32, #tpu.memory_space<hbm>> -> memref<32x128xf32, #tpu.memory_space<hbm>>
      tpu.wait_dma2 semaphore(%arg14 : memref<!tpu.dma_semaphore, #tpu.memory_space<semaphore_mem>>) src(%dma_wait3A_1068 : memref<32x128xf32, #tpu.memory_space<hbm>>) dst(%dma_wait3A_1066 : memref<32x128xf32, #tpu.memory_space<vmem>>)
      %broadcast_in_dim3A_1069 = arith.constant 0.000000e+00 : f32
      %broadcast_in_dim3A_1070 = vector.broadcast %broadcast_in_dim3A_1069 : f32 to vector<16xf32>
      %broadcast_in_dim3A_1071 = arith.constant 0 : i32
      %broadcast_in_dim3A_1072 = vector.broadcast %broadcast_in_dim3A_1071 : i32 to vector<16xi32>
      %gather3A_1073 = tpu.vector_load_idx %arg11[%select_n3A_604, %broadcast_in_dim3A_1072, %select_n3A_601] : memref<18x32x128xf32, #tpu.memory_space<vmem>>[vector<16xi32>, vector<16xi32>, vector<16xi32>], vector<16xf32>,
      %gather3A_1074 = tpu.vector_load_idx %arg12[%iota3A, %broadcast_in_dim3A_1072] : memref<16x32xf32, #tpu.memory_space<vmem>>[vector<16xi32>, vector<16xi32>], vector<16xf32>,
      %mul3A_1075 = arith.mulf %gather3A_1074, %gather3A_1073 : vector<16xf32>
      %add3A_1076 = arith.addf %broadcast_in_dim3A_1070, %mul3A_1075 : vector<16xf32>
      %broadcast_in_dim3A_1077 = arith.constant 1 : i32
      %broadcast_in_dim3A_1078 = vector.broadcast %broadcast_in_dim3A_1077 : i32 to vector<16xi32>
      %gather3A_1079 = tpu.vector_load_idx %arg11[%select_n3A_604, %broadcast_in_dim3A_1078, %select_n3A_601] : memref<18x32x128xf32, #tpu.memory_space<vmem>>[vector<16xi32>, vector<16xi32>, vector<16xi32>], vector<16xf32>,
      %gather3A_1080 = tpu.vector_load_idx %arg12[%iota3A, %broadcast_in_dim3A_1078] : memref<16x32xf32, #tpu.memory_space<vmem>>[vector<16xi32>, vector<16xi32>], vector<16xf32>,
      %mul3A_1081 = arith.mulf %gather3A_1080, %gather3A_1079 : vector<16xf32>
      %add3A_1082 = arith.addf %add3A_1076, %mul3A_1081 : vector<16xf32>
      %broadcast_in_dim3A_1083 = arith.constant 2 : i32
      %broadcast_in_dim3A_1084 = vector.broadcast %broadcast_in_dim3A_1083 : i32 to vector<16xi32>
      %gather3A_1085 = tpu.vector_load_idx %arg11[%select_n3A_604, %broadcast_in_dim3A_1084, %select_n3A_601] : memref<18x32x128xf32, #tpu.memory_space<vmem>>[vector<16xi32>, vector<16xi32>, vector<16xi32>], vector<16xf32>,
      %gather3A_1086 = tpu.vector_load_idx %arg12[%iota3A, %broadcast_in_dim3A_1084] : memref<16x32xf32, #tpu.memory_space<vmem>>[vector<16xi32>, vector<16xi32>], vector<16xf32>,
      %mul3A_1087 = arith.mulf %gather3A_1086, %gather3A_1085 : vector<16xf32>
      %add3A_1088 = arith.addf %add3A_1082, %mul3A_1087 : vector<16xf32>
      %broadcast_in_dim3A_1089 = arith.constant 3 : i32
      %broadcast_in_dim3A_1090 = vector.broadcast %broadcast_in_dim3A_1089 : i32 to vector<16xi32>
      %gather3A_1091 = tpu.vector_load_idx %arg11[%select_n3A_604, %broadcast_in_dim3A_1090, %select_n3A_601] : memref<18x32x128xf32, #tpu.memory_space<vmem>>[vector<16xi32>, vector<16xi32>, vector<16xi32>], vector<16xf32>,
      %gather3A_1092 = tpu.vector_load_idx %arg12[%iota3A, %broadcast_in_dim3A_1090] : memref<16x32xf32, #tpu.memory_space<vmem>>[vector<16xi32>, vector<16xi32>], vector<16xf32>,
      %mul3A_1093 = arith.mulf %gather3A_1092, %gather3A_1091 : vector<16xf32>
      %add3A_1094 = arith.addf %add3A_1088, %mul3A_1093 : vector<16xf32>
      %broadcast_in_dim3A_1095 = arith.constant 4 : i32
      %broadcast_in_dim3A_1096 = vector.broadcast %broadcast_in_dim3A_1095 : i32 to vector<16xi32>
      %gather3A_1097 = tpu.vector_load_idx %arg11[%select_n3A_604, %broadcast_in_dim3A_1096, %select_n3A_601] : memref<18x32x128xf32, #tpu.memory_space<vmem>>[vector<16xi32>, vector<16xi32>, vector<16xi32>], vector<16xf32>,
      %gather3A_1098 = tpu.vector_load_idx %arg12[%iota3A, %broadcast_in_dim3A_1096] : memref<16x32xf32, #tpu.memory_space<vmem>>[vector<16xi32>, vector<16xi32>], vector<16xf32>,
      %mul3A_1099 = arith.mulf %gather3A_1098, %gather3A_1097 : vector<16xf32>
      %add3A_1100 = arith.addf %add3A_1094, %mul3A_1099 : vector<16xf32>
      %broadcast_in_dim3A_1101 = arith.constant 5 : i32
      %broadcast_in_dim3A_1102 = vector.broadcast %broadcast_in_dim3A_1101 : i32 to vector<16xi32>
      %gather3A_1103 = tpu.vector_load_idx %arg11[%select_n3A_604, %broadcast_in_dim3A_1102, %select_n3A_601] : memref<18x32x128xf32, #tpu.memory_space<vmem>>[vector<16xi32>, vector<16xi32>, vector<16xi32>], vector<16xf32>,
      %gather3A_1104 = tpu.vector_load_idx %arg12[%iota3A, %broadcast_in_dim3A_1102] : memref<16x32xf32, #tpu.memory_space<vmem>>[vector<16xi32>, vector<16xi32>], vector<16xf32>,
      %mul3A_1105 = arith.mulf %gather3A_1104, %gather3A_1103 : vector<16xf32>
      %add3A_1106 = arith.addf %add3A_1100, %mul3A_1105 : vector<16xf32>
      %broadcast_in_dim3A_1107 = arith.constant 6 : i32
      %broadcast_in_dim3A_1108 = vector.broadcast %broadcast_in_dim3A_1107 : i32 to vector<16xi32>
      %gather3A_1109 = tpu.vector_load_idx %arg11[%select_n3A_604, %broadcast_in_dim3A_1108, %select_n3A_601] : memref<18x32x128xf32, #tpu.memory_space<vmem>>[vector<16xi32>, vector<16xi32>, vector<16xi32>], vector<16xf32>,
      %gather3A_1110 = tpu.vector_load_idx %arg12[%iota3A, %broadcast_in_dim3A_1108] : memref<16x32xf32, #tpu.memory_space<vmem>>[vector<16xi32>, vector<16xi32>], vector<16xf32>,
      %mul3A_1111 = arith.mulf %gather3A_1110, %gather3A_1109 : vector<16xf32>
      %add3A_1112 = arith.addf %add3A_1106, %mul3A_1111 : vector<16xf32>
      %broadcast_in_dim3A_1113 = arith.constant 7 : i32
      %broadcast_in_dim3A_1114 = vector.broadcast %broadcast_in_dim3A_1113 : i32 to vector<16xi32>
      %gather3A_1115 = tpu.vector_load_idx %arg11[%select_n3A_604, %broadcast_in_dim3A_1114, %select_n3A_601] : memref<18x32x128xf32, #tpu.memory_space<vmem>>[vector<16xi32>, vector<16xi32>, vector<16xi32>], vector<16xf32>,
      %gather3A_1116 = tpu.vector_load_idx %arg12[%iota3A, %broadcast_in_dim3A_1114] : memref<16x32xf32, #tpu.memory_space<vmem>>[vector<16xi32>, vector<16xi32>], vector<16xf32>,
      %mul3A_1117 = arith.mulf %gather3A_1116, %gather3A_1115 : vector<16xf32>
      %add3A_1118 = arith.addf %add3A_1112, %mul3A_1117 : vector<16xf32>
      %broadcast_in_dim3A_1119 = arith.constant 8 : i32
      %broadcast_in_dim3A_1120 = vector.broadcast %broadcast_in_dim3A_1119 : i32 to vector<16xi32>
      %gather3A_1121 = tpu.vector_load_idx %arg11[%select_n3A_604, %broadcast_in_dim3A_1120, %select_n3A_601] : memref<18x32x128xf32, #tpu.memory_space<vmem>>[vector<16xi32>, vector<16xi32>, vector<16xi32>], vector<16xf32>,
      %gather3A_1122 = tpu.vector_load_idx %arg12[%iota3A, %broadcast_in_dim3A_1120] : memref<16x32xf32, #tpu.memory_space<vmem>>[vector<16xi32>, vector<16xi32>], vector<16xf32>,
      %mul3A_1123 = arith.mulf %gather3A_1122, %gather3A_1121 : vector<16xf32>
      %add3A_1124 = arith.addf %add3A_1118, %mul3A_1123 : vector<16xf32>
      %broadcast_in_dim3A_1125 = arith.constant 9 : i32
      %broadcast_in_dim3A_1126 = vector.broadcast %broadcast_in_dim3A_1125 : i32 to vector<16xi32>
      %gather3A_1127 = tpu.vector_load_idx %arg11[%select_n3A_604, %broadcast_in_dim3A_1126, %select_n3A_601] : memref<18x32x128xf32, #tpu.memory_space<vmem>>[vector<16xi32>, vector<16xi32>, vector<16xi32>], vector<16xf32>,
      %gather3A_1128 = tpu.vector_load_idx %arg12[%iota3A, %broadcast_in_dim3A_1126] : memref<16x32xf32, #tpu.memory_space<vmem>>[vector<16xi32>, vector<16xi32>], vector<16xf32>,
      %mul3A_1129 = arith.mulf %gather3A_1128, %gather3A_1127 : vector<16xf32>
      %add3A_1130 = arith.addf %add3A_1124, %mul3A_1129 : vector<16xf32>
      %broadcast_in_dim3A_1131 = arith.constant 10 : i32
      %broadcast_in_dim3A_1132 = vector.broadcast %broadcast_in_dim3A_1131 : i32 to vector<16xi32>
      %gather3A_1133 = tpu.vector_load_idx %arg11[%select_n3A_604, %broadcast_in_dim3A_1132, %select_n3A_601] : memref<18x32x128xf32, #tpu.memory_space<vmem>>[vector<16xi32>, vector<16xi32>, vector<16xi32>], vector<16xf32>,
      %gather3A_1134 = tpu.vector_load_idx %arg12[%iota3A, %broadcast_in_dim3A_1132] : memref<16x32xf32, #tpu.memory_space<vmem>>[vector<16xi32>, vector<16xi32>], vector<16xf32>,
      %mul3A_1135 = arith.mulf %gather3A_1134, %gather3A_1133 : vector<16xf32>
      %add3A_1136 = arith.addf %add3A_1130, %mul3A_1135 : vector<16xf32>
      %broadcast_in_dim3A_1137 = arith.constant 11 : i32
      %broadcast_in_dim3A_1138 = vector.broadcast %broadcast_in_dim3A_1137 : i32 to vector<16xi32>
      %gather3A_1139 = tpu.vector_load_idx %arg11[%select_n3A_604, %broadcast_in_dim3A_1138, %select_n3A_601] : memref<18x32x128xf32, #tpu.memory_space<vmem>>[vector<16xi32>, vector<16xi32>, vector<16xi32>], vector<16xf32>,
      %gather3A_1140 = tpu.vector_load_idx %arg12[%iota3A, %broadcast_in_dim3A_1138] : memref<16x32xf32, #tpu.memory_space<vmem>>[vector<16xi32>, vector<16xi32>], vector<16xf32>,
      %mul3A_1141 = arith.mulf %gather3A_1140, %gather3A_1139 : vector<16xf32>
      %add3A_1142 = arith.addf %add3A_1136, %mul3A_1141 : vector<16xf32>
      %broadcast_in_dim3A_1143 = arith.constant 12 : i32
      %broadcast_in_dim3A_1144 = vector.broadcast %broadcast_in_dim3A_1143 : i32 to vector<16xi32>
      %gather3A_1145 = tpu.vector_load_idx %arg11[%select_n3A_604, %broadcast_in_dim3A_1144, %select_n3A_601] : memref<18x32x128xf32, #tpu.memory_space<vmem>>[vector<16xi32>, vector<16xi32>, vector<16xi32>], vector<16xf32>,
      %gather3A_1146 = tpu.vector_load_idx %arg12[%iota3A, %broadcast_in_dim3A_1144] : memref<16x32xf32, #tpu.memory_space<vmem>>[vector<16xi32>, vector<16xi32>], vector<16xf32>,
      %mul3A_1147 = arith.mulf %gather3A_1146, %gather3A_1145 : vector<16xf32>
      %add3A_1148 = arith.addf %add3A_1142, %mul3A_1147 : vector<16xf32>
      %broadcast_in_dim3A_1149 = arith.constant 13 : i32
      %broadcast_in_dim3A_1150 = vector.broadcast %broadcast_in_dim3A_1149 : i32 to vector<16xi32>
      %gather3A_1151 = tpu.vector_load_idx %arg11[%select_n3A_604, %broadcast_in_dim3A_1150, %select_n3A_601] : memref<18x32x128xf32, #tpu.memory_space<vmem>>[vector<16xi32>, vector<16xi32>, vector<16xi32>], vector<16xf32>,
      %gather3A_1152 = tpu.vector_load_idx %arg12[%iota3A, %broadcast_in_dim3A_1150] : memref<16x32xf32, #tpu.memory_space<vmem>>[vector<16xi32>, vector<16xi32>], vector<16xf32>,
      %mul3A_1153 = arith.mulf %gather3A_1152, %gather3A_1151 : vector<16xf32>
      %add3A_1154 = arith.addf %add3A_1148, %mul3A_1153 : vector<16xf32>
      %broadcast_in_dim3A_1155 = arith.constant 14 : i32
      %broadcast_in_dim3A_1156 = vector.broadcast %broadcast_in_dim3A_1155 : i32 to vector<16xi32>
      %gather3A_1157 = tpu.vector_load_idx %arg11[%select_n3A_604, %broadcast_in_dim3A_1156, %select_n3A_601] : memref<18x32x128xf32, #tpu.memory_space<vmem>>[vector<16xi32>, vector<16xi32>, vector<16xi32>], vector<16xf32>,
      %gather3A_1158 = tpu.vector_load_idx %arg12[%iota3A, %broadcast_in_dim3A_1156] : memref<16x32xf32, #tpu.memory_space<vmem>>[vector<16xi32>, vector<16xi32>], vector<16xf32>,
      %mul3A_1159 = arith.mulf %gather3A_1158, %gather3A_1157 : vector<16xf32>
      %add3A_1160 = arith.addf %add3A_1154, %mul3A_1159 : vector<16xf32>
      %broadcast_in_dim3A_1161 = arith.constant 15 : i32
      %broadcast_in_dim3A_1162 = vector.broadcast %broadcast_in_dim3A_1161 : i32 to vector<16xi32>
      %gather3A_1163 = tpu.vector_load_idx %arg11[%select_n3A_604, %broadcast_in_dim3A_1162, %select_n3A_601] : memref<18x32x128xf32, #tpu.memory_space<vmem>>[vector<16xi32>, vector<16xi32>, vector<16xi32>], vector<16xf32>,
      %gather3A_1164 = tpu.vector_load_idx %arg12[%iota3A, %broadcast_in_dim3A_1162] : memref<16x32xf32, #tpu.memory_space<vmem>>[vector<16xi32>, vector<16xi32>], vector<16xf32>,
      %mul3A_1165 = arith.mulf %gather3A_1164, %gather3A_1163 : vector<16xf32>
      %add3A_1166 = arith.addf %add3A_1160, %mul3A_1165 : vector<16xf32>
      %broadcast_in_dim3A_1167 = arith.constant 16 : i32
      %broadcast_in_dim3A_1168 = vector.broadcast %broadcast_in_dim3A_1167 : i32 to vector<16xi32>
      %gather3A_1169 = tpu.vector_load_idx %arg11[%select_n3A_604, %broadcast_in_dim3A_1168, %select_n3A_601] : memref<18x32x128xf32, #tpu.memory_space<vmem>>[vector<16xi32>, vector<16xi32>, vector<16xi32>], vector<16xf32>,
      %gather3A_1170 = tpu.vector_load_idx %arg12[%iota3A, %broadcast_in_dim3A_1168] : memref<16x32xf32, #tpu.memory_space<vmem>>[vector<16xi32>, vector<16xi32>], vector<16xf32>,
      %mul3A_1171 = arith.mulf %gather3A_1170, %gather3A_1169 : vector<16xf32>
      %add3A_1172 = arith.addf %add3A_1166, %mul3A_1171 : vector<16xf32>
      %broadcast_in_dim3A_1173 = arith.constant 17 : i32
      %broadcast_in_dim3A_1174 = vector.broadcast %broadcast_in_dim3A_1173 : i32 to vector<16xi32>
      %gather3A_1175 = tpu.vector_load_idx %arg11[%select_n3A_604, %broadcast_in_dim3A_1174, %select_n3A_601] : memref<18x32x128xf32, #tpu.memory_space<vmem>>[vector<16xi32>, vector<16xi32>, vector<16xi32>], vector<16xf32>,
      %gather3A_1176 = tpu.vector_load_idx %arg12[%iota3A, %broadcast_in_dim3A_1174] : memref<16x32xf32, #tpu.memory_space<vmem>>[vector<16xi32>, vector<16xi32>], vector<16xf32>,
      %mul3A_1177 = arith.mulf %gather3A_1176, %gather3A_1175 : vector<16xf32>
      %add3A_1178 = arith.addf %add3A_1172, %mul3A_1177 : vector<16xf32>
      %broadcast_in_dim3A_1179 = arith.constant 18 : i32
      %broadcast_in_dim3A_1180 = vector.broadcast %broadcast_in_dim3A_1179 : i32 to vector<16xi32>
      %gather3A_1181 = tpu.vector_load_idx %arg11[%select_n3A_604, %broadcast_in_dim3A_1180, %select_n3A_601] : memref<18x32x128xf32, #tpu.memory_space<vmem>>[vector<16xi32>, vector<16xi32>, vector<16xi32>], vector<16xf32>,
      %gather3A_1182 = tpu.vector_load_idx %arg12[%iota3A, %broadcast_in_dim3A_1180] : memref<16x32xf32, #tpu.memory_space<vmem>>[vector<16xi32>, vector<16xi32>], vector<16xf32>,
      %mul3A_1183 = arith.mulf %gather3A_1182, %gather3A_1181 : vector<16xf32>
      %add3A_1184 = arith.addf %add3A_1178, %mul3A_1183 : vector<16xf32>
      %broadcast_in_dim3A_1185 = arith.constant 19 : i32
      %broadcast_in_dim3A_1186 = vector.broadcast %broadcast_in_dim3A_1185 : i32 to vector<16xi32>
      %gather3A_1187 = tpu.vector_load_idx %arg11[%select_n3A_604, %broadcast_in_dim3A_1186, %select_n3A_601] : memref<18x32x128xf32, #tpu.memory_space<vmem>>[vector<16xi32>, vector<16xi32>, vector<16xi32>], vector<16xf32>,
      %gather3A_1188 = tpu.vector_load_idx %arg12[%iota3A, %broadcast_in_dim3A_1186] : memref<16x32xf32, #tpu.memory_space<vmem>>[vector<16xi32>, vector<16xi32>], vector<16xf32>,
      %mul3A_1189 = arith.mulf %gather3A_1188, %gather3A_1187 : vector<16xf32>
      %add3A_1190 = arith.addf %add3A_1184, %mul3A_1189 : vector<16xf32>
      %broadcast_in_dim3A_1191 = arith.constant 20 : i32
      %broadcast_in_dim3A_1192 = vector.broadcast %broadcast_in_dim3A_1191 : i32 to vector<16xi32>
      %gather3A_1193 = tpu.vector_load_idx %arg11[%select_n3A_604, %broadcast_in_dim3A_1192, %select_n3A_601] : memref<18x32x128xf32, #tpu.memory_space<vmem>>[vector<16xi32>, vector<16xi32>, vector<16xi32>], vector<16xf32>,
      %gather3A_1194 = tpu.vector_load_idx %arg12[%iota3A, %broadcast_in_dim3A_1192] : memref<16x32xf32, #tpu.memory_space<vmem>>[vector<16xi32>, vector<16xi32>], vector<16xf32>,
      %mul3A_1195 = arith.mulf %gather3A_1194, %gather3A_1193 : vector<16xf32>
      %add3A_1196 = arith.addf %add3A_1190, %mul3A_1195 : vector<16xf32>
      %broadcast_in_dim3A_1197 = arith.constant 21 : i32
      %broadcast_in_dim3A_1198 = vector.broadcast %broadcast_in_dim3A_1197 : i32 to vector<16xi32>
      %gather3A_1199 = tpu.vector_load_idx %arg11[%select_n3A_604, %broadcast_in_dim3A_1198, %select_n3A_601] : memref<18x32x128xf32, #tpu.memory_space<vmem>>[vector<16xi32>, vector<16xi32>, vector<16xi32>], vector<16xf32>,
      %gather3A_1200 = tpu.vector_load_idx %arg12[%iota3A, %broadcast_in_dim3A_1198] : memref<16x32xf32, #tpu.memory_space<vmem>>[vector<16xi32>, vector<16xi32>], vector<16xf32>,
      %mul3A_1201 = arith.mulf %gather3A_1200, %gather3A_1199 : vector<16xf32>
      %add3A_1202 = arith.addf %add3A_1196, %mul3A_1201 : vector<16xf32>
      %broadcast_in_dim3A_1203 = arith.constant 22 : i32
      %broadcast_in_dim3A_1204 = vector.broadcast %broadcast_in_dim3A_1203 : i32 to vector<16xi32>
      %gather3A_1205 = tpu.vector_load_idx %arg11[%select_n3A_604, %broadcast_in_dim3A_1204, %select_n3A_601] : memref<18x32x128xf32, #tpu.memory_space<vmem>>[vector<16xi32>, vector<16xi32>, vector<16xi32>], vector<16xf32>,
      %gather3A_1206 = tpu.vector_load_idx %arg12[%iota3A, %broadcast_in_dim3A_1204] : memref<16x32xf32, #tpu.memory_space<vmem>>[vector<16xi32>, vector<16xi32>], vector<16xf32>,
      %mul3A_1207 = arith.mulf %gather3A_1206, %gather3A_1205 : vector<16xf32>
      %add3A_1208 = arith.addf %add3A_1202, %mul3A_1207 : vector<16xf32>
      %broadcast_in_dim3A_1209 = arith.constant 23 : i32
      %broadcast_in_dim3A_1210 = vector.broadcast %broadcast_in_dim3A_1209 : i32 to vector<16xi32>
      %gather3A_1211 = tpu.vector_load_idx %arg11[%select_n3A_604, %broadcast_in_dim3A_1210, %select_n3A_601] : memref<18x32x128xf32, #tpu.memory_space<vmem>>[vector<16xi32>, vector<16xi32>, vector<16xi32>], vector<16xf32>,
      %gather3A_1212 = tpu.vector_load_idx %arg12[%iota3A, %broadcast_in_dim3A_1210] : memref<16x32xf32, #tpu.memory_space<vmem>>[vector<16xi32>, vector<16xi32>], vector<16xf32>,
      %mul3A_1213 = arith.mulf %gather3A_1212, %gather3A_1211 : vector<16xf32>
      %add3A_1214 = arith.addf %add3A_1208, %mul3A_1213 : vector<16xf32>
      %broadcast_in_dim3A_1215 = arith.constant 24 : i32
      %broadcast_in_dim3A_1216 = vector.broadcast %broadcast_in_dim3A_1215 : i32 to vector<16xi32>
      %gather3A_1217 = tpu.vector_load_idx %arg11[%select_n3A_604, %broadcast_in_dim3A_1216, %select_n3A_601] : memref<18x32x128xf32, #tpu.memory_space<vmem>>[vector<16xi32>, vector<16xi32>, vector<16xi32>], vector<16xf32>,
      %gather3A_1218 = tpu.vector_load_idx %arg12[%iota3A, %broadcast_in_dim3A_1216] : memref<16x32xf32, #tpu.memory_space<vmem>>[vector<16xi32>, vector<16xi32>], vector<16xf32>,
      %mul3A_1219 = arith.mulf %gather3A_1218, %gather3A_1217 : vector<16xf32>
      %add3A_1220 = arith.addf %add3A_1214, %mul3A_1219 : vector<16xf32>
      %broadcast_in_dim3A_1221 = arith.constant 25 : i32
      %broadcast_in_dim3A_1222 = vector.broadcast %broadcast_in_dim3A_1221 : i32 to vector<16xi32>
      %gather3A_1223 = tpu.vector_load_idx %arg11[%select_n3A_604, %broadcast_in_dim3A_1222, %select_n3A_601] : memref<18x32x128xf32, #tpu.memory_space<vmem>>[vector<16xi32>, vector<16xi32>, vector<16xi32>], vector<16xf32>,
      %gather3A_1224 = tpu.vector_load_idx %arg12[%iota3A, %broadcast_in_dim3A_1222] : memref<16x32xf32, #tpu.memory_space<vmem>>[vector<16xi32>, vector<16xi32>], vector<16xf32>,
      %mul3A_1225 = arith.mulf %gather3A_1224, %gather3A_1223 : vector<16xf32>
      %add3A_1226 = arith.addf %add3A_1220, %mul3A_1225 : vector<16xf32>
      %broadcast_in_dim3A_1227 = arith.constant 26 : i32
      %broadcast_in_dim3A_1228 = vector.broadcast %broadcast_in_dim3A_1227 : i32 to vector<16xi32>
      %gather3A_1229 = tpu.vector_load_idx %arg11[%select_n3A_604, %broadcast_in_dim3A_1228, %select_n3A_601] : memref<18x32x128xf32, #tpu.memory_space<vmem>>[vector<16xi32>, vector<16xi32>, vector<16xi32>], vector<16xf32>,
      %gather3A_1230 = tpu.vector_load_idx %arg12[%iota3A, %broadcast_in_dim3A_1228] : memref<16x32xf32, #tpu.memory_space<vmem>>[vector<16xi32>, vector<16xi32>], vector<16xf32>,
      %mul3A_1231 = arith.mulf %gather3A_1230, %gather3A_1229 : vector<16xf32>
      %add3A_1232 = arith.addf %add3A_1226, %mul3A_1231 : vector<16xf32>
      %broadcast_in_dim3A_1233 = arith.constant 27 : i32
      %broadcast_in_dim3A_1234 = vector.broadcast %broadcast_in_dim3A_1233 : i32 to vector<16xi32>
      %gather3A_1235 = tpu.vector_load_idx %arg11[%select_n3A_604, %broadcast_in_dim3A_1234, %select_n3A_601] : memref<18x32x128xf32, #tpu.memory_space<vmem>>[vector<16xi32>, vector<16xi32>, vector<16xi32>], vector<16xf32>,
      %gather3A_1236 = tpu.vector_load_idx %arg12[%iota3A, %broadcast_in_dim3A_1234] : memref<16x32xf32, #tpu.memory_space<vmem>>[vector<16xi32>, vector<16xi32>], vector<16xf32>,
      %mul3A_1237 = arith.mulf %gather3A_1236, %gather3A_1235 : vector<16xf32>
      %add3A_1238 = arith.addf %add3A_1232, %mul3A_1237 : vector<16xf32>
      %broadcast_in_dim3A_1239 = arith.constant 28 : i32
      %broadcast_in_dim3A_1240 = vector.broadcast %broadcast_in_dim3A_1239 : i32 to vector<16xi32>
      %gather3A_1241 = tpu.vector_load_idx %arg11[%select_n3A_604, %broadcast_in_dim3A_1240, %select_n3A_601] : memref<18x32x128xf32, #tpu.memory_space<vmem>>[vector<16xi32>, vector<16xi32>, vector<16xi32>], vector<16xf32>,
      %gather3A_1242 = tpu.vector_load_idx %arg12[%iota3A, %broadcast_in_dim3A_1240] : memref<16x32xf32, #tpu.memory_space<vmem>>[vector<16xi32>, vector<16xi32>], vector<16xf32>,
      %mul3A_1243 = arith.mulf %gather3A_1242, %gather3A_1241 : vector<16xf32>
      %add3A_1244 = arith.addf %add3A_1238, %mul3A_1243 : vector<16xf32>
      %broadcast_in_dim3A_1245 = arith.constant 29 : i32
      %broadcast_in_dim3A_1246 = vector.broadcast %broadcast_in_dim3A_1245 : i32 to vector<16xi32>
      %gather3A_1247 = tpu.vector_load_idx %arg11[%select_n3A_604, %broadcast_in_dim3A_1246, %select_n3A_601] : memref<18x32x128xf32, #tpu.memory_space<vmem>>[vector<16xi32>, vector<16xi32>, vector<16xi32>], vector<16xf32>,
      %gather3A_1248 = tpu.vector_load_idx %arg12[%iota3A, %broadcast_in_dim3A_1246] : memref<16x32xf32, #tpu.memory_space<vmem>>[vector<16xi32>, vector<16xi32>], vector<16xf32>,
      %mul3A_1249 = arith.mulf %gather3A_1248, %gather3A_1247 : vector<16xf32>
      %add3A_1250 = arith.addf %add3A_1244, %mul3A_1249 : vector<16xf32>
      %broadcast_in_dim3A_1251 = arith.constant 30 : i32
      %broadcast_in_dim3A_1252 = vector.broadcast %broadcast_in_dim3A_1251 : i32 to vector<16xi32>
      %gather3A_1253 = tpu.vector_load_idx %arg11[%select_n3A_604, %broadcast_in_dim3A_1252, %select_n3A_601] : memref<18x32x128xf32, #tpu.memory_space<vmem>>[vector<16xi32>, vector<16xi32>, vector<16xi32>], vector<16xf32>,
      %gather3A_1254 = tpu.vector_load_idx %arg12[%iota3A, %broadcast_in_dim3A_1252] : memref<16x32xf32, #tpu.memory_space<vmem>>[vector<16xi32>, vector<16xi32>], vector<16xf32>,
      %mul3A_1255 = arith.mulf %gather3A_1254, %gather3A_1253 : vector<16xf32>
      %add3A_1256 = arith.addf %add3A_1250, %mul3A_1255 : vector<16xf32>
      %broadcast_in_dim3A_1257 = arith.constant 31 : i32
      %broadcast_in_dim3A_1258 = vector.broadcast %broadcast_in_dim3A_1257 : i32 to vector<16xi32>
      %gather3A_1259 = tpu.vector_load_idx %arg11[%select_n3A_604, %broadcast_in_dim3A_1258, %select_n3A_601] : memref<18x32x128xf32, #tpu.memory_space<vmem>>[vector<16xi32>, vector<16xi32>, vector<16xi32>], vector<16xf32>,
      %gather3A_1260 = tpu.vector_load_idx %arg12[%iota3A, %broadcast_in_dim3A_1258] : memref<16x32xf32, #tpu.memory_space<vmem>>[vector<16xi32>, vector<16xi32>], vector<16xf32>,
      %mul3A_1261 = arith.mulf %gather3A_1260, %gather3A_1259 : vector<16xf32>
      %add3A_1262 = arith.addf %add3A_1256, %mul3A_1261 : vector<16xf32>
      %mul3A_1263 = arith.constant 16 : i32
      %mul3A_1264 = arith.muli %scan3A_9, %mul3A_1263 : i32
      %swap3A = arith.index_cast %mul3A_1264 : i32 to index
      %swap3A_1265 = tpu.vector_load %arg13[%swap3A] {strides = array<i32>} : memref<512xf32, #tpu.memory_space<vmem>>, vector<16xf32>,
      tpu.vector_store %arg13[%swap3A], %add3A_1262 {strides = array<i32>} : memref<512xf32, #tpu.memory_space<vmem>>, vector<16xf32>,
    }
    %scan3A_8 = arith.constant 32 : i32
    "tpu.region"() ({
      %run_scoped3A_9 = tpu.sem_alloc : memref<!tpu.dma_semaphore, #tpu.memory_space<semaphore_mem>>
      %dma_start3A = tpu.memref_slice %arg8[%mul3A_2] : memref<16384xf32, #tpu.memory_space<hbm>> -> memref<512xf32, #tpu.memory_space<hbm>>
      %dma_start3A_10 = tpu.memref_slice %arg8[%mul3A_2] : memref<16384xf32, #tpu.memory_space<hbm>> -> memref<512xf32, #tpu.memory_space<hbm>>
      tpu.enqueue_dma source(%arg13 : memref<512xf32, #tpu.memory_space<vmem>>) target(%dma_start3A_10 : memref<512xf32, #tpu.memory_space<hbm>>) target_semaphore(%run_scoped3A_9 : memref<!tpu.dma_semaphore, #tpu.memory_space<semaphore_mem>>)
      %dma_wait3A = tpu.memref_slice %arg8[%mul3A_2] : memref<16384xf32, #tpu.memory_space<hbm>> -> memref<512xf32, #tpu.memory_space<hbm>>
      %dma_wait3A_11 = tpu.memref_slice %arg8[%mul3A_2] : memref<16384xf32, #tpu.memory_space<hbm>> -> memref<512xf32, #tpu.memory_space<hbm>>
      tpu.wait_dma2 semaphore(%run_scoped3A_9 : memref<!tpu.dma_semaphore, #tpu.memory_space<semaphore_mem>>) src(%arg13 : memref<512xf32, #tpu.memory_space<vmem>>) dst(%dma_wait3A_11 : memref<512xf32, #tpu.memory_space<hbm>>)
      tpu.yield
    }) : () -> ()
    return
  }
}

</mosaic_0001>

<sc_bundles>
// kernel: _run.3.cloned.1.call-start
scs
__scs_entry_jumppad:
0x0: {  	(pc) =	sbr.rel $0x88, $3  }
0x1: {  	(tag) =	ssettag $0x0;
	lr =	simm.s32 $0x1  }
0x2: {  	[smem:$0x3F9D] =	sst lr;
	_ =	strace $0xD0000000  }
0x3: {  	_ = 	snop  }
0x4: {  	_ = 	snop  }
0x5: {  	_ = 	snop  }
0x6: {  	_ = 	snop  }
0x7: {  	_ = 	snop  }
__scs_overlays_trampoline_lowered:
0x8: {  	[smem:$0x3FAC] =	sst s0  }
0x9: {  	[smem:$0x3FAD] =	sst s1  }
0xa: {  	[smem:$0x3FAE] =	sst s2  }
0xb: {  	[smem:$0x3FAF] =	sst s3  }
0xc: {  	[smem:$0x3FB0] =	sst s4  }
0xd: {  	[smem:$0x3FB1] =	sst s5  }
0xe: {  	[smem:$0x3FB2] =	sst s6  }
0xf: {  	[smem:$0x3FB3] =	sst s7  }
0x10: {  	[smem:$0x3FB4] =	sst s8  }
0x11: {  	[smem:$0x3FB5] =	sst s9;
	s0 =	simm.s32 @!p0 $0x0  }
0x12: {  	s1 =	sld [smem:$0x3F9B];
	s0 =	simm.s32 @p0 $0x1  }
0x13: {  	[smem:$0x3FB6] =	sst s0;
	s0 =	simm.s32 @!p1 $0x0  }
0x14: {  	s2 =	sld [smem:$0x3F9A];
	s0 =	simm.s32 @p1 $0x1  }
0x15: {  	[smem:$0x3FB7] =	sst s0;
	s0 =	simm.s32 @!p2 $0x0  }
0x16: {  	s3 =	sld [smem:$0x3FDB];
	s0 =	simm.s32 @p2 $0x1  }
0x17: {  	s4 =	simm.s32 $0x1BF5;
	[smem:$0x3FB9] =	sst s0  }
0x18: {  	s0 =	sld [smem:$0x3F9C];
	_ =	swait.ge [sflag:s4], $0x0  }
0x19: {  	s7 =	sld [smem:$0x3F9D]  }
0x1a: {  	s8 =	sadd.s32 $0xFFFFE003, lr  }
0x1b: {  	s9 =	sadd.s32 $0xFFFFFEF7, lr;
	s5 =	simm.s32 $0xFFFFFFFF;
	p2 =	slt.u32 s8, $0xFFFFF086  }
0x1c: {  	p1 =	slt.u32 s9, $0xF7A;
	s5 =	simm.s32 @!p2 $0x0  }
0x1d: {  	s5 =	simm.s32 @p1 $0x1;
	p0 =	seq.s32 s7, s2  }
0x1e: {  	s7 =	smul.u32 @!p0 $0xF7A, s2;
	p2 =	seq.s32 @!p0 s5, $0x0  }
0x1f: {  	s9 =	smul.u32 $0xF7A, s1;
	s8 =	simm.s32 @!p0 $0x1BF5;
	p2 =	por !p2, p0  }
0x20: {  	[sflag:s8] =	ssyncset.s32 @!p0 $0xFFFFF086;
	s6 =	sadd.s32 @!p0 s3, s7;
	s7 =	simm.s32 @!p0 $0x108  }
0x21: {  	s3 =	sadd.s32 s3, s9;
	s6 =	sadd.s32 @!p0 $0x88, s6;
	s7 =	simm.s32 @p2 $0x1082  }
0x22: {  	[simem:s7], [sflag:s8] =	dma.local @!p0 [hbm:s6], $0xF7A  }
0x23: {  	s9 =	sor.u32 $0xD0000000, s2;
	s6 =	simm.s32 $0x108;
	_ =	swait.ge @!p0 [sflag:s8], $0x0  }
0x24: {  	s3 =	sadd.s32 $0x88, s3;
	s6 =	simm.s32 @!p1 $0x1082;
	[sflag:s4] =	ssyncset.s32 $0xFFFFF086  }
0x25: {  	[simem:s6], [sflag:s4] =	dma.local [hbm:s3], $0xF7A  }
0x26: {  	[smem:$0x3F9D] =	sst s1;
	(tag) =	ssettag s2;
	_ =	strace s9  }
0x27: {  	s1 =	sld [smem:$0x3FAD]  }
0x28: {  	s2 =	sld [smem:$0x3FAE]  }
0x29: {  	s4 =	sld [smem:$0x3FB0]  }
0x2a: {  	p0 =	seq.s32 s5, $0x0;
	s5 =	sld [smem:$0x3FB1]  }
0x2b: {  	s6 =	sld [smem:$0x3FB2]  }
0x2c: {  	s7 =	sld [smem:$0x3FB3]  }
0x2d: {  	s3 =	simm.s32 $0x108;
	s8 =	sld [smem:$0x3FB4]  }
0x2e: {  	s3 =	simm.s32 @!p0 $0x1082;
	s9 =	sld [smem:$0x3FB5]  }
0x2f: {  	lr =	sadd.s32 s0, s3;
	s0 =	sld [smem:$0x3FAC]  }
0x30: {  	s3 =	sld [smem:$0x3FAF]  }
0x31: {  	[smem:$0x3FB8] =	sst s10  }
0x32: {  	s10 =	sld [smem:$0x3FB6];
	_ =	sdelay $0x3  }
0x33: {  	p0 =	seq.s32 s10, $0x1;
	s10 =	sld [smem:$0x3FB8];
	_ =	sdelay $0x3  }
0x34: {  	[smem:$0x3FB8] =	sst s10  }
0x35: {  	s10 =	sld [smem:$0x3FB7];
	_ =	sdelay $0x3  }
0x36: {  	p1 =	seq.s32 s10, $0x1;
	s10 =	sld [smem:$0x3FB8];
	_ =	sdelay $0x3  }
0x37: {  	[smem:$0x3FB8] =	sst s10  }
0x38: {  	s10 =	sld [smem:$0x3FB9]  }
0x39: {  	_ = 	snop;
	(pc) =	sbr.ind lr, $3  }
0x3a: {  	_ = 	snop  }
0x3b: {  	_ = 	snop  }
0x3c: {  	p2 =	seq.s32 s10, $0x1;
	s10 =	sld [smem:$0x3FB8]  }
0x3d: {  	_ =	shalt  }
0x3e: {  	_ =	shalt  }
0x3f: {  	_ =	shalt  }
0x40: {  	_ =	shalt  }
0x41: {  	_ =	shalt  }
0x42: {  	_ =	shalt  }
0x43: {  	_ =	shalt  }
0x44: {  	_ =	shalt  }
0x45: {  	_ =	shalt  }
0x46: {  	_ =	shalt  }
0x47: {  	_ =	shalt  }
0x48: {  	_ =	shalt  }
0x49: {  	_ =	shalt  }
0x4a: {  	_ =	shalt  }
0x4b: {  	_ =	shalt  }
0x4c: {  	_ =	shalt  }
0x4d: {  	_ =	shalt  }
0x4e: {  	_ =	shalt  }
0x4f: {  	_ =	shalt  }
0x50: {  	_ =	shalt  }
0x51: {  	_ =	shalt  }
0x52: {  	_ =	shalt  }
0x53: {  	_ =	shalt  }
0x54: {  	_ =	shalt  }
0x55: {  	_ =	shalt  }
0x56: {  	_ =	shalt  }
0x57: {  	_ =	shalt  }
0x58: {  	_ =	shalt  }
0x59: {  	_ =	shalt  }
0x5a: {  	_ =	shalt  }
0x5b: {  	_ =	shalt  }
0x5c: {  	_ =	shalt  }
0x5d: {  	_ =	shalt  }
0x5e: {  	_ =	shalt  }
0x5f: {  	_ =	shalt  }
0x60: {  	_ =	shalt  }
0x61: {  	_ =	shalt  }
0x62: {  	_ =	shalt  }
0x63: {  	_ =	shalt  }
0x64: {  	_ =	shalt  }
0x65: {  	_ =	shalt  }
0x66: {  	_ =	shalt  }
0x67: {  	_ =	shalt  }
0x68: {  	_ =	shalt  }
0x69: {  	_ =	shalt  }
0x6a: {  	_ =	shalt  }
0x6b: {  	_ =	shalt  }
0x6c: {  	_ =	shalt  }
0x6d: {  	_ =	shalt  }
0x6e: {  	_ =	shalt  }
0x6f: {  	_ =	shalt  }
0x70: {  	_ =	shalt  }
0x71: {  	_ =	shalt  }
0x72: {  	_ =	shalt  }
0x73: {  	_ =	shalt  }
0x74: {  	_ =	shalt  }
0x75: {  	_ =	shalt  }
0x76: {  	_ =	shalt  }
0x77: {  	_ =	shalt  }
0x78: {  	_ =	shalt  }
0x79: {  	_ =	shalt  }
0x7a: {  	_ =	shalt  }
0x7b: {  	_ =	shalt  }
0x7c: {  	_ =	shalt  }
0x7d: {  	_ =	shalt  }
0x7e: {  	_ =	shalt  }
0x7f: {  	_ =	shalt  }
0x80: {  	_ =	shalt  }
0x81: {  	_ =	shalt  }
0x82: {  	_ =	shalt  }
0x83: {  	_ =	shalt  }
0x84: {  	_ =	shalt  }
0x85: {  	_ =	shalt  }
0x86: {  	_ =	shalt  }
0x87: {  	_ =	shalt  }
.Lfunc_end0:
.L_simem_size_0:
called_computation_lowered:
.L_overlay_start_0:
0x88: {  	s2 =	sld [smem:$0x3FD9]  }
0x89: {  	s3 =	sld [smem:$0x3FFE];
	_ =	sdelay $0x1  }
0x8a: {  	s1 =	srdreg.scid  }
0x8b: {  	s0 =	sand.u32 $0x1, s1  }
0x8c: {  	s17 =	sshll.u32 s0, $0xA;
	s2 =	sadd.s32 s3, s2  }
0x8d: {  	s2 =	sadd.s32 s2, s17  }
0x8e: {  	[smem:$0x3FC4] =	sst s2  }
0x8f: {  	_ = 	snop  }
0x90: {  	s2 =	sld [smem:$0x3FC9]  }
0x91: {  	s18 =	sld [smem:$0x3FC8]  }
0x92: {  	s4 =	sld [smem:$0x3FC7]  }
0x93: {  	s5 =	sld [smem:$0x3FC6]  }
0x94: {  	s6 =	sld [smem:$0x3FD0];
	(tm) =	ssettm $0x1  }
0x95: {  	s7 =	sld [smem:$0x3FFB];
	_ =	sdelay $0x3  }
0x96: {  	_ =	strace s7  }
0x97: {  	s7 =	sld [smem:$0x3FFC];
	_ =	sdelay $0x3  }
0x98: {  	_ =	strace s7  }
0x99: {  	s7 =	sld [smem:$0x3FFD];
	_ =	sdelay $0x3  }
0x9a: {  	_ =	strace s7  }
0x9b: {  	_ =	strace $0x8FFFFFFF  }
0x9c: {  	s19 =	sld [smem:$0x3FDB];
	_ =	sdelay $0x1  }
0x9d: {  	s8 =	simm.s32 $_scs_section_size  }
0x9e: {  	s9 =	simm.s32 $_size__tile_overlayer_lowered;
	s10 =	simm.s32 $_tile_overlayer_lowered  }
0x9f: {  	s22 =	simm.s32 $0x1BFF;
	s21 =	sshll.u32 s10, $0x1;
	s7 =	sadd.s32 s8, s19  }
0xa0: {  	s11 =	simm.s32 $0x0;
	s20 =	sshll.u32 s9, $0x1;
	s9 =	sadd.s32 s21, s7  }
0xa1: {  	[timem:s11], [sflag:s22] =	dma.local [hbm:s9], s20  }
0xa2: {  	_ =	swait.ge [sflag:s22], s20  }
0xa3: {  	s8 =	ssub.s32 $0x0, s20;
	[sflag:s22] =	ssyncset.done $0x0  }
0xa4: {  	[sflag:s22] =	ssyncadd.s32 s8;
	_ =	sdelay $0x1  }
0xa5: {  	s23 =	simm.s32 $0x1B8B  }
0xa6: {  	_ =	swait.ge [sflag:s23], $0x1  }
0xa7: {  	[sflag:s23] =	ssyncset.done $0x0  }
0xa8: {  	s25 =	simm.s32 $0x1B8E;
	s24 =	sld [smem:$0x3FFE];
	[sflag:s23] =	ssyncadd.s32 $0xFFFFFFFF  }
0xa9: {  	s26 =	simm.s32 $execute0_lowered;
	[smem:$0x3FD2] =	sst s25  }
0xaa: {  	s9 =	sshll.u32 s26, $0x1;
	_ =	strace $0x80000046;
	[dreg:$0x1] =	wrdreg $0xFFFFFFFF  }
0xab: {  	s28 =	simm.s32 $_size_execute0_lowered;
	s7 =	sadd.s32 s7, s9;
	[dreg:$0x0] =	wrdreg $0x0  }
0xac: {  	s9 =	sshll.u32 s28, $0x1;
	[dreg:$0x2] =	wrdreg s7  }
0xad: {  	[dreg:$0x3] =	wrdreg s9  }
0xae: {  	[dreg:$0x4] =	wrdreg $0xC0  }
0xaf: {  	_ =	task [dreg:s11], $0x5FFFF  }
0xb0: {  	[dreg:$0x1] =	wrdreg $0xFFFFFFFF  }
0xb1: {  	[dreg:$0x0] =	wrdreg $0x60  }
0xb2: {  	[dreg:$0x2] =	wrdreg s2  }
0xb3: {  	[dreg:$0x3] =	wrdreg s18  }
0xb4: {  	[dreg:$0x4] =	wrdreg s4  }
0xb5: {  	[dreg:$0x5] =	wrdreg s5  }
0xb6: {  	[dreg:$0x6] =	wrdreg s24  }
0xb7: {  	[dreg:$0x7] =	wrdreg s6  }
0xb8: {  	[dreg:$0x8] =	wrdreg $0x9  }
0xb9: {  	_ =	task.clear_ibuf [dreg:s11], $0x9FFFF;
	_ =	strace $0x90000046  }
0xba: {  	s29 =	simm.s32 $0x9;
	_ =	strace $0x80000048  }
0xbb: {  	_ =	swait.ge [sflag:s29], $0x1  }
0xbc: {  	[sflag:s29] =	ssyncadd.s32 $0xFFFFFFFF  }
0xbd: {  	_ =	strace $0x90000048  }
0xbe: {  	_ =	sfence  }
0xbf: {  	s30 =	sld [smem:$0x0];
	_ =	sdelay $0x2  }
0xc0: {  	s31 =	sshll.u32 s1, $0xD;
	s1 =	sshrl.u32 s1, $0x2  }
0xc1: {  	s3 =	sand.u32 $0x4000, s31;
	s1 =	sadd.s32 s1, s30  }
0xc2: {  	s0 =	sor.u32 s3, s0;
	s1 =	sshll.u32 s1, $0x11  }
0xc3: {  	s0 =	sor.u32 s1, s0  }
0xc4: {  	s0 =	sadd.s32 $0x8F2B, s0  }
0xc5: {  	[sflag:s0] =	ssyncadd.remote.s32 $0x1  }
0xc6: {  	_ =	sfence.sel $0xFFFF  }
0xc7: {  	[dreg:$0x0] =	wrdreg $0xFFFFFFFF;
	(pc) =	sbr.abs _section_cstart, $3  }
0xc8: {  	[dreg:$0x1] =	wrdreg $0xFFFFFFFF  }
0xc9: {  	_ =	task.clear_ibuf [dreg:s11], $0x2FFFF;
	_ =	strace $0x9FFFFFFF  }
0xca: {  	(tm) =	ssettm $0x7FFFFFFF  }
0xcb: {  	_ =	shalt  }
tec
execute0_lowered:
.L_overlay_start_1:
0x0: {  	(tag) =	ssettag $0x1  }
0x1: {  	s0 =	rddreg [dreg:$0x0]  }
0x2: {  	s2 =	rddreg [dreg:$0x1]  }
0x3: {  	s1 =	rddreg [dreg:$0x2]  }
0x4: {  	s26 =	rddreg [dreg:$0x3]  }
0x5: {  	s4 =	rddreg [dreg:$0x4]  }
0x6: {  	s7 =	rddreg [dreg:$0x5]  }
0x7: {  	s5 =	srdreg.scid;
	v1 =	vlaneseq.u32;
	s8 =	stileid.u32  }
0x8: {  	s12 =	simm.s32 $0x7A1400;
	s14 =	simm.s32 $0x400;
	s15 =	simm.s32 $0x1400;
	v0 =	vmul.u32 $0x80, v1  }
0x9: {  	s16 =	simm.s32 $0x2400;
	s17 =	simm.s32 $0x3400;
	s18 =	simm.s32 $0x4400  }
0xa: {  	s19 =	simm.s32 $0x5400;
	s20 =	simm.s32 $0x6400;
	s21 =	simm.s32 $0x7400;
	v1 =	vmul.u32 $0x1000, v1;
	v2 =	vor.u32 $0x1, v0  }
0xb: {  	s22 =	simm.s32 $0x8400;
	s23 =	simm.s32 $0x9400;
	s24 =	simm.s32 $0xA400;
	v3 =	vor.u32 $0x2, v0;
	v4 =	vor.u32 $0x3, v0;
	v5 =	vor.u32 $0x4, v0  }
0xc: {  	s25 =	simm.s32 $0xB400;
	s28 =	simm.s32 $0xD400;
	s29 =	simm.s32 $0xE400;
	v6 =	vor.u32 $0x5, v0;
	v7 =	vor.u32 $0x6, v0;
	v8 =	vor.u32 $0x7, v0  }
0xd: {  	s30 =	simm.s32 $0xF400;
	s31 =	simm.s32 $0x1;
	[dreg:$0x7] =	wrdreg s1;
	v9 =	vor.u32 $0x8, v0;
	v10 =	vor.u32 $0x9, v0;
	v11 =	vor.u32 $0xA, v0  }
0xe: {  	s10 =	simm.s32 $0x0;
	[dreg:$0x8] =	wrdreg s26;
	s1 =	simm.s32 $0x0;
	v12 =	vor.u32 $0xB, v0;
	v13 =	vor.u32 $0xC, v0;
	v14 =	vor.u32 $0xD, v0  }
0xf: {  	s3 =	sadd.s32 $0x800, s4;
	s5 =	sand.u32 $0x1, s5;
	s8 =	sshll.u32 s8, $0x7;
	v15 =	vor.u32 $0xE, v0;
	v16 =	vor.u32 $0xF, v0;
	v17 =	vor.u32 $0x10, v0  }
0x10: {  	s4 =	sadd.s32 $0x600, s4;
	s26 =	simm.s32 $0xC400;
	s6 =	ssub.s32 $0x2, s5;
	v18 =	vor.u32 $0x11, v0;
	v19 =	vor.u32 $0x12, v0;
	v20 =	vor.u32 $0x13, v0  }
0x11: {  	[smem:$0x7FF] =	sst s1;
	s5 =	sshll.u32 s5, $0x6;
	s9 =	sshrl.u32 s6, $0x1;
	v21 =	vor.u32 $0x14, v0;
	v22 =	vor.u32 $0x15, v0;
	v23 =	vor.u32 $0x16, v0  }
0x12: {  	_ =	strace $0x80000047;
	s8 =	sor.u32 s5, s8;
	v24 =	vor.u32 $0x17, v0;
	v25 =	vor.u32 $0x18, v0;
	v26 =	vor.u32 $0x19, v0;
	s9 =	ssub.s32 s6, s9  }
0x13: {  	v27 =	vor.u32 $0x1A, v0;
	v28 =	vor.u32 $0x1B, v0;
	v29 =	vor.u32 $0x1C, v0;
	s5 =	sadd.s32 s0, s8;
	s6 =	sadd.s32 s2, s8;
	s7 =	sadd.s32 s7, s8  }
0x14: {  	v30 =	vor.u32 $0x1D, v0;
	v31 =	vor.u32 $0x1E, v0;
	v32 =	vor.u32 $0x1F, v0;
	s0 =	simm.s32 $0x12400;
	s8 =	smax.u32 s9, $0x1;
	s9 =	simm.s32 $0x2  }
.LBB2_1:
0x15: {  	[tilespmem:s1], [sflag:$0x2] =	stream.linear.gather [hbm4b:s5+s1], $0x200, $0x38;
	[tilespmem:$0x12E00] =	vst v63  }
0x16: {  	_ =	swait.ge [sflag:s9], $0x200  }
0x17: {  	[sflag:s9] =	ssyncset.done $0x0  }
0x18: {  	s2 =	simm.s32 $0x200;
	[sflag:s9] =	ssyncadd.s32 $0xFFFFFE00  }
0x19: {  	[tilespmem:s2], [sflag:$0x2] =	stream.linear.gather [hbm4b:s6+s1], $0x200, $0x38;
	[tilespmem:$0x12E00] =	vst v63  }
0x1a: {  	_ =	swait.ge [sflag:s9], $0x200  }
0x1b: {  	[sflag:s9] =	ssyncset.done $0x0  }
0x1c: {  	s11 =	simm.s32 $0x10400;
	[sflag:s9] =	ssyncadd.s32 $0xFFFFFE00  }
0x1d: {  	[tilespmem:s11], [sflag:$0x2] =	stream.linear.gather [hbm4b:s3+s1], $0x1000, $0x38;
	[tilespmem:$0x12E00] =	vst v63  }
0x1e: {  	_ =	swait.ge [sflag:s9], $0x1000  }
0x1f: {  	[sflag:s9] =	ssyncset.done $0x0  }
0x20: {  	s13 =	simm.s32 $0x11400;
	[sflag:s9] =	ssyncadd.s32 $0xFFFFF000  }
0x21: {  	[tilespmem:s13], [sflag:$0x2] =	stream.linear.gather [hbm4b:s4+s1], $0x1000, $0x38;
	[tilespmem:$0x12E00] =	vst v63  }
0x22: {  	_ =	swait.ge [sflag:s9], $0x1000  }
0x23: {  	[sflag:s9] =	ssyncset.done $0x0  }
0x24: {  	s11 =	simm.s32 $0x0;
	[sflag:s9] =	ssyncadd.s32 $0xFFFFF000  }
.LBB2_2:
0x25: {  	s13 =	sshra.s32 s11, $0x2  }
0x26: {  	v34 =	vld [tilespmem:s13+$0x0];
	_ =	sdelay $0x4  }
0x27: {  	vm0 =	vgt.s32 v34, $0xF41FF;
	v35 =	vand.u32 $0xFFFFFF80, v34  }
0x28: {  	s2 =	rddreg [dreg:$0x7];
	v33 =	vsel vm0, $0x0, v35  }
0x29: {  	v36 =	vadd.s32 s2, v33  }
0x2a: {  	(v2sf) =	vpush v36, $0x0;
	_ =	sdelay $0x1  }
0x2b: {  	(v2sf) =	vpush v36, $0x1;
	_ =	sdelay $0x1  }
0x2c: {  	(v2sf) =	vpush v36, $0x2;
	_ =	sdelay $0x1  }
0x2d: {  	(v2sf) =	vpush v36, $0x3;
	_ =	sdelay $0x1  }
0x2e: {  	(v2sf) =	vpush v36, $0x4;
	_ =	sdelay $0x1  }
0x2f: {  	(v2sf) =	vpush v36, $0x5;
	_ =	sdelay $0x1  }
0x30: {  	(v2sf) =	vpush v36, $0x6;
	_ =	sdelay $0x1  }
0x31: {  	(v2sf) =	vpush v36, $0x7  }
0x32: {  	s2 =	spop (v2sf)  }
0x33: {  	v33 =	vld [tilespmem:s13+$0x200];
	(v2sf) =	vpush v36, $0x8;
	[tilespmem:s14], [sflag:$0x1] =	stream.strided.gather [hbm4b:s2+s14], $0x1000, s12, s14, $0x38  }
0x34: {  	s2 =	spop (v2sf)  }
0x35: {  	(v2sf) =	vpush v36, $0x9;
	[tilespmem:s15], [sflag:$0x1] =	stream.strided.gather [hbm4b:s2+s14], $0x1000, s12, s14, $0x38;
	[tilespmem:$0x12E00] =	vst v63  }
0x36: {  	s2 =	spop (v2sf)  }
0x37: {  	(v2sf) =	vpush v36, $0xA;
	[tilespmem:s16], [sflag:$0x1] =	stream.strided.gather [hbm4b:s2+s14], $0x1000, s12, s14, $0x38;
	[tilespmem:$0x12E00] =	vst v63  }
0x38: {  	s2 =	spop (v2sf)  }
0x39: {  	(v2sf) =	vpush v36, $0xB;
	[tilespmem:s17], [sflag:$0x1] =	stream.strided.gather [hbm4b:s2+s14], $0x1000, s12, s14, $0x38;
	[tilespmem:$0x12E00] =	vst v63  }
0x3a: {  	s2 =	spop (v2sf)  }
0x3b: {  	(v2sf) =	vpush v36, $0xC;
	[tilespmem:s18], [sflag:$0x1] =	stream.strided.gather [hbm4b:s2+s14], $0x1000, s12, s14, $0x38;
	[tilespmem:$0x12E00] =	vst v63  }
0x3c: {  	s2 =	spop (v2sf)  }
0x3d: {  	(v2sf) =	vpush v36, $0xD;
	[tilespmem:s19], [sflag:$0x1] =	stream.strided.gather [hbm4b:s2+s14], $0x1000, s12, s14, $0x38;
	[tilespmem:$0x12E00] =	vst v63  }
0x3e: {  	s2 =	spop (v2sf)  }
0x3f: {  	(v2sf) =	vpush v36, $0xE;
	[tilespmem:s20], [sflag:$0x1] =	stream.strided.gather [hbm4b:s2+s14], $0x1000, s12, s14, $0x38;
	[tilespmem:$0x12E00] =	vst v63  }
0x40: {  	s2 =	spop (v2sf)  }
0x41: {  	(v2sf) =	vpush v36, $0xF;
	[tilespmem:s21], [sflag:$0x1] =	stream.strided.gather [hbm4b:s2+s14], $0x1000, s12, s14, $0x38;
	[tilespmem:$0x12E00] =	vst v63  }
0x42: {  	s2 =	spop (v2sf)  }
0x43: {  	[tilespmem:s22], [sflag:$0x1] =	stream.strided.gather [hbm4b:s2+s14], $0x1000, s12, s14, $0x38;
	[tilespmem:$0x12E00] =	vst v63  }
0x44: {  	s2 =	spop (v2sf)  }
0x45: {  	[tilespmem:s23], [sflag:$0x1] =	stream.strided.gather [hbm4b:s2+s14], $0x1000, s12, s14, $0x38;
	[tilespmem:$0x12E00] =	vst v63  }
0x46: {  	s2 =	spop (v2sf)  }
0x47: {  	[tilespmem:s24], [sflag:$0x1] =	stream.strided.gather [hbm4b:s2+s14], $0x1000, s12, s14, $0x38;
	[tilespmem:$0x12E00] =	vst v63  }
0x48: {  	s2 =	spop (v2sf)  }
0x49: {  	[tilespmem:s25], [sflag:$0x1] =	stream.strided.gather [hbm4b:s2+s14], $0x1000, s12, s14, $0x38;
	[tilespmem:$0x12E00] =	vst v63  }
0x4a: {  	s2 =	spop (v2sf)  }
0x4b: {  	[tilespmem:s26], [sflag:$0x1] =	stream.strided.gather [hbm4b:s2+s14], $0x1000, s12, s14, $0x38;
	[tilespmem:$0x12E00] =	vst v63  }
0x4c: {  	s2 =	spop (v2sf)  }
0x4d: {  	[tilespmem:s28], [sflag:$0x1] =	stream.strided.gather [hbm4b:s2+s14], $0x1000, s12, s14, $0x38;
	[tilespmem:$0x12E00] =	vst v63  }
0x4e: {  	s2 =	spop (v2sf)  }
0x4f: {  	[tilespmem:s29], [sflag:$0x1] =	stream.strided.gather [hbm4b:s2+s14], $0x1000, s12, s14, $0x38;
	[tilespmem:$0x12E00] =	vst v63  }
0x50: {  	s2 =	spop (v2sf)  }
0x51: {  	[tilespmem:s30], [sflag:$0x1] =	stream.strided.gather [hbm4b:s2+s14], $0x1000, s12, s14, $0x38;
	[tilespmem:$0x12E00] =	vst v63  }
0x52: {  	_ =	swait.ge [sflag:s31], $0x1000  }
0x53: {  	[sflag:s31] =	ssyncset.done $0x0  }
0x54: {  	[sflag:s31] =	ssyncadd.s32 $0xFFFFF000  }
0x55: {  	_ =	swait.ge [sflag:s31], $0x1000  }
0x56: {  	[sflag:s31] =	ssyncset.done $0x0  }
0x57: {  	[sflag:s31] =	ssyncadd.s32 $0xFFFFF000  }
0x58: {  	_ =	swait.ge [sflag:s31], $0x1000  }
0x59: {  	[sflag:s31] =	ssyncset.done $0x0  }
0x5a: {  	[sflag:s31] =	ssyncadd.s32 $0xFFFFF000  }
0x5b: {  	_ =	swait.ge [sflag:s31], $0x1000  }
0x5c: {  	[sflag:s31] =	ssyncset.done $0x0  }
0x5d: {  	[sflag:s31] =	ssyncadd.s32 $0xFFFFF000  }
0x5e: {  	_ =	swait.ge [sflag:s31], $0x1000  }
0x5f: {  	[sflag:s31] =	ssyncset.done $0x0  }
0x60: {  	[sflag:s31] =	ssyncadd.s32 $0xFFFFF000  }
0x61: {  	_ =	swait.ge [sflag:s31], $0x1000  }
0x62: {  	[sflag:s31] =	ssyncset.done $0x0  }
0x63: {  	[sflag:s31] =	ssyncadd.s32 $0xFFFFF000  }
0x64: {  	_ =	swait.ge [sflag:s31], $0x1000  }
0x65: {  	[sflag:s31] =	ssyncset.done $0x0  }
0x66: {  	[sflag:s31] =	ssyncadd.s32 $0xFFFFF000  }
0x67: {  	_ =	swait.ge [sflag:s31], $0x1000  }
0x68: {  	[sflag:s31] =	ssyncset.done $0x0  }
0x69: {  	[sflag:s31] =	ssyncadd.s32 $0xFFFFF000  }
0x6a: {  	_ =	swait.ge [sflag:s31], $0x1000  }
0x6b: {  	[sflag:s31] =	ssyncset.done $0x0  }
0x6c: {  	[sflag:s31] =	ssyncadd.s32 $0xFFFFF000  }
0x6d: {  	_ =	swait.ge [sflag:s31], $0x1000  }
0x6e: {  	[sflag:s31] =	ssyncset.done $0x0  }
0x6f: {  	[sflag:s31] =	ssyncadd.s32 $0xFFFFF000  }
0x70: {  	_ =	swait.ge [sflag:s31], $0x1000  }
0x71: {  	[sflag:s31] =	ssyncset.done $0x0  }
0x72: {  	[sflag:s31] =	ssyncadd.s32 $0xFFFFF000  }
0x73: {  	_ =	swait.ge [sflag:s31], $0x1000  }
0x74: {  	[sflag:s31] =	ssyncset.done $0x0  }
0x75: {  	[sflag:s31] =	ssyncadd.s32 $0xFFFFF000  }
0x76: {  	_ =	swait.ge [sflag:s31], $0x1000  }
0x77: {  	[sflag:s31] =	ssyncset.done $0x0  }
0x78: {  	v35 =	vsub.s32 $0x0, v35;
	[sflag:s31] =	ssyncadd.s32 $0xFFFFF000  }
0x79: {  	v35 =	vsel vm0, $0xFFF0BE00, v35;
	_ =	swait.ge [sflag:s31], $0x1000  }
0x7a: {  	v35 =	vadd.s32 v34, v35;
	[sflag:s31] =	ssyncset.done $0x0  }
0x7b: {  	v41 =	vsel vm0, $0x10000, v1;
	v35 =	vand.u32 $0xFFFFFF80, v35;
	[sflag:s31] =	ssyncadd.s32 $0xFFFFF000  }
0x7c: {  	v34 =	vand.u32 $0x7F, v34;
	v37 =	vadd.s32 v41, v35;
	_ =	swait.ge [sflag:s31], $0x1000  }
0x7d: {  	v37 =	vor.u32 v34, v37;
	[sflag:s31] =	ssyncset.done $0x0  }
0x7e: {  	[sflag:s31] =	ssyncadd.s32 $0xFFFFF000  }
0x7f: {  	_ =	swait.ge [sflag:s31], $0x1000  }
0x80: {  	[sflag:s31] =	ssyncset.done $0x0  }
0x81: {  	v34 =	vor.u32 v41, v34;
	[sflag:s31] =	ssyncadd.s32 $0xFFFFF000  }
0x82: {  	v34 =	vadd.s32 v34, v35;
	v42 =	vld.idx.msk [tilespmem:v37+s14+$0x0], $0xffff  }
0x83: {  	v35 =	vadd.s32 $0x80, v34;
	_ =	sdelay $0x3  }
0x84: {  	[tilespmem:v0+s0+$0x0] =	vst.idx.msk $0xffff, v42  }
0x85: {  	v35 =	vld.idx.msk [tilespmem:v35+s14+$0x0], $0xffff  }
0x86: {  	v43 =	vadd.s32 $0x100, v34;
	_ =	sdelay $0x3  }
0x87: {  	[tilespmem:v2+s0+$0x0] =	vst.idx.msk $0xffff, v35  }
0x88: {  	v35 =	vld.idx.msk [tilespmem:v43+s14+$0x0], $0xffff  }
0x89: {  	v44 =	vadd.s32 $0x180, v34;
	_ =	sdelay $0x3  }
0x8a: {  	[tilespmem:v3+s0+$0x0] =	vst.idx.msk $0xffff, v35  }
0x8b: {  	v35 =	vld.idx.msk [tilespmem:v44+s14+$0x0], $0xffff  }
0x8c: {  	v45 =	vadd.s32 $0x200, v34;
	_ =	sdelay $0x3  }
0x8d: {  	[tilespmem:v4+s0+$0x0] =	vst.idx.msk $0xffff, v35  }
0x8e: {  	v35 =	vld.idx.msk [tilespmem:v45+s14+$0x0], $0xffff  }
0x8f: {  	v46 =	vadd.s32 $0x280, v34;
	_ =	sdelay $0x3  }
0x90: {  	[tilespmem:v5+s0+$0x0] =	vst.idx.msk $0xffff, v35  }
0x91: {  	v35 =	vld.idx.msk [tilespmem:v46+s14+$0x0], $0xffff  }
0x92: {  	v47 =	vadd.s32 $0x300, v34;
	_ =	sdelay $0x3  }
0x93: {  	[tilespmem:v6+s0+$0x0] =	vst.idx.msk $0xffff, v35  }
0x94: {  	v35 =	vld.idx.msk [tilespmem:v47+s14+$0x0], $0xffff  }
0x95: {  	v48 =	vadd.s32 $0x380, v34;
	_ =	sdelay $0x3  }
0x96: {  	[tilespmem:v7+s0+$0x0] =	vst.idx.msk $0xffff, v35  }
0x97: {  	v35 =	vld.idx.msk [tilespmem:v48+s14+$0x0], $0xffff  }
0x98: {  	v49 =	vadd.s32 $0x400, v34;
	_ =	sdelay $0x3  }
0x99: {  	[tilespmem:v8+s0+$0x0] =	vst.idx.msk $0xffff, v35  }
0x9a: {  	v35 =	vld.idx.msk [tilespmem:v49+s14+$0x0], $0xffff  }
0x9b: {  	v50 =	vadd.s32 $0x480, v34;
	_ =	sdelay $0x3  }
0x9c: {  	[tilespmem:v9+s0+$0x0] =	vst.idx.msk $0xffff, v35  }
0x9d: {  	v35 =	vld.idx.msk [tilespmem:v50+s14+$0x0], $0xffff  }
0x9e: {  	v51 =	vadd.s32 $0x500, v34;
	_ =	sdelay $0x3  }
0x9f: {  	[tilespmem:v10+s0+$0x0] =	vst.idx.msk $0xffff, v35  }
0xa0: {  	v35 =	vld.idx.msk [tilespmem:v51+s14+$0x0], $0xffff  }
0xa1: {  	v52 =	vadd.s32 $0x580, v34;
	_ =	sdelay $0x3  }
0xa2: {  	[tilespmem:v11+s0+$0x0] =	vst.idx.msk $0xffff, v35  }
0xa3: {  	v35 =	vld.idx.msk [tilespmem:v52+s14+$0x0], $0xffff  }
0xa4: {  	v53 =	vadd.s32 $0x600, v34;
	_ =	sdelay $0x3  }
0xa5: {  	[tilespmem:v12+s0+$0x0] =	vst.idx.msk $0xffff, v35  }
0xa6: {  	v35 =	vld.idx.msk [tilespmem:v53+s14+$0x0], $0xffff  }
0xa7: {  	v54 =	vadd.s32 $0x680, v34;
	_ =	sdelay $0x3  }
0xa8: {  	[tilespmem:v13+s0+$0x0] =	vst.idx.msk $0xffff, v35  }
0xa9: {  	v35 =	vld.idx.msk [tilespmem:v54+s14+$0x0], $0xffff  }
0xaa: {  	v55 =	vadd.s32 $0x700, v34;
	_ =	sdelay $0x3  }
0xab: {  	[tilespmem:v14+s0+$0x0] =	vst.idx.msk $0xffff, v35  }
0xac: {  	v35 =	vld.idx.msk [tilespmem:v55+s14+$0x0], $0xffff  }
0xad: {  	v56 =	vadd.s32 $0x780, v34;
	_ =	sdelay $0x3  }
0xae: {  	[tilespmem:v15+s0+$0x0] =	vst.idx.msk $0xffff, v35  }
0xaf: {  	v35 =	vld.idx.msk [tilespmem:v56+s14+$0x0], $0xffff  }
0xb0: {  	v57 =	vadd.s32 $0x800, v34;
	_ =	sdelay $0x3  }
0xb1: {  	[tilespmem:v16+s0+$0x0] =	vst.idx.msk $0xffff, v35  }
0xb2: {  	v35 =	vld.idx.msk [tilespmem:v57+s14+$0x0], $0xffff  }
0xb3: {  	v58 =	vadd.s32 $0x880, v34;
	_ =	sdelay $0x3  }
0xb4: {  	[tilespmem:v17+s0+$0x0] =	vst.idx.msk $0xffff, v35  }
0xb5: {  	v35 =	vld.idx.msk [tilespmem:v58+s14+$0x0], $0xffff  }
0xb6: {  	v59 =	vadd.s32 $0x900, v34;
	_ =	sdelay $0x3  }
0xb7: {  	[tilespmem:v18+s0+$0x0] =	vst.idx.msk $0xffff, v35  }
0xb8: {  	v35 =	vld.idx.msk [tilespmem:v59+s14+$0x0], $0xffff  }
0xb9: {  	v60 =	vadd.s32 $0x980, v34;
	_ =	sdelay $0x3  }
0xba: {  	[tilespmem:v19+s0+$0x0] =	vst.idx.msk $0xffff, v35  }
0xbb: {  	v35 =	vld.idx.msk [tilespmem:v60+s14+$0x0], $0xffff  }
0xbc: {  	v61 =	vadd.s32 $0xA00, v34;
	_ =	sdelay $0x3  }
0xbd: {  	[tilespmem:v20+s0+$0x0] =	vst.idx.msk $0xffff, v35  }
0xbe: {  	v35 =	vld.idx.msk [tilespmem:v61+s14+$0x0], $0xffff  }
0xbf: {  	v62 =	vadd.s32 $0xA80, v34;
	_ =	sdelay $0x3  }
0xc0: {  	[tilespmem:v21+s0+$0x0] =	vst.idx.msk $0xffff, v35  }
0xc1: {  	v35 =	vld.idx.msk [tilespmem:v62+s14+$0x0], $0xffff  }
0xc2: {  	v63 =	vadd.s32 $0xB00, v34;
	_ =	sdelay $0x3  }
0xc3: {  	[tilespmem:v22+s0+$0x0] =	vst.idx.msk $0xffff, v35  }
0xc4: {  	v35 =	vld.idx.msk [tilespmem:v63+s14+$0x0], $0xffff  }
0xc5: {  	v40 =	vadd.s32 $0xB80, v34;
	_ =	sdelay $0x3  }
0xc6: {  	[tilespmem:v23+s0+$0x0] =	vst.idx.msk $0xffff, v35  }
0xc7: {  	v35 =	vld.idx.msk [tilespmem:v40+s14+$0x0], $0xffff  }
0xc8: {  	v41 =	vadd.s32 $0xC00, v34;
	_ =	sdelay $0x3  }
0xc9: {  	[tilespmem:v24+s0+$0x0] =	vst.idx.msk $0xffff, v35  }
0xca: {  	v35 =	vld.idx.msk [tilespmem:v41+s14+$0x0], $0xffff  }
0xcb: {  	v42 =	vadd.s32 $0xC80, v34;
	_ =	sdelay $0x3  }
0xcc: {  	[tilespmem:v25+s0+$0x0] =	vst.idx.msk $0xffff, v35  }
0xcd: {  	v35 =	vld.idx.msk [tilespmem:v42+s14+$0x0], $0xffff  }
0xce: {  	v43 =	vadd.s32 $0xD00, v34;
	_ =	sdelay $0x3  }
0xcf: {  	[tilespmem:v26+s0+$0x0] =	vst.idx.msk $0xffff, v35  }
0xd0: {  	v35 =	vld.idx.msk [tilespmem:v43+s14+$0x0], $0xffff  }
0xd1: {  	v44 =	vadd.s32 $0xD80, v34;
	_ =	sdelay $0x3  }
0xd2: {  	[tilespmem:v27+s0+$0x0] =	vst.idx.msk $0xffff, v35  }
0xd3: {  	v35 =	vld.idx.msk [tilespmem:v44+s14+$0x0], $0xffff  }
0xd4: {  	v45 =	vadd.s32 $0xE00, v34;
	_ =	sdelay $0x3  }
0xd5: {  	[tilespmem:v28+s0+$0x0] =	vst.idx.msk $0xffff, v35  }
0xd6: {  	v35 =	vld.idx.msk [tilespmem:v45+s14+$0x0], $0xffff  }
0xd7: {  	v46 =	vadd.s32 $0xE80, v34;
	_ =	sdelay $0x3  }
0xd8: {  	vm15 =	vgt.s32 v33, $0xF41FF;
	v47 =	vand.u32 $0xFFFFFF80, v33;
	[tilespmem:v29+s0+$0x0] =	vst.idx.msk $0xffff, v35  }
0xd9: {  	s2 =	rddreg [dreg:$0x8];
	v48 =	vsel vm15, $0x0, v47;
	v36 =	vld.idx.msk [tilespmem:v46+s14+$0x0], $0xffff  }
0xda: {  	v38 =	vadd.s32 $0xF00, v34;
	v37 =	vadd.s32 s2, v48  }
0xdb: {  	(v2sf) =	vpush v37, $0x0;
	_ =	sdelay $0x1  }
0xdc: {  	(v2sf) =	vpush v37, $0x1  }
0xdd: {  	[tilespmem:v30+s0+$0x0] =	vst.idx.msk $0xffff, v36  }
0xde: {  	(v2sf) =	vpush v37, $0x2;
	v36 =	vld.idx.msk [tilespmem:v38+s14+$0x0], $0xffff  }
0xdf: {  	v34 =	vadd.s32 $0xF80, v34  }
0xe0: {  	(v2sf) =	vpush v37, $0x3;
	_ =	sdelay $0x1  }
0xe1: {  	(v2sf) =	vpush v37, $0x4  }
0xe2: {  	[tilespmem:v31+s0+$0x0] =	vst.idx.msk $0xffff, v36  }
0xe3: {  	(v2sf) =	vpush v37, $0x5;
	v34 =	vld.idx.msk [tilespmem:v34+s14+$0x0], $0xffff;
	_ =	sdelay $0x1  }
0xe4: {  	(v2sf) =	vpush v37, $0x6;
	_ =	sdelay $0x1  }
0xe5: {  	(v2sf) =	vpush v37, $0x7  }
0xe6: {  	s2 =	spop (v2sf);
	[tilespmem:v32+s0+$0x0] =	vst.idx.msk $0xffff, v34  }
0xe7: {  	(v2sf) =	vpush v37, $0x8;
	[tilespmem:s14], [sflag:$0x1] =	stream.strided.gather [hbm4b:s2+s14], $0x1000, s12, s14, $0x38;
	[tilespmem:$0x12E00] =	vst v63  }
0xe8: {  	s2 =	spop (v2sf)  }
0xe9: {  	(v2sf) =	vpush v37, $0x9;
	[tilespmem:s15], [sflag:$0x1] =	stream.strided.gather [hbm4b:s2+s14], $0x1000, s12, s14, $0x38;
	[tilespmem:$0x12E00] =	vst v63  }
0xea: {  	s2 =	spop (v2sf)  }
0xeb: {  	(v2sf) =	vpush v37, $0xA;
	[tilespmem:s16], [sflag:$0x1] =	stream.strided.gather [hbm4b:s2+s14], $0x1000, s12, s14, $0x38;
	[tilespmem:$0x12E00] =	vst v63  }
0xec: {  	s2 =	spop (v2sf)  }
0xed: {  	(v2sf) =	vpush v37, $0xB;
	[tilespmem:s17], [sflag:$0x1] =	stream.strided.gather [hbm4b:s2+s14], $0x1000, s12, s14, $0x38;
	[tilespmem:$0x12E00] =	vst v63  }
0xee: {  	s2 =	spop (v2sf)  }
0xef: {  	(v2sf) =	vpush v37, $0xC;
	[tilespmem:s18], [sflag:$0x1] =	stream.strided.gather [hbm4b:s2+s14], $0x1000, s12, s14, $0x38;
	[tilespmem:$0x12E00] =	vst v63  }
0xf0: {  	s2 =	spop (v2sf)  }
0xf1: {  	(v2sf) =	vpush v37, $0xD;
	[tilespmem:s19], [sflag:$0x1] =	stream.strided.gather [hbm4b:s2+s14], $0x1000, s12, s14, $0x38;
	[tilespmem:$0x12E00] =	vst v63  }
0xf2: {  	s2 =	spop (v2sf)  }
0xf3: {  	(v2sf) =	vpush v37, $0xE;
	[tilespmem:s20], [sflag:$0x1] =	stream.strided.gather [hbm4b:s2+s14], $0x1000, s12, s14, $0x38;
	[tilespmem:$0x12E00] =	vst v63  }
0xf4: {  	s2 =	spop (v2sf)  }
0xf5: {  	(v2sf) =	vpush v37, $0xF;
	[tilespmem:s21], [sflag:$0x1] =	stream.strided.gather [hbm4b:s2+s14], $0x1000, s12, s14, $0x38;
	[tilespmem:$0x12E00] =	vst v63  }
0xf6: {  	s2 =	spop (v2sf)  }
0xf7: {  	[tilespmem:s22], [sflag:$0x1] =	stream.strided.gather [hbm4b:s2+s14], $0x1000, s12, s14, $0x38;
	[tilespmem:$0x12E00] =	vst v63  }
0xf8: {  	s2 =	spop (v2sf)  }
0xf9: {  	[tilespmem:s23], [sflag:$0x1] =	stream.strided.gather [hbm4b:s2+s14], $0x1000, s12, s14, $0x38;
	[tilespmem:$0x12E00] =	vst v63  }
0xfa: {  	s2 =	spop (v2sf)  }
0xfb: {  	[tilespmem:s24], [sflag:$0x1] =	stream.strided.gather [hbm4b:s2+s14], $0x1000, s12, s14, $0x38;
	[tilespmem:$0x12E00] =	vst v63  }
0xfc: {  	s2 =	spop (v2sf)  }
0xfd: {  	[tilespmem:s25], [sflag:$0x1] =	stream.strided.gather [hbm4b:s2+s14], $0x1000, s12, s14, $0x38;
	[tilespmem:$0x12E00] =	vst v63  }
0xfe: {  	s2 =	spop (v2sf)  }
0xff: {  	[tilespmem:s26], [sflag:$0x1] =	stream.strided.gather [hbm4b:s2+s14], $0x1000, s12, s14, $0x38;
	[tilespmem:$0x12E00] =	vst v63  }
0x100: {  	s2 =	spop (v2sf)  }
0x101: {  	[tilespmem:s28], [sflag:$0x1] =	stream.strided.gather [hbm4b:s2+s14], $0x1000, s12, s14, $0x38;
	[tilespmem:$0x12E00] =	vst v63  }
0x102: {  	s2 =	spop (v2sf)  }
0x103: {  	[tilespmem:s29], [sflag:$0x1] =	stream.strided.gather [hbm4b:s2+s14], $0x1000, s12, s14, $0x38;
	[tilespmem:$0x12E00] =	vst v63  }
0x104: {  	s2 =	spop (v2sf)  }
0x105: {  	[tilespmem:s30], [sflag:$0x1] =	stream.strided.gather [hbm4b:s2+s14], $0x1000, s12, s14, $0x38;
	[tilespmem:$0x12E00] =	vst v63  }
0x106: {  	_ =	swait.ge [sflag:s31], $0x1000  }
0x107: {  	[sflag:s31] =	ssyncset.done $0x0  }
0x108: {  	[sflag:s31] =	ssyncadd.s32 $0xFFFFF000  }
0x109: {  	_ =	swait.ge [sflag:s31], $0x1000  }
0x10a: {  	[sflag:s31] =	ssyncset.done $0x0  }
0x10b: {  	[sflag:s31] =	ssyncadd.s32 $0xFFFFF000  }
0x10c: {  	_ =	swait.ge [sflag:s31], $0x1000  }
0x10d: {  	[sflag:s31] =	ssyncset.done $0x0  }
0x10e: {  	[sflag:s31] =	ssyncadd.s32 $0xFFFFF000  }
0x10f: {  	_ =	swait.ge [sflag:s31], $0x1000  }
0x110: {  	[sflag:s31] =	ssyncset.done $0x0  }
0x111: {  	[sflag:s31] =	ssyncadd.s32 $0xFFFFF000  }
0x112: {  	_ =	swait.ge [sflag:s31], $0x1000  }
0x113: {  	[sflag:s31] =	ssyncset.done $0x0  }
0x114: {  	[sflag:s31] =	ssyncadd.s32 $0xFFFFF000  }
0x115: {  	_ =	swait.ge [sflag:s31], $0x1000  }
0x116: {  	[sflag:s31] =	ssyncset.done $0x0  }
0x117: {  	[sflag:s31] =	ssyncadd.s32 $0xFFFFF000  }
0x118: {  	_ =	swait.ge [sflag:s31], $0x1000  }
0x119: {  	[sflag:s31] =	ssyncset.done $0x0  }
0x11a: {  	[sflag:s31] =	ssyncadd.s32 $0xFFFFF000  }
0x11b: {  	_ =	swait.ge [sflag:s31], $0x1000  }
0x11c: {  	[sflag:s31] =	ssyncset.done $0x0  }
0x11d: {  	[sflag:s31] =	ssyncadd.s32 $0xFFFFF000  }
0x11e: {  	_ =	swait.ge [sflag:s31], $0x1000  }
0x11f: {  	[sflag:s31] =	ssyncset.done $0x0  }
0x120: {  	[sflag:s31] =	ssyncadd.s32 $0xFFFFF000  }
0x121: {  	_ =	swait.ge [sflag:s31], $0x1000  }
0x122: {  	[sflag:s31] =	ssyncset.done $0x0  }
0x123: {  	[sflag:s31] =	ssyncadd.s32 $0xFFFFF000  }
0x124: {  	_ =	swait.ge [sflag:s31], $0x1000  }
0x125: {  	[sflag:s31] =	ssyncset.done $0x0  }
0x126: {  	[sflag:s31] =	ssyncadd.s32 $0xFFFFF000  }
0x127: {  	_ =	swait.ge [sflag:s31], $0x1000  }
0x128: {  	[sflag:s31] =	ssyncset.done $0x0  }
0x129: {  	[sflag:s31] =	ssyncadd.s32 $0xFFFFF000  }
0x12a: {  	_ =	swait.ge [sflag:s31], $0x1000  }
0x12b: {  	[sflag:s31] =	ssyncset.done $0x0  }
0x12c: {  	v49 =	vsub.s32 $0x0, v47;
	[sflag:s31] =	ssyncadd.s32 $0xFFFFF000  }
0x12d: {  	v34 =	vsel vm15, $0xFFF0BE00, v49;
	_ =	swait.ge [sflag:s31], $0x1000  }
0x12e: {  	v34 =	vadd.s32 v33, v34;
	[sflag:s31] =	ssyncset.done $0x0  }
0x12f: {  	v50 =	vsel vm15, $0x11000, v1;
	v34 =	vand.u32 $0xFFFFFF80, v34;
	[sflag:s31] =	ssyncadd.s32 $0xFFFFF000  }
0x130: {  	v33 =	vand.u32 $0x7F, v33;
	v51 =	vadd.s32 v50, v34;
	_ =	swait.ge [sflag:s31], $0x1000  }
0x131: {  	v36 =	vor.u32 v33, v51;
	v33 =	vor.u32 v50, v33;
	[sflag:s31] =	ssyncset.done $0x0  }
0x132: {  	v33 =	vadd.s32 v33, v34;
	[sflag:s31] =	ssyncadd.s32 $0xFFFFF000  }
0x133: {  	v34 =	vadd.s32 $0x80, v33;
	_ =	swait.ge [sflag:s31], $0x1000  }
0x134: {  	[sflag:s31] =	ssyncset.done $0x0  }
0x135: {  	v52 =	vadd.s32 $0x100, v33;
	[sflag:s31] =	ssyncadd.s32 $0xFFFFF000  }
0x136: {  	v36 =	vld.idx.msk [tilespmem:v36+s14+$0x0], $0xffff  }
0x137: {  	v54 =	vadd.s32 $0x180, v33;
	v53 =	vld.idx.msk [tilespmem:v0+s0+$0x0], $0xffff  }
0x138: {  	v34 =	vld.idx.msk [tilespmem:v34+s14+$0x0], $0xffff  }
0x139: {  	v40 =	vadd.s32 $0x200, v33;
	v39 =	vld.idx.msk [tilespmem:v2+s0+$0x0], $0xffff  }
0x13a: {  	v35 =	vld.idx.msk [tilespmem:v52+s14+$0x0], $0xffff  }
0x13b: {  	v42 =	vadd.s32 $0x280, v33;
	v41 =	vld.idx.msk [tilespmem:v3+s0+$0x0], $0xffff  }
0x13c: {  	v55 =	vld.idx.msk [tilespmem:v54+s14+$0x0], $0xffff;
	v36 =	vmul.f32 v53, v36  }
0x13d: {  	v43 =	vadd.s32 $0x300, v33;
	v56 =	vld.idx.msk [tilespmem:v4+s0+$0x0], $0xffff  }
0x13e: {  	v57 =	vld.idx.msk [tilespmem:v40+s14+$0x0], $0xffff;
	v34 =	vmul.f32 v39, v34;
	v36 =	vadd.f32 $0.0e+00, v36  }
0x13f: {  	v44 =	vadd.s32 $0x380, v33;
	v58 =	vld.idx.msk [tilespmem:v5+s0+$0x0], $0xffff  }
0x140: {  	v59 =	vld.idx.msk [tilespmem:v42+s14+$0x0], $0xffff;
	v35 =	vmul.f32 v41, v35;
	v34 =	vadd.f32 v34, v36  }
0x141: {  	v61 =	vadd.s32 $0x400, v33;
	v60 =	vld.idx.msk [tilespmem:v6+s0+$0x0], $0xffff  }
0x142: {  	v63 =	vld.idx.msk [tilespmem:v43+s14+$0x0], $0xffff;
	v62 =	vmul.f32 v56, v55;
	v34 =	vadd.f32 v35, v34  }
0x143: {  	v49 =	vadd.s32 $0x480, v33;
	v48 =	vld.idx.msk [tilespmem:v7+s0+$0x0], $0xffff  }
0x144: {  	v51 =	vld.idx.msk [tilespmem:v44+s14+$0x0], $0xffff;
	v50 =	vmul.f32 v58, v57;
	v34 =	vadd.f32 v62, v34  }
0x145: {  	v52 =	vld.idx.msk [tilespmem:v8+s0+$0x0], $0xffff  }
0x146: {  	v53 =	vadd.s32 $0x500, v33;
	v54 =	vmul.f32 v60, v59;
	v55 =	vld.idx.msk [tilespmem:v61+s14+$0x0], $0xffff;
	v34 =	vadd.f32 v50, v34  }
0x147: {  	v56 =	vld.idx.msk [tilespmem:v9+s0+$0x0], $0xffff;
	v57 =	vadd.s32 $0x580, v33  }
0x148: {  	v58 =	vmul.f32 v48, v63;
	v59 =	vld.idx.msk [tilespmem:v49+s14+$0x0], $0xffff;
	v34 =	vadd.f32 v54, v34  }
0x149: {  	v60 =	vld.idx.msk [tilespmem:v10+s0+$0x0], $0xffff;
	v61 =	vadd.s32 $0x600, v33  }
0x14a: {  	v48 =	vld.idx.msk [tilespmem:v11+s0+$0x0], $0xffff;
	v62 =	vmul.f32 v52, v51;
	v34 =	vadd.f32 v58, v34  }
0x14b: {  	v49 =	vadd.s32 $0x680, v33;
	v63 =	vld.idx.msk [tilespmem:v53+s14+$0x0], $0xffff  }
0x14c: {  	v51 =	vld.idx.msk [tilespmem:v57+s14+$0x0], $0xffff;
	v50 =	vmul.f32 v56, v55;
	v34 =	vadd.f32 v62, v34  }
0x14d: {  	v53 =	vadd.s32 $0x700, v33;
	v52 =	vld.idx.msk [tilespmem:v12+s0+$0x0], $0xffff  }
0x14e: {  	v55 =	vld.idx.msk [tilespmem:v61+s14+$0x0], $0xffff;
	v54 =	vmul.f32 v60, v59;
	v34 =	vadd.f32 v50, v34  }
0x14f: {  	v57 =	vadd.s32 $0x780, v33;
	v56 =	vld.idx.msk [tilespmem:v13+s0+$0x0], $0xffff  }
0x150: {  	v59 =	vld.idx.msk [tilespmem:v49+s14+$0x0], $0xffff;
	v58 =	vmul.f32 v48, v63;
	v34 =	vadd.f32 v54, v34  }
0x151: {  	v61 =	vadd.s32 $0x800, v33;
	v60 =	vld.idx.msk [tilespmem:v14+s0+$0x0], $0xffff  }
0x152: {  	v63 =	vld.idx.msk [tilespmem:v53+s14+$0x0], $0xffff;
	v62 =	vmul.f32 v52, v51;
	v34 =	vadd.f32 v58, v34  }
0x153: {  	v49 =	vadd.s32 $0x880, v33;
	v48 =	vld.idx.msk [tilespmem:v15+s0+$0x0], $0xffff  }
0x154: {  	v51 =	vld.idx.msk [tilespmem:v57+s14+$0x0], $0xffff;
	v50 =	vmul.f32 v56, v55;
	v34 =	vadd.f32 v62, v34  }
0x155: {  	v53 =	vadd.s32 $0x900, v33;
	v52 =	vld.idx.msk [tilespmem:v16+s0+$0x0], $0xffff  }
0x156: {  	v55 =	vld.idx.msk [tilespmem:v61+s14+$0x0], $0xffff;
	v54 =	vmul.f32 v60, v59;
	v34 =	vadd.f32 v50, v34  }
0x157: {  	v57 =	vadd.s32 $0x980, v33;
	v56 =	vld.idx.msk [tilespmem:v17+s0+$0x0], $0xffff  }
0x158: {  	v59 =	vld.idx.msk [tilespmem:v49+s14+$0x0], $0xffff;
	v58 =	vmul.f32 v48, v63;
	v34 =	vadd.f32 v54, v34  }
0x159: {  	v61 =	vadd.s32 $0xA00, v33;
	v60 =	vld.idx.msk [tilespmem:v18+s0+$0x0], $0xffff  }
0x15a: {  	v63 =	vld.idx.msk [tilespmem:v53+s14+$0x0], $0xffff;
	v62 =	vmul.f32 v52, v51;
	v34 =	vadd.f32 v58, v34  }
0x15b: {  	v49 =	vadd.s32 $0xA80, v33;
	v48 =	vld.idx.msk [tilespmem:v19+s0+$0x0], $0xffff  }
0x15c: {  	v51 =	vld.idx.msk [tilespmem:v57+s14+$0x0], $0xffff;
	v50 =	vmul.f32 v56, v55;
	v34 =	vadd.f32 v62, v34  }
0x15d: {  	v53 =	vadd.s32 $0xB00, v33;
	v52 =	vld.idx.msk [tilespmem:v20+s0+$0x0], $0xffff  }
0x15e: {  	v55 =	vld.idx.msk [tilespmem:v61+s14+$0x0], $0xffff;
	v54 =	vmul.f32 v60, v59;
	v34 =	vadd.f32 v50, v34  }
0x15f: {  	v57 =	vadd.s32 $0xB80, v33;
	v56 =	vld.idx.msk [tilespmem:v21+s0+$0x0], $0xffff  }
0x160: {  	v59 =	vld.idx.msk [tilespmem:v49+s14+$0x0], $0xffff;
	v58 =	vmul.f32 v48, v63;
	v34 =	vadd.f32 v54, v34  }
0x161: {  	v61 =	vadd.s32 $0xC00, v33;
	v60 =	vld.idx.msk [tilespmem:v22+s0+$0x0], $0xffff  }
0x162: {  	v63 =	vld.idx.msk [tilespmem:v53+s14+$0x0], $0xffff;
	v62 =	vmul.f32 v52, v51;
	v34 =	vadd.f32 v58, v34  }
0x163: {  	v49 =	vadd.s32 $0xC80, v33;
	v48 =	vld.idx.msk [tilespmem:v23+s0+$0x0], $0xffff  }
0x164: {  	v51 =	vld.idx.msk [tilespmem:v57+s14+$0x0], $0xffff;
	v50 =	vmul.f32 v56, v55;
	v34 =	vadd.f32 v62, v34  }
0x165: {  	v52 =	vld.idx.msk [tilespmem:v24+s0+$0x0], $0xffff  }
0x166: {  	v53 =	vadd.s32 $0xD00, v33;
	v55 =	vld.idx.msk [tilespmem:v61+s14+$0x0], $0xffff;
	v54 =	vmul.f32 v60, v59;
	v34 =	vadd.f32 v50, v34  }
0x167: {  	v56 =	vld.idx.msk [tilespmem:v25+s0+$0x0], $0xffff  }
0x168: {  	v57 =	vadd.s32 $0xD80, v33;
	v59 =	vld.idx.msk [tilespmem:v49+s14+$0x0], $0xffff;
	v58 =	vmul.f32 v48, v63;
	v34 =	vadd.f32 v54, v34  }
0x169: {  	v60 =	vld.idx.msk [tilespmem:v26+s0+$0x0], $0xffff  }
0x16a: {  	v45 =	vld.idx.msk [tilespmem:v27+s0+$0x0], $0xffff;
	v61 =	vadd.s32 $0xE00, v33;
	v62 =	vmul.f32 v52, v51;
	v34 =	vadd.f32 v58, v34  }
0x16b: {  	v46 =	vadd.s32 $0xE80, v33;
	v63 =	vld.idx.msk [tilespmem:v53+s14+$0x0], $0xffff  }
0x16c: {  	v49 =	vld.idx.msk [tilespmem:v28+s0+$0x0], $0xffff;
	v47 =	vmul.f32 v56, v55;
	v34 =	vadd.f32 v62, v34  }
0x16d: {  	v48 =	vld.idx.msk [tilespmem:v57+s14+$0x0], $0xffff  }
0x16e: {  	v53 =	vld.idx.msk [tilespmem:v29+s0+$0x0], $0xffff;
	v51 =	vmul.f32 v60, v59;
	v50 =	vadd.s32 $0xF00, v33;
	v34 =	vadd.f32 v47, v34  }
0x16f: {  	v52 =	vld.idx.msk [tilespmem:v61+s14+$0x0], $0xffff  }
0x170: {  	v55 =	vld.idx.msk [tilespmem:v46+s14+$0x0], $0xffff;
	v33 =	vadd.s32 $0xF80, v33;
	v54 =	vmul.f32 v45, v63;
	v34 =	vadd.f32 v51, v34  }
0x171: {  	v56 =	vld.idx.msk [tilespmem:v30+s0+$0x0], $0xffff  }
0x172: {  	v59 =	vld.idx.msk [tilespmem:v31+s0+$0x0], $0xffff;
	v57 =	vmul.f32 v49, v48;
	v34 =	vadd.f32 v54, v34  }
0x173: {  	v58 =	vld.idx.msk [tilespmem:v50+s14+$0x0], $0xffff  }
0x174: {  	v61 =	vld.idx.msk [tilespmem:v32+s0+$0x0], $0xffff;
	v60 =	vmul.f32 v53, v52;
	v34 =	vadd.f32 v57, v34  }
0x175: {  	v33 =	vld.idx.msk [tilespmem:v33+s14+$0x0], $0xffff  }
0x176: {  	v62 =	vmul.f32 v56, v55;
	v34 =	vadd.f32 v60, v34;
	_ =	sdelay $0x1  }
0x177: {  	v63 =	vmul.f32 v59, v58;
	v34 =	vadd.f32 v62, v34  }
0x178: {  	p0 =	sne.s32 s11, $0x7C0  }
.Ltmp0:
0x179: {  	v33 =	vmul.f32 v61, v33;
	v34 =	vadd.f32 v63, v34;
	(pc) =	sbr.rel @p0 .LBB2_2-.Ltmp0, $3  }
0x17a: {  	_ = 	snop  }
0x17b: {  	v33 =	vadd.f32 v33, v34;
	_ =	sdelay $0x1  }
0x17c: {  	s11 =	sadd.s32 $0x40, s11;
	[tilespmem:s13+$0x12C00] =	vst v33  }
0x17d: {  	s10 =	sadd.s32 $0x1, s10  }
0x17e: {  	p0 =	sne.s32 s10, s8  }
.Ltmp1:
0x17f: {  	s2 =	simm.s32 $0x12C00;
	(pc) =	sbr.rel @p0 .LBB2_1-.Ltmp1, $4  }
0x180: {  	[hbm4b:s7+s1] =	stream.linear.scatter [tilespmem:s2], [sflag:$0x2], $0x200, $0x38;
	[tilespmem:$0x12E00] =	vst v63  }
0x181: {  	_ =	swait.ge [sflag:s9], $0x200  }
0x182: {  	[sflag:s9] =	ssyncset.done $0x0  }
0x183: {  	[sflag:s9] =	ssyncadd.s32 $0xFFFFFE00  }
0x184: {  	_ =	sfence.sel $0x180000  }
0x185: {  	[bflag:$0x0] =	sbarrier.arrive $0xFFFF  }
0x186: {  	_ =	strace $0x90000047  }
0x187: {  	s0 =	stileid.u32;
	[bflag:$0x2] =	sbarrier.arrive $0xFFFF  }
0x188: {  	p0 =	sne.s32 s0, $0x0;
	s0 =	rddreg [dreg:$0x6]  }
0x189: {  	s0 =	sadd.s32 @!p0 $0x100000, s0  }
0x18a: {  	[sflag:s0] =	ssyncadd.tile.s32 @!p0 $0x1;
	_ =	shalt  }
.Lfunc_end2:
_tile_overlayer_lowered:
.L_overlay_start_2:
0x18b: {  	(tag) =	ssettag $0x2  }
0x18c: {  	s0 =	rddreg [dreg:$0x0];
	s2 =	stileid.u32  }
0x18d: {  	s1 =	rddreg [dreg:$0x1];
	p0 =	sne.s32 s2, $0x0  }
0x18e: {  	s3 =	rddreg [dreg:$0x2];
	[bflag:$0x3] =	sbarrier.arrive $0xFFFF;
	s2 =	simm.s32 @!p0 $0x1C02  }
0x18f: {  	[timem:s3], [sflag:s2] =	dma.local @!p0 [hbm:s0], s1  }
0x190: {  	s0 =	simm.s32 @!p0 $0x2  }
0x191: {  	_ =	swait.ge @!p0 [sflag:s0], s1  }
0x192: {  	s1 =	ssub.s32 @!p0 $0x0, s1;
	[sflag:s0] =	ssyncset.done @!p0 $0x0  }
0x193: {  	[sflag:s0] =	ssyncadd.s32 @!p0 s1  }
0x194: {  	[bflag:$0x3] =	sbarrier.arrive $0xFFFF  }
0x195: {  	_ =	shalt  }

</sc_bundles>
